<compile_context>
chip_gen: v7x
topology: tpu7x:2x2x1
jax: 0.10.2.dev20260603
libtpu: 0.0.44.dev20260713+nightly
codegen_flags: <defaults>
</compile_context>

<pallas_src>
import functools

import jax
import jax.numpy as jnp
from jax import lax
from jax.experimental import pallas as pl
from jax.experimental.pallas import tpu as pltpu
from jax.experimental.pallas import tpu_sc as plsc

N_NODES = 10000
NPAD = 10240
NC = 2
NS = 16
NW = NC * NS
CH = 128
ROWS_PER_TILE = NPAD // NS
DEG_W = 16
BM = 1024


RND = 4
SC0_FRAC_NUM, SC0_FRAC_DEN = 1, 2


def _split_chunks(k2):
    k0 = (k2 * SC0_FRAC_NUM // SC0_FRAC_DEN) // RND * RND
    return k0, k2 - k0


def _make_sc_agg(D, k):
    mesh = plsc.VectorSubcoreMesh(core_axis_name="c", subcore_axis_name="s")
    k0, k1 = _split_chunks(2 * k)
    assert k0 % RND == 0 and k1 % RND == 0

    scratch = (
        [pltpu.VMEM((RND, CH), jnp.int32),
         pltpu.VMEM((RND, CH), jnp.int32)]
        + [pltpu.VMEM((CH, D), jnp.float32) for _ in range(RND)]
        + [pltpu.VMEM_SHARED((NPAD, D), jnp.float32),
           pltpu.VMEM_SHARED((NPAD, D), jnp.float32)]
        + [pltpu.SemaphoreType.DMA for _ in range(2 * RND)]
    )

    @functools.partial(
        pl.kernel,
        mesh=mesh,
        out_type=jax.ShapeDtypeStruct((NC, NPAD, D), jnp.float32),
        scratch_types=scratch,
        compiler_params=pltpu.CompilerParams(use_tc_tiling_on_sc=False),
    )
    def agg(tab_hbm, src_hbm, dst_hbm, zeros_hbm, out_hbm,
            sidx, didx, *rest):
        bufs = rest[:RND]
        acc = rest[RND]
        tabs = rest[RND + 1]
        gsem = rest[RND + 2:2 * RND + 2]
        ssem = rest[2 * RND + 2:]
        c = lax.axis_index("c")
        s = lax.axis_index("s")
        base = jnp.where(c == 0, s * k0, NS * k0 + s * k1)
        rounds = jnp.where(c == 0, k0 // RND, k1 // RND)
        r0 = s * ROWS_PER_TILE
        pltpu.sync_copy(zeros_hbm.at[pl.ds(r0, ROWS_PER_TILE)],
                        acc.at[pl.ds(r0, ROWS_PER_TILE)])
        pltpu.sync_copy(tab_hbm.at[pl.ds(r0, ROWS_PER_TILE)],
                        tabs.at[pl.ds(r0, ROWS_PER_TILE)])
        plsc.subcore_barrier()

        def round_body(t, carry):
            j0 = base + t * RND
            pltpu.sync_copy(src_hbm.at[pl.ds(j0, RND)], sidx)
            pltpu.sync_copy(dst_hbm.at[pl.ds(j0, RND)], didx)
            gd = [pltpu.async_copy(tabs.at[sidx.at[u]], bufs[u], gsem[u])
                  for u in range(RND)]
            sd = []
            for u in range(RND):
                gd[u].wait()
                sd.append(pltpu.async_copy(bufs[u], acc.at[didx.at[u]],
                                           ssem[u], add=True))
            for u in range(RND):
                sd[u].wait()
            return carry

        lax.fori_loop(0, rounds, round_body, 0)
        plsc.subcore_barrier()
        pltpu.sync_copy(acc.at[pl.ds(r0, ROWS_PER_TILE)],
                        out_hbm.at[c, pl.ds(r0, ROWS_PER_TILE)])

    return agg


def _make_sc_agg2(D, k2):
    mesh = plsc.VectorSubcoreMesh(core_axis_name="c", subcore_axis_name="s")
    assert k2 % RND == 0

    scratch = (
        [pltpu.VMEM((RND, CH), jnp.int32),
         pltpu.VMEM((RND, CH), jnp.int32)]
        + [pltpu.VMEM((CH, D), jnp.float32) for _ in range(RND)]
        + [pltpu.VMEM_SHARED((NPAD, D), jnp.float32),
           pltpu.VMEM_SHARED((NPAD, D), jnp.float32)]
        + [pltpu.SemaphoreType.DMA for _ in range(2 * RND)]
    )

    @functools.partial(
        pl.kernel,
        mesh=mesh,
        out_type=jax.ShapeDtypeStruct((NC, NPAD, D), jnp.float32),
        scratch_types=scratch,
        compiler_params=pltpu.CompilerParams(use_tc_tiling_on_sc=False),
    )
    def agg2(taba_hbm, tabb_hbm, src_hbm, dst_hbm, zeros_hbm, out_hbm,
             sidx, didx, *rest):
        bufs = rest[:RND]
        acc = rest[RND]
        tabs = rest[RND + 1]
        gsem = rest[RND + 2:2 * RND + 2]
        ssem = rest[2 * RND + 2:]
        c = lax.axis_index("c")
        s = lax.axis_index("s")
        base = s * k2
        r0 = s * ROWS_PER_TILE
        pltpu.sync_copy(zeros_hbm.at[pl.ds(r0, ROWS_PER_TILE)],
                        acc.at[pl.ds(r0, ROWS_PER_TILE)])

        @pl.when(c == 0)
        def _():
            pltpu.sync_copy(taba_hbm.at[pl.ds(r0, ROWS_PER_TILE)],
                            tabs.at[pl.ds(r0, ROWS_PER_TILE)])

        @pl.when(c == 1)
        def _():
            pltpu.sync_copy(tabb_hbm.at[pl.ds(r0, ROWS_PER_TILE)],
                            tabs.at[pl.ds(r0, ROWS_PER_TILE)])

        plsc.subcore_barrier()

        def round_body(t, carry):
            j0 = base + t * RND
            pltpu.sync_copy(src_hbm.at[pl.ds(j0, RND)], sidx)
            pltpu.sync_copy(dst_hbm.at[pl.ds(j0, RND)], didx)
            gd = [pltpu.async_copy(tabs.at[sidx.at[u]], bufs[u], gsem[u])
                  for u in range(RND)]
            sd = []
            for u in range(RND):
                gd[u].wait()
                sd.append(pltpu.async_copy(bufs[u], acc.at[didx.at[u]],
                                           ssem[u], add=True))
            for u in range(RND):
                sd[u].wait()
            return carry

        lax.fori_loop(0, k2 // RND, round_body, 0)
        plsc.subcore_barrier()
        pltpu.sync_copy(acc.at[pl.ds(r0, ROWS_PER_TILE)],
                        out_hbm.at[c, pl.ds(r0, ROWS_PER_TILE)])

    return agg2


def _make_sc_deg(k):
    mesh = plsc.VectorSubcoreMesh(core_axis_name="c", subcore_axis_name="s")
    k0, k1 = _split_chunks(2 * k)

    kmax = max(k0, k1)
    scratch = [
        pltpu.VMEM((kmax, CH), jnp.int32),
        pltpu.VMEM((CH, DEG_W), jnp.float32),
        pltpu.VMEM_SHARED((NPAD, DEG_W), jnp.float32),
        pltpu.SemaphoreType.DMA,
    ]

    @functools.partial(
        pl.kernel,
        mesh=mesh,
        out_type=jax.ShapeDtypeStruct((NC, NPAD, DEG_W), jnp.float32),
        scratch_types=scratch,
        compiler_params=pltpu.CompilerParams(use_tc_tiling_on_sc=False),
    )
    def deg(dst_hbm, zeros_hbm, out_hbm, didx_v, rows_v, acc, sem):
        c = lax.axis_index("c")
        s = lax.axis_index("s")
        base = jnp.where(c == 0, s * k0, NS * k0 + s * k1)
        nch = jnp.where(c == 0, k0, k1)
        r0 = s * ROWS_PER_TILE
        pltpu.sync_copy(zeros_hbm.at[pl.ds(r0, ROWS_PER_TILE)],
                        acc.at[pl.ds(r0, ROWS_PER_TILE)])
        pltpu.sync_copy(dst_hbm.at[pl.ds(base, kmax)], didx_v)
        ones = jnp.full((16,), 1.0, jnp.float32)
        for i in range(CH):
            rows_v[i, :] = ones
        plsc.subcore_barrier()

        def fire(j, carry):
            pltpu.async_copy(rows_v, acc.at[didx_v.at[j]], sem, add=True)
            return carry

        def drain(j, carry):
            pltpu.make_async_copy(rows_v, acc.at[didx_v.at[j]], sem).wait()
            return carry

        lax.fori_loop(0, nch, fire, 0)
        lax.fori_loop(0, nch, drain, 0)
        plsc.subcore_barrier()
        pltpu.sync_copy(acc.at[pl.ds(r0, ROWS_PER_TILE)],
                        out_hbm.at[c, pl.ds(r0, ROWS_PER_TILE)])

    return deg


def _tc_matmul(x, w):
    m, kdim = x.shape
    n = w.shape[1]

    def body(x_ref, w_ref, o_ref):
        o_ref[...] = jnp.dot(x_ref[...], w_ref[...],
                             preferred_element_type=jnp.float32)

    return pl.pallas_call(
        body,
        grid=(m // BM,),
        in_specs=[
            pl.BlockSpec((BM, kdim), lambda i: (i, 0)),
            pl.BlockSpec((kdim, n), lambda i: (0, 0)),
        ],
        out_specs=pl.BlockSpec((BM, n), lambda i: (i, 0)),
        out_shape=jax.ShapeDtypeStruct((m, n), jnp.float32),
    )(x, w)


def _dinv_of(pd_blk):
    return lax.rsqrt(pd_blk[0, :, 0:1] + pd_blk[1, :, 0:1] + 1.0)


def _tc_scale(h, pdeg):
    m, n = h.shape
    hh = n // 2

    def body(h_ref, pd_ref, oa_ref, ob_ref):
        dinv = _dinv_of(pd_ref[...])
        hs = h_ref[...] * dinv
        oa_ref[...] = hs[:, :hh]
        ob_ref[...] = hs[:, hh:]

    return pl.pallas_call(
        body,
        grid=(m // BM,),
        in_specs=[
            pl.BlockSpec((BM, n), lambda i: (i, 0)),
            pl.BlockSpec((2, BM, DEG_W), lambda i: (0, i, 0)),
        ],
        out_specs=[
            pl.BlockSpec((BM, hh), lambda i: (i, 0)),
            pl.BlockSpec((BM, hh), lambda i: (i, 0)),
        ],
        out_shape=[
            jax.ShapeDtypeStruct((m, hh), jnp.float32),
            jax.ShapeDtypeStruct((m, hh), jnp.float32),
        ],
    )(h, pdeg)


def _tc_mid(p1, hsa, hsb, pdeg, b1, w2):
    m, hh = hsa.shape
    n2 = w2.shape[1]

    def body(p_ref, hsa_ref, hsb_ref, pd_ref, b1_ref, w2_ref, o_ref):
        dinv = _dinv_of(pd_ref[...])
        outa = dinv * (p_ref[0] + hsa_ref[...])
        outb = dinv * (p_ref[1] + hsb_ref[...])
        out1 = jnp.concatenate([outa, outb], axis=1) + b1_ref[...]
        a = jnp.maximum(out1, 0.0)
        o_ref[...] = dinv * jnp.dot(a, w2_ref[...],
                                    preferred_element_type=jnp.float32)

    part = pl.BlockSpec((2, BM, hh), lambda i: (0, i, 0))
    half = pl.BlockSpec((BM, hh), lambda i: (i, 0))
    return pl.pallas_call(
        body,
        grid=(m // BM,),
        in_specs=[part, half, half,
                  pl.BlockSpec((2, BM, DEG_W), lambda i: (0, i, 0)),
                  pl.BlockSpec((1, 2 * hh), lambda i: (0, 0)),
                  pl.BlockSpec((2 * hh, n2), lambda i: (0, 0))],
        out_specs=pl.BlockSpec((BM, n2), lambda i: (i, 0)),
        out_shape=jax.ShapeDtypeStruct((m, n2), jnp.float32),
    )(p1, hsa, hsb, pdeg, b1, w2)


def _tc_final(p2, hs2, pdeg, b2, n_out):
    m, n = hs2.shape
    bm = 1000
    assert n_out % bm == 0

    def body(p_ref, hs2_ref, pd_ref, b2_ref, o_ref):
        dinv = _dinv_of(pd_ref[...])
        o_ref[...] = dinv * (p_ref[0] + p_ref[1] + hs2_ref[...]) + b2_ref[...]

    return pl.pallas_call(
        body,
        grid=(n_out // bm,),
        in_specs=[
            pl.BlockSpec((2, bm, n), lambda i: (0, i, 0)),
            pl.BlockSpec((bm, n), lambda i: (i, 0)),
            pl.BlockSpec((2, bm, DEG_W), lambda i: (0, i, 0)),
            pl.BlockSpec((1, n), lambda i: (0, 0)),
        ],
        out_specs=pl.BlockSpec((bm, n), lambda i: (i, 0)),
        out_shape=jax.ShapeDtypeStruct((n_out, n), jnp.float32),
    )(p2, hs2, pdeg, b2)


def kernel(x, edge_index, W1, b1, W2, b2):
    n, in_dim = x.shape
    hid = W1.shape[1]
    out_dim = W2.shape[1]
    e = edge_index.shape[1]
    k = -(-e // (NW * CH))
    k += (-k) % RND
    epad = NW * CH * k
    k0, k1 = _split_chunks(2 * k)
    tail = max(k0, k1) - k1

    src = edge_index[0].astype(jnp.int32)
    dst = edge_index[1].astype(jnp.int32)
    fill = jnp.full((epad - e + tail * CH,), n, jnp.int32)
    src_p = jnp.concatenate([src, fill]).reshape(NW // 2 * (k0 + k1) + tail, CH)
    dst_p = jnp.concatenate([dst, fill]).reshape(NW // 2 * (k0 + k1) + tail, CH)

    x_p = jnp.pad(x, ((0, NPAD - n), (0, 0)))
    b1r = b1.reshape(1, hid)
    b2r = b2.reshape(1, out_dim)

    zeros_w = jnp.zeros((NPAD, DEG_W), jnp.float32)
    zeros_h2 = jnp.zeros((NPAD, hid // 2), jnp.float32)
    zeros_o = jnp.zeros((NPAD, out_dim), jnp.float32)

    pdeg = _make_sc_deg(k)(dst_p, zeros_w)
    h1 = _tc_matmul(x_p, W1)

    hs1a, hs1b = _tc_scale(h1, pdeg)
    p1 = _make_sc_agg2(hid // 2, 2 * k)(hs1a, hs1b, src_p, dst_p, zeros_h2)

    hs2 = _tc_mid(p1, hs1a, hs1b, pdeg, b1r, W2)
    p2 = _make_sc_agg(out_dim, k)(hs2, src_p, dst_p, zeros_o)

    return _tc_final(p2, hs2, pdeg, b2r, n)

# --- scband reference (transcript-rebuilt; emitter-appended) ---
"""Pipeline reference for scband-gcnlink-predictor-82274393522202 (READ-ONLY COPY).

The authoritative reference and input builder live on the scoring server;
editing this copy changes nothing except your own understanding.
"""

import jax, jax.numpy as jnp
import numpy as np

N_NODES = 10000
N_EDGES = 320000
IN_DIM = 128
HID_DIM = 128
OUT_DIM = 64


def _gcn_conv(x, edge_index, W, b, num_nodes):
    # PyG-style GCNConv: add self-loops, symmetric deg^{-1/2} normalization,
    # linear transform, then scatter-add aggregation to destination nodes.
    src = edge_index[0]
    dst = edge_index[1]
    self_idx = jnp.arange(num_nodes, dtype=edge_index.dtype)
    src = jnp.concatenate([src, self_idx], axis=0)
    dst = jnp.concatenate([dst, self_idx], axis=0)
    deg = jnp.zeros((num_nodes,), dtype=x.dtype).at[dst].add(1.0)
    deg_inv_sqrt = jnp.where(deg > 0, jax.lax.rsqrt(jnp.maximum(deg, 1e-12)), 0.0)
    norm = deg_inv_sqrt[src] * deg_inv_sqrt[dst]
    h = x @ W  # [N, out]
    msg = h[src] * norm[:, None]  # gather + scale
    out = jnp.zeros((num_nodes, W.shape[1]), dtype=x.dtype).at[dst].add(msg)
    return out + b


def setup_inputs(seed: int = 0) -> dict:
    key = jax.random.key(seed)
    k_x, k_e, k_w1, k_w2 = jax.random.split(key, 4)
    x = jax.random.normal(k_x, (N_NODES, IN_DIM), dtype=jnp.float32)
    edge_index = jax.random.randint(k_e, (2, N_EDGES), 0, N_NODES, dtype=jnp.int64)
    W1 = jax.random.normal(k_w1, (IN_DIM, HID_DIM), dtype=jnp.float32) * (1.0 / np.sqrt(IN_DIM))
    b1 = jnp.zeros((HID_DIM,), dtype=jnp.float32)
    W2 = jax.random.normal(k_w2, (HID_DIM, OUT_DIM), dtype=jnp.float32) * (1.0 / np.sqrt(HID_DIM))
    b2 = jnp.zeros((OUT_DIM,), dtype=jnp.float32)
    return {"x": x, "edge_index": edge_index, "W1": W1, "b1": b1, "W2": W2, "b2": b2}


def reference(x, edge_index, W1, b1, W2, b2):
    # forward(data): z = conv2(relu(conv1(x, edge_index)), edge_index)
    num_nodes = x.shape[0]
    h = _gcn_conv(x, edge_index, W1, b1, num_nodes)
    h = jax.nn.relu(h)
    z = _gcn_conv(h, edge_index, W2, b2, num_nodes)
    return z

if __name__ == "__main__":
    import jax
    _d = setup_inputs()
    print(jax.jit(kernel)(*tuple(_d.values())))

</pallas_src>

<mosaic_0001>
#map = affine_map<(d0, d1) -> (0, 0)>
#map1 = affine_map<(d0, d1) -> (0, 0, 0)>
module attributes {stable_mosaic.version = 14 : i64} {
  func.func @agg2(%arg0: i32, %arg1: i32, %arg2: memref<10240x64xf32, #tpu.memory_space<hbm>>, %arg3: memref<10240x64xf32, #tpu.memory_space<hbm>>, %arg4: memref<2560x128xi32, #tpu.memory_space<hbm>>, %arg5: memref<2560x128xi32, #tpu.memory_space<hbm>>, %arg6: memref<10240x64xf32, #tpu.memory_space<hbm>>, %arg7: memref<2x10240x64xf32, #tpu.memory_space<hbm>>, %arg8: memref<4x128xi32, #tpu.memory_space<vmem>>, %arg9: memref<4x128xi32, #tpu.memory_space<vmem>>, %arg10: memref<128x64xf32, #tpu.memory_space<vmem>>, %arg11: memref<128x64xf32, #tpu.memory_space<vmem>>, %arg12: memref<128x64xf32, #tpu.memory_space<vmem>>, %arg13: memref<128x64xf32, #tpu.memory_space<vmem>>, %arg14: memref<10240x64xf32, #tpu.memory_space<vmem_shared>>, %arg15: memref<10240x64xf32, #tpu.memory_space<vmem_shared>>, %arg16: memref<!tpu.dma_semaphore, #tpu.memory_space<semaphore_mem>>, %arg17: memref<!tpu.dma_semaphore, #tpu.memory_space<semaphore_mem>>, %arg18: memref<!tpu.dma_semaphore, #tpu.memory_space<semaphore_mem>>, %arg19: memref<!tpu.dma_semaphore, #tpu.memory_space<semaphore_mem>>, %arg20: memref<!tpu.dma_semaphore, #tpu.memory_space<semaphore_mem>>, %arg21: memref<!tpu.dma_semaphore, #tpu.memory_space<semaphore_mem>>, %arg22: memref<!tpu.dma_semaphore, #tpu.memory_space<semaphore_mem>>, %arg23: memref<!tpu.dma_semaphore, #tpu.memory_space<semaphore_mem>>) attributes {dimension_semantics = [#tpu.dimension_semantics<core_parallel>, #tpu.dimension_semantics<subcore_parallel>], iteration_bounds = array<i64: 2, 16>, scalar_prefetch = 0 : i64, scratch_operands = 16 : i64, tpu.core_type = #tpu.core_type<sc_vector_subcore>, window_params = [{transform_indices = #map}, {transform_indices = #map}, {transform_indices = #map}, {transform_indices = #map}, {transform_indices = #map}, {transform_indices = #map1}]} {
    %mul3A = arith.constant 160 : i32
    %mul3A_0 = arith.muli %arg1, %mul3A : i32
    %mul3A_1 = arith.constant 640 : i32
    %mul3A_2 = arith.muli %arg1, %mul3A_1 : i32
    "tpu.region"() ({
      %run_scoped3A = tpu.sem_alloc : memref<!tpu.dma_semaphore, #tpu.memory_space<semaphore_mem>>
      %dma_start3A = arith.constant 0 : i32
      %dma_start3A_16 = tpu.memref_slice %arg14[%mul3A_2, %dma_start3A] : memref<10240x64xf32, #tpu.memory_space<vmem_shared>> -> memref<640x64xf32, #tpu.memory_space<vmem_shared>>
      %dma_start3A_17 = arith.constant 0 : i32
      %dma_start3A_18 = tpu.memref_slice %arg6[%mul3A_2, %dma_start3A_17] : memref<10240x64xf32, #tpu.memory_space<hbm>> -> memref<640x64xf32, #tpu.memory_space<hbm>>
      tpu.enqueue_dma source(%dma_start3A_18 : memref<640x64xf32, #tpu.memory_space<hbm>>) target(%dma_start3A_16 : memref<640x64xf32, #tpu.memory_space<vmem_shared>>) target_semaphore(%run_scoped3A : memref<!tpu.dma_semaphore, #tpu.memory_space<semaphore_mem>>)
      %dma_wait3A = arith.constant 0 : i32
      %dma_wait3A_19 = tpu.memref_slice %arg14[%mul3A_2, %dma_wait3A] : memref<10240x64xf32, #tpu.memory_space<vmem_shared>> -> memref<640x64xf32, #tpu.memory_space<vmem_shared>>
      %dma_wait3A_20 = arith.constant 0 : i32
      %dma_wait3A_21 = tpu.memref_slice %arg6[%mul3A_2, %dma_wait3A_20] : memref<10240x64xf32, #tpu.memory_space<hbm>> -> memref<640x64xf32, #tpu.memory_space<hbm>>
      tpu.wait_dma2 semaphore(%run_scoped3A : memref<!tpu.dma_semaphore, #tpu.memory_space<semaphore_mem>>) src(%dma_wait3A_21 : memref<640x64xf32, #tpu.memory_space<hbm>>) dst(%dma_wait3A_19 : memref<640x64xf32, #tpu.memory_space<vmem_shared>>)
      tpu.yield
    }) : () -> ()
    %eq3A = arith.constant 0 : i32
    %eq3A_3 = arith.cmpi eq, %arg0, %eq3A : i32
    %convert_element_type3A = arith.extui %eq3A_3 : i1 to i32
    %cond3A = arith.constant 0 : i32
    %cond3A_4 = arith.cmpi ne, %convert_element_type3A, %cond3A : i32
    scf.if %cond3A_4 {
      "tpu.region"() ({
        %run_scoped3A = tpu.sem_alloc : memref<!tpu.dma_semaphore, #tpu.memory_space<semaphore_mem>>
        %dma_start3A = arith.constant 0 : i32
        %dma_start3A_16 = tpu.memref_slice %arg15[%mul3A_2, %dma_start3A] : memref<10240x64xf32, #tpu.memory_space<vmem_shared>> -> memref<640x64xf32, #tpu.memory_space<vmem_shared>>
        %dma_start3A_17 = arith.constant 0 : i32
        %dma_start3A_18 = tpu.memref_slice %arg2[%mul3A_2, %dma_start3A_17] : memref<10240x64xf32, #tpu.memory_space<hbm>> -> memref<640x64xf32, #tpu.memory_space<hbm>>
        tpu.enqueue_dma source(%dma_start3A_18 : memref<640x64xf32, #tpu.memory_space<hbm>>) target(%dma_start3A_16 : memref<640x64xf32, #tpu.memory_space<vmem_shared>>) target_semaphore(%run_scoped3A : memref<!tpu.dma_semaphore, #tpu.memory_space<semaphore_mem>>)
        %dma_wait3A = arith.constant 0 : i32
        %dma_wait3A_19 = tpu.memref_slice %arg15[%mul3A_2, %dma_wait3A] : memref<10240x64xf32, #tpu.memory_space<vmem_shared>> -> memref<640x64xf32, #tpu.memory_space<vmem_shared>>
        %dma_wait3A_20 = arith.constant 0 : i32
        %dma_wait3A_21 = tpu.memref_slice %arg2[%mul3A_2, %dma_wait3A_20] : memref<10240x64xf32, #tpu.memory_space<hbm>> -> memref<640x64xf32, #tpu.memory_space<hbm>>
        tpu.wait_dma2 semaphore(%run_scoped3A : memref<!tpu.dma_semaphore, #tpu.memory_space<semaphore_mem>>) src(%dma_wait3A_21 : memref<640x64xf32, #tpu.memory_space<hbm>>) dst(%dma_wait3A_19 : memref<640x64xf32, #tpu.memory_space<vmem_shared>>)
        tpu.yield
      }) : () -> ()
    } else {
    }
    %eq3A_5 = arith.constant 1 : i32
    %eq3A_6 = arith.cmpi eq, %arg0, %eq3A_5 : i32
    %convert_element_type3A_7 = arith.extui %eq3A_6 : i1 to i32
    %cond3A_8 = arith.constant 0 : i32
    %cond3A_9 = arith.cmpi ne, %convert_element_type3A_7, %cond3A_8 : i32
    scf.if %cond3A_9 {
      "tpu.region"() ({
        %run_scoped3A = tpu.sem_alloc : memref<!tpu.dma_semaphore, #tpu.memory_space<semaphore_mem>>
        %dma_start3A = arith.constant 0 : i32
        %dma_start3A_16 = tpu.memref_slice %arg15[%mul3A_2, %dma_start3A] : memref<10240x64xf32, #tpu.memory_space<vmem_shared>> -> memref<640x64xf32, #tpu.memory_space<vmem_shared>>
        %dma_start3A_17 = arith.constant 0 : i32
        %dma_start3A_18 = tpu.memref_slice %arg3[%mul3A_2, %dma_start3A_17] : memref<10240x64xf32, #tpu.memory_space<hbm>> -> memref<640x64xf32, #tpu.memory_space<hbm>>
        tpu.enqueue_dma source(%dma_start3A_18 : memref<640x64xf32, #tpu.memory_space<hbm>>) target(%dma_start3A_16 : memref<640x64xf32, #tpu.memory_space<vmem_shared>>) target_semaphore(%run_scoped3A : memref<!tpu.dma_semaphore, #tpu.memory_space<semaphore_mem>>)
        %dma_wait3A = arith.constant 0 : i32
        %dma_wait3A_19 = tpu.memref_slice %arg15[%mul3A_2, %dma_wait3A] : memref<10240x64xf32, #tpu.memory_space<vmem_shared>> -> memref<640x64xf32, #tpu.memory_space<vmem_shared>>
        %dma_wait3A_20 = arith.constant 0 : i32
        %dma_wait3A_21 = tpu.memref_slice %arg3[%mul3A_2, %dma_wait3A_20] : memref<10240x64xf32, #tpu.memory_space<hbm>> -> memref<640x64xf32, #tpu.memory_space<hbm>>
        tpu.wait_dma2 semaphore(%run_scoped3A : memref<!tpu.dma_semaphore, #tpu.memory_space<semaphore_mem>>) src(%dma_wait3A_21 : memref<640x64xf32, #tpu.memory_space<hbm>>) dst(%dma_wait3A_19 : memref<640x64xf32, #tpu.memory_space<vmem_shared>>)
        tpu.yield
      }) : () -> ()
    } else {
    }
    %barrier3A = arith.constant 0 : index
    tpu.barrier barrier_id(%barrier3A)
    %scan3A = arith.constant 0 : i32
    %scan3A_10 = arith.constant 0 : i32
    %scan3A_11 = arith.constant 40 : i32
    %scan3A_12 = arith.addi %scan3A_10, %scan3A_11 : i32
    %scan3A_13 = arith.constant 1 : i32
    scf.for %scan3A_16 = %scan3A_10 to %scan3A_12 step %scan3A_13  : i32 {
      %mul3A_17 = arith.constant 4 : i32
      %mul3A_18 = arith.muli %scan3A_16, %mul3A_17 : i32
      %add3A = arith.addi %mul3A_0, %mul3A_18 : i32
      "tpu.region"() ({
        %run_scoped3A = tpu.sem_alloc : memref<!tpu.dma_semaphore, #tpu.memory_space<semaphore_mem>>
        %dma_start3A_129 = arith.constant 0 : i32
        %dma_start3A_130 = tpu.memref_slice %arg4[%add3A, %dma_start3A_129] : memref<2560x128xi32, #tpu.memory_space<hbm>> -> memref<4x128xi32, #tpu.memory_space<hbm>>
        %dma_start3A_131 = arith.constant 0 : i32
        %dma_start3A_132 = tpu.memref_slice %arg4[%add3A, %dma_start3A_131] : memref<2560x128xi32, #tpu.memory_space<hbm>> -> memref<4x128xi32, #tpu.memory_space<hbm>>
        tpu.enqueue_dma source(%dma_start3A_132 : memref<4x128xi32, #tpu.memory_space<hbm>>) target(%arg8 : memref<4x128xi32, #tpu.memory_space<vmem>>) target_semaphore(%run_scoped3A : memref<!tpu.dma_semaphore, #tpu.memory_space<semaphore_mem>>)
        %dma_wait3A_133 = arith.constant 0 : i32
        %dma_wait3A_134 = tpu.memref_slice %arg4[%add3A, %dma_wait3A_133] : memref<2560x128xi32, #tpu.memory_space<hbm>> -> memref<4x128xi32, #tpu.memory_space<hbm>>
        %dma_wait3A_135 = arith.constant 0 : i32
        %dma_wait3A_136 = tpu.memref_slice %arg4[%add3A, %dma_wait3A_135] : memref<2560x128xi32, #tpu.memory_space<hbm>> -> memref<4x128xi32, #tpu.memory_space<hbm>>
        tpu.wait_dma2 semaphore(%run_scoped3A : memref<!tpu.dma_semaphore, #tpu.memory_space<semaphore_mem>>) src(%dma_wait3A_136 : memref<4x128xi32, #tpu.memory_space<hbm>>) dst(%arg8 : memref<4x128xi32, #tpu.memory_space<vmem>>)
        tpu.yield
      }) : () -> ()
      "tpu.region"() ({
        %run_scoped3A = tpu.sem_alloc : memref<!tpu.dma_semaphore, #tpu.memory_space<semaphore_mem>>
        %dma_start3A_129 = arith.constant 0 : i32
        %dma_start3A_130 = tpu.memref_slice %arg5[%add3A, %dma_start3A_129] : memref<2560x128xi32, #tpu.memory_space<hbm>> -> memref<4x128xi32, #tpu.memory_space<hbm>>
        %dma_start3A_131 = arith.constant 0 : i32
        %dma_start3A_132 = tpu.memref_slice %arg5[%add3A, %dma_start3A_131] : memref<2560x128xi32, #tpu.memory_space<hbm>> -> memref<4x128xi32, #tpu.memory_space<hbm>>
        tpu.enqueue_dma source(%dma_start3A_132 : memref<4x128xi32, #tpu.memory_space<hbm>>) target(%arg9 : memref<4x128xi32, #tpu.memory_space<vmem>>) target_semaphore(%run_scoped3A : memref<!tpu.dma_semaphore, #tpu.memory_space<semaphore_mem>>)
        %dma_wait3A_133 = arith.constant 0 : i32
        %dma_wait3A_134 = tpu.memref_slice %arg5[%add3A, %dma_wait3A_133] : memref<2560x128xi32, #tpu.memory_space<hbm>> -> memref<4x128xi32, #tpu.memory_space<hbm>>
        %dma_wait3A_135 = arith.constant 0 : i32
        %dma_wait3A_136 = tpu.memref_slice %arg5[%add3A, %dma_wait3A_135] : memref<2560x128xi32, #tpu.memory_space<hbm>> -> memref<4x128xi32, #tpu.memory_space<hbm>>
        tpu.wait_dma2 semaphore(%run_scoped3A : memref<!tpu.dma_semaphore, #tpu.memory_space<semaphore_mem>>) src(%dma_wait3A_136 : memref<4x128xi32, #tpu.memory_space<hbm>>) dst(%arg9 : memref<4x128xi32, #tpu.memory_space<vmem>>)
        tpu.yield
      }) : () -> ()
      %dma_start3A = arith.constant 0 : i32
      %dma_start3A_19 = arith.constant 0 : i32
      %dma_start3A_20 = tpu.memref_slice %arg8[%dma_start3A, %dma_start3A_19] : memref<4x128xi32, #tpu.memory_space<vmem>> -> memref<1x128xi32, #tpu.memory_space<vmem>>
      %dma_start3A_21 = tpu.memref_squeeze %dma_start3A_20 : memref<1x128xi32, #tpu.memory_space<vmem>> -> memref<128xi32, #tpu.memory_space<vmem>>
      %dma_start3A_22 = arith.constant 0 : i32
      %dma_start3A_23 = arith.constant 0 : i32
      %dma_start3A_24 = tpu.memref_slice %arg15[%dma_start3A_22, %dma_start3A_23] : memref<10240x64xf32, #tpu.memory_space<vmem_shared>> -> memref<10240x64xf32, #tpu.memory_space<vmem_shared>>
      tpu.enqueue_indirect_dma source(%dma_start3A_24 : memref<10240x64xf32, #tpu.memory_space<vmem_shared>>) target(%arg10 : memref<128x64xf32, #tpu.memory_space<vmem>>) offsets(%dma_start3A_21 : memref<128xi32, #tpu.memory_space<vmem>>) semaphore(%arg16 : memref<!tpu.dma_semaphore, #tpu.memory_space<semaphore_mem>>)
      %dma_start3A_25 = arith.constant 1 : i32
      %dma_start3A_26 = arith.constant 0 : i32
      %dma_start3A_27 = tpu.memref_slice %arg8[%dma_start3A_25, %dma_start3A_26] : memref<4x128xi32, #tpu.memory_space<vmem>> -> memref<1x128xi32, #tpu.memory_space<vmem>>
      %dma_start3A_28 = tpu.memref_squeeze %dma_start3A_27 : memref<1x128xi32, #tpu.memory_space<vmem>> -> memref<128xi32, #tpu.memory_space<vmem>>
      %dma_start3A_29 = arith.constant 0 : i32
      %dma_start3A_30 = arith.constant 0 : i32
      %dma_start3A_31 = tpu.memref_slice %arg15[%dma_start3A_29, %dma_start3A_30] : memref<10240x64xf32, #tpu.memory_space<vmem_shared>> -> memref<10240x64xf32, #tpu.memory_space<vmem_shared>>
      tpu.enqueue_indirect_dma source(%dma_start3A_31 : memref<10240x64xf32, #tpu.memory_space<vmem_shared>>) target(%arg11 : memref<128x64xf32, #tpu.memory_space<vmem>>) offsets(%dma_start3A_28 : memref<128xi32, #tpu.memory_space<vmem>>) semaphore(%arg17 : memref<!tpu.dma_semaphore, #tpu.memory_space<semaphore_mem>>)
      %dma_start3A_32 = arith.constant 2 : i32
      %dma_start3A_33 = arith.constant 0 : i32
      %dma_start3A_34 = tpu.memref_slice %arg8[%dma_start3A_32, %dma_start3A_33] : memref<4x128xi32, #tpu.memory_space<vmem>> -> memref<1x128xi32, #tpu.memory_space<vmem>>
      %dma_start3A_35 = tpu.memref_squeeze %dma_start3A_34 : memref<1x128xi32, #tpu.memory_space<vmem>> -> memref<128xi32, #tpu.memory_space<vmem>>
      %dma_start3A_36 = arith.constant 0 : i32
      %dma_start3A_37 = arith.constant 0 : i32
      %dma_start3A_38 = tpu.memref_slice %arg15[%dma_start3A_36, %dma_start3A_37] : memref<10240x64xf32, #tpu.memory_space<vmem_shared>> -> memref<10240x64xf32, #tpu.memory_space<vmem_shared>>
      tpu.enqueue_indirect_dma source(%dma_start3A_38 : memref<10240x64xf32, #tpu.memory_space<vmem_shared>>) target(%arg12 : memref<128x64xf32, #tpu.memory_space<vmem>>) offsets(%dma_start3A_35 : memref<128xi32, #tpu.memory_space<vmem>>) semaphore(%arg18 : memref<!tpu.dma_semaphore, #tpu.memory_space<semaphore_mem>>)
      %dma_start3A_39 = arith.constant 3 : i32
      %dma_start3A_40 = arith.constant 0 : i32
      %dma_start3A_41 = tpu.memref_slice %arg8[%dma_start3A_39, %dma_start3A_40] : memref<4x128xi32, #tpu.memory_space<vmem>> -> memref<1x128xi32, #tpu.memory_space<vmem>>
      %dma_start3A_42 = tpu.memref_squeeze %dma_start3A_41 : memref<1x128xi32, #tpu.memory_space<vmem>> -> memref<128xi32, #tpu.memory_space<vmem>>
      %dma_start3A_43 = arith.constant 0 : i32
      %dma_start3A_44 = arith.constant 0 : i32
      %dma_start3A_45 = tpu.memref_slice %arg15[%dma_start3A_43, %dma_start3A_44] : memref<10240x64xf32, #tpu.memory_space<vmem_shared>> -> memref<10240x64xf32, #tpu.memory_space<vmem_shared>>
      tpu.enqueue_indirect_dma source(%dma_start3A_45 : memref<10240x64xf32, #tpu.memory_space<vmem_shared>>) target(%arg13 : memref<128x64xf32, #tpu.memory_space<vmem>>) offsets(%dma_start3A_42 : memref<128xi32, #tpu.memory_space<vmem>>) semaphore(%arg19 : memref<!tpu.dma_semaphore, #tpu.memory_space<semaphore_mem>>)
      %dma_wait3A = arith.constant 0 : i32
      %dma_wait3A_46 = arith.constant 0 : i32
      %dma_wait3A_47 = tpu.memref_slice %arg8[%dma_wait3A, %dma_wait3A_46] : memref<4x128xi32, #tpu.memory_space<vmem>> -> memref<1x128xi32, #tpu.memory_space<vmem>>
      %dma_wait3A_48 = tpu.memref_squeeze %dma_wait3A_47 : memref<1x128xi32, #tpu.memory_space<vmem>> -> memref<128xi32, #tpu.memory_space<vmem>>
      %dma_wait3A_49 = arith.constant 0 : i32
      %dma_wait3A_50 = arith.constant 0 : i32
      %dma_wait3A_51 = tpu.memref_slice %arg15[%dma_wait3A_49, %dma_wait3A_50] : memref<10240x64xf32, #tpu.memory_space<vmem_shared>> -> memref<10240x64xf32, #tpu.memory_space<vmem_shared>>
      tpu.wait_indirect_dma semaphore(%arg16 : memref<!tpu.dma_semaphore, #tpu.memory_space<semaphore_mem>>) src(%dma_wait3A_51 : memref<10240x64xf32, #tpu.memory_space<vmem_shared>>) dst(%arg10 : memref<128x64xf32, #tpu.memory_space<vmem>>)
      %dma_start3A_52 = arith.constant 0 : i32
      %dma_start3A_53 = arith.constant 0 : i32
      %dma_start3A_54 = tpu.memref_slice %arg9[%dma_start3A_52, %dma_start3A_53] : memref<4x128xi32, #tpu.memory_space<vmem>> -> memref<1x128xi32, #tpu.memory_space<vmem>>
      %dma_start3A_55 = tpu.memref_squeeze %dma_start3A_54 : memref<1x128xi32, #tpu.memory_space<vmem>> -> memref<128xi32, #tpu.memory_space<vmem>>
      %dma_start3A_56 = arith.constant 0 : i32
      %dma_start3A_57 = arith.constant 0 : i32
      %dma_start3A_58 = tpu.memref_slice %arg14[%dma_start3A_56, %dma_start3A_57] : memref<10240x64xf32, #tpu.memory_space<vmem_shared>> -> memref<10240x64xf32, #tpu.memory_space<vmem_shared>>
      tpu.enqueue_indirect_dma source(%arg10 : memref<128x64xf32, #tpu.memory_space<vmem>>) target(%dma_start3A_58 : memref<10240x64xf32, #tpu.memory_space<vmem_shared>>) offsets(%dma_start3A_55 : memref<128xi32, #tpu.memory_space<vmem>>) semaphore(%arg20 : memref<!tpu.dma_semaphore, #tpu.memory_space<semaphore_mem>>) {add = true}
      %dma_wait3A_59 = arith.constant 1 : i32
      %dma_wait3A_60 = arith.constant 0 : i32
      %dma_wait3A_61 = tpu.memref_slice %arg8[%dma_wait3A_59, %dma_wait3A_60] : memref<4x128xi32, #tpu.memory_space<vmem>> -> memref<1x128xi32, #tpu.memory_space<vmem>>
      %dma_wait3A_62 = tpu.memref_squeeze %dma_wait3A_61 : memref<1x128xi32, #tpu.memory_space<vmem>> -> memref<128xi32, #tpu.memory_space<vmem>>
      %dma_wait3A_63 = arith.constant 0 : i32
      %dma_wait3A_64 = arith.constant 0 : i32
      %dma_wait3A_65 = tpu.memref_slice %arg15[%dma_wait3A_63, %dma_wait3A_64] : memref<10240x64xf32, #tpu.memory_space<vmem_shared>> -> memref<10240x64xf32, #tpu.memory_space<vmem_shared>>
      tpu.wait_indirect_dma semaphore(%arg17 : memref<!tpu.dma_semaphore, #tpu.memory_space<semaphore_mem>>) src(%dma_wait3A_65 : memref<10240x64xf32, #tpu.memory_space<vmem_shared>>) dst(%arg11 : memref<128x64xf32, #tpu.memory_space<vmem>>)
      %dma_start3A_66 = arith.constant 1 : i32
      %dma_start3A_67 = arith.constant 0 : i32
      %dma_start3A_68 = tpu.memref_slice %arg9[%dma_start3A_66, %dma_start3A_67] : memref<4x128xi32, #tpu.memory_space<vmem>> -> memref<1x128xi32, #tpu.memory_space<vmem>>
      %dma_start3A_69 = tpu.memref_squeeze %dma_start3A_68 : memref<1x128xi32, #tpu.memory_space<vmem>> -> memref<128xi32, #tpu.memory_space<vmem>>
      %dma_start3A_70 = arith.constant 0 : i32
      %dma_start3A_71 = arith.constant 0 : i32
      %dma_start3A_72 = tpu.memref_slice %arg14[%dma_start3A_70, %dma_start3A_71] : memref<10240x64xf32, #tpu.memory_space<vmem_shared>> -> memref<10240x64xf32, #tpu.memory_space<vmem_shared>>
      tpu.enqueue_indirect_dma source(%arg11 : memref<128x64xf32, #tpu.memory_space<vmem>>) target(%dma_start3A_72 : memref<10240x64xf32, #tpu.memory_space<vmem_shared>>) offsets(%dma_start3A_69 : memref<128xi32, #tpu.memory_space<vmem>>) semaphore(%arg21 : memref<!tpu.dma_semaphore, #tpu.memory_space<semaphore_mem>>) {add = true}
      %dma_wait3A_73 = arith.constant 2 : i32
      %dma_wait3A_74 = arith.constant 0 : i32
      %dma_wait3A_75 = tpu.memref_slice %arg8[%dma_wait3A_73, %dma_wait3A_74] : memref<4x128xi32, #tpu.memory_space<vmem>> -> memref<1x128xi32, #tpu.memory_space<vmem>>
      %dma_wait3A_76 = tpu.memref_squeeze %dma_wait3A_75 : memref<1x128xi32, #tpu.memory_space<vmem>> -> memref<128xi32, #tpu.memory_space<vmem>>
      %dma_wait3A_77 = arith.constant 0 : i32
      %dma_wait3A_78 = arith.constant 0 : i32
      %dma_wait3A_79 = tpu.memref_slice %arg15[%dma_wait3A_77, %dma_wait3A_78] : memref<10240x64xf32, #tpu.memory_space<vmem_shared>> -> memref<10240x64xf32, #tpu.memory_space<vmem_shared>>
      tpu.wait_indirect_dma semaphore(%arg18 : memref<!tpu.dma_semaphore, #tpu.memory_space<semaphore_mem>>) src(%dma_wait3A_79 : memref<10240x64xf32, #tpu.memory_space<vmem_shared>>) dst(%arg12 : memref<128x64xf32, #tpu.memory_space<vmem>>)
      %dma_start3A_80 = arith.constant 2 : i32
      %dma_start3A_81 = arith.constant 0 : i32
      %dma_start3A_82 = tpu.memref_slice %arg9[%dma_start3A_80, %dma_start3A_81] : memref<4x128xi32, #tpu.memory_space<vmem>> -> memref<1x128xi32, #tpu.memory_space<vmem>>
      %dma_start3A_83 = tpu.memref_squeeze %dma_start3A_82 : memref<1x128xi32, #tpu.memory_space<vmem>> -> memref<128xi32, #tpu.memory_space<vmem>>
      %dma_start3A_84 = arith.constant 0 : i32
      %dma_start3A_85 = arith.constant 0 : i32
      %dma_start3A_86 = tpu.memref_slice %arg14[%dma_start3A_84, %dma_start3A_85] : memref<10240x64xf32, #tpu.memory_space<vmem_shared>> -> memref<10240x64xf32, #tpu.memory_space<vmem_shared>>
      tpu.enqueue_indirect_dma source(%arg12 : memref<128x64xf32, #tpu.memory_space<vmem>>) target(%dma_start3A_86 : memref<10240x64xf32, #tpu.memory_space<vmem_shared>>) offsets(%dma_start3A_83 : memref<128xi32, #tpu.memory_space<vmem>>) semaphore(%arg22 : memref<!tpu.dma_semaphore, #tpu.memory_space<semaphore_mem>>) {add = true}
      %dma_wait3A_87 = arith.constant 3 : i32
      %dma_wait3A_88 = arith.constant 0 : i32
      %dma_wait3A_89 = tpu.memref_slice %arg8[%dma_wait3A_87, %dma_wait3A_88] : memref<4x128xi32, #tpu.memory_space<vmem>> -> memref<1x128xi32, #tpu.memory_space<vmem>>
      %dma_wait3A_90 = tpu.memref_squeeze %dma_wait3A_89 : memref<1x128xi32, #tpu.memory_space<vmem>> -> memref<128xi32, #tpu.memory_space<vmem>>
      %dma_wait3A_91 = arith.constant 0 : i32
      %dma_wait3A_92 = arith.constant 0 : i32
      %dma_wait3A_93 = tpu.memref_slice %arg15[%dma_wait3A_91, %dma_wait3A_92] : memref<10240x64xf32, #tpu.memory_space<vmem_shared>> -> memref<10240x64xf32, #tpu.memory_space<vmem_shared>>
      tpu.wait_indirect_dma semaphore(%arg19 : memref<!tpu.dma_semaphore, #tpu.memory_space<semaphore_mem>>) src(%dma_wait3A_93 : memref<10240x64xf32, #tpu.memory_space<vmem_shared>>) dst(%arg13 : memref<128x64xf32, #tpu.memory_space<vmem>>)
      %dma_start3A_94 = arith.constant 3 : i32
      %dma_start3A_95 = arith.constant 0 : i32
      %dma_start3A_96 = tpu.memref_slice %arg9[%dma_start3A_94, %dma_start3A_95] : memref<4x128xi32, #tpu.memory_space<vmem>> -> memref<1x128xi32, #tpu.memory_space<vmem>>
      %dma_start3A_97 = tpu.memref_squeeze %dma_start3A_96 : memref<1x128xi32, #tpu.memory_space<vmem>> -> memref<128xi32, #tpu.memory_space<vmem>>
      %dma_start3A_98 = arith.constant 0 : i32
      %dma_start3A_99 = arith.constant 0 : i32
      %dma_start3A_100 = tpu.memref_slice %arg14[%dma_start3A_98, %dma_start3A_99] : memref<10240x64xf32, #tpu.memory_space<vmem_shared>> -> memref<10240x64xf32, #tpu.memory_space<vmem_shared>>
      tpu.enqueue_indirect_dma source(%arg13 : memref<128x64xf32, #tpu.memory_space<vmem>>) target(%dma_start3A_100 : memref<10240x64xf32, #tpu.memory_space<vmem_shared>>) offsets(%dma_start3A_97 : memref<128xi32, #tpu.memory_space<vmem>>) semaphore(%arg23 : memref<!tpu.dma_semaphore, #tpu.memory_space<semaphore_mem>>) {add = true}
      %dma_wait3A_101 = arith.constant 0 : i32
      %dma_wait3A_102 = arith.constant 0 : i32
      %dma_wait3A_103 = tpu.memref_slice %arg9[%dma_wait3A_101, %dma_wait3A_102] : memref<4x128xi32, #tpu.memory_space<vmem>> -> memref<1x128xi32, #tpu.memory_space<vmem>>
      %dma_wait3A_104 = tpu.memref_squeeze %dma_wait3A_103 : memref<1x128xi32, #tpu.memory_space<vmem>> -> memref<128xi32, #tpu.memory_space<vmem>>
      %dma_wait3A_105 = arith.constant 0 : i32
      %dma_wait3A_106 = arith.constant 0 : i32
      %dma_wait3A_107 = tpu.memref_slice %arg14[%dma_wait3A_105, %dma_wait3A_106] : memref<10240x64xf32, #tpu.memory_space<vmem_shared>> -> memref<10240x64xf32, #tpu.memory_space<vmem_shared>>
      tpu.wait_indirect_dma semaphore(%arg20 : memref<!tpu.dma_semaphore, #tpu.memory_space<semaphore_mem>>) src(%arg10 : memref<128x64xf32, #tpu.memory_space<vmem>>) dst(%dma_wait3A_107 : memref<10240x64xf32, #tpu.memory_space<vmem_shared>>)
      %dma_wait3A_108 = arith.constant 1 : i32
      %dma_wait3A_109 = arith.constant 0 : i32
      %dma_wait3A_110 = tpu.memref_slice %arg9[%dma_wait3A_108, %dma_wait3A_109] : memref<4x128xi32, #tpu.memory_space<vmem>> -> memref<1x128xi32, #tpu.memory_space<vmem>>
      %dma_wait3A_111 = tpu.memref_squeeze %dma_wait3A_110 : memref<1x128xi32, #tpu.memory_space<vmem>> -> memref<128xi32, #tpu.memory_space<vmem>>
      %dma_wait3A_112 = arith.constant 0 : i32
      %dma_wait3A_113 = arith.constant 0 : i32
      %dma_wait3A_114 = tpu.memref_slice %arg14[%dma_wait3A_112, %dma_wait3A_113] : memref<10240x64xf32, #tpu.memory_space<vmem_shared>> -> memref<10240x64xf32, #tpu.memory_space<vmem_shared>>
      tpu.wait_indirect_dma semaphore(%arg21 : memref<!tpu.dma_semaphore, #tpu.memory_space<semaphore_mem>>) src(%arg11 : memref<128x64xf32, #tpu.memory_space<vmem>>) dst(%dma_wait3A_114 : memref<10240x64xf32, #tpu.memory_space<vmem_shared>>)
      %dma_wait3A_115 = arith.constant 2 : i32
      %dma_wait3A_116 = arith.constant 0 : i32
      %dma_wait3A_117 = tpu.memref_slice %arg9[%dma_wait3A_115, %dma_wait3A_116] : memref<4x128xi32, #tpu.memory_space<vmem>> -> memref<1x128xi32, #tpu.memory_space<vmem>>
      %dma_wait3A_118 = tpu.memref_squeeze %dma_wait3A_117 : memref<1x128xi32, #tpu.memory_space<vmem>> -> memref<128xi32, #tpu.memory_space<vmem>>
      %dma_wait3A_119 = arith.constant 0 : i32
      %dma_wait3A_120 = arith.constant 0 : i32
      %dma_wait3A_121 = tpu.memref_slice %arg14[%dma_wait3A_119, %dma_wait3A_120] : memref<10240x64xf32, #tpu.memory_space<vmem_shared>> -> memref<10240x64xf32, #tpu.memory_space<vmem_shared>>
      tpu.wait_indirect_dma semaphore(%arg22 : memref<!tpu.dma_semaphore, #tpu.memory_space<semaphore_mem>>) src(%arg12 : memref<128x64xf32, #tpu.memory_space<vmem>>) dst(%dma_wait3A_121 : memref<10240x64xf32, #tpu.memory_space<vmem_shared>>)
      %dma_wait3A_122 = arith.constant 3 : i32
      %dma_wait3A_123 = arith.constant 0 : i32
      %dma_wait3A_124 = tpu.memref_slice %arg9[%dma_wait3A_122, %dma_wait3A_123] : memref<4x128xi32, #tpu.memory_space<vmem>> -> memref<1x128xi32, #tpu.memory_space<vmem>>
      %dma_wait3A_125 = tpu.memref_squeeze %dma_wait3A_124 : memref<1x128xi32, #tpu.memory_space<vmem>> -> memref<128xi32, #tpu.memory_space<vmem>>
      %dma_wait3A_126 = arith.constant 0 : i32
      %dma_wait3A_127 = arith.constant 0 : i32
      %dma_wait3A_128 = tpu.memref_slice %arg14[%dma_wait3A_126, %dma_wait3A_127] : memref<10240x64xf32, #tpu.memory_space<vmem_shared>> -> memref<10240x64xf32, #tpu.memory_space<vmem_shared>>
      tpu.wait_indirect_dma semaphore(%arg23 : memref<!tpu.dma_semaphore, #tpu.memory_space<semaphore_mem>>) src(%arg13 : memref<128x64xf32, #tpu.memory_space<vmem>>) dst(%dma_wait3A_128 : memref<10240x64xf32, #tpu.memory_space<vmem_shared>>)
    }
    %scan3A_14 = arith.constant 40 : i32
    %barrier3A_15 = arith.constant 0 : index
    tpu.barrier barrier_id(%barrier3A_15)
    "tpu.region"() ({
      %run_scoped3A = tpu.sem_alloc : memref<!tpu.dma_semaphore, #tpu.memory_space<semaphore_mem>>
      %dma_start3A = arith.constant 0 : i32
      %dma_start3A_16 = tpu.memref_slice %arg7[%arg0, %mul3A_2, %dma_start3A] : memref<2x10240x64xf32, #tpu.memory_space<hbm>> -> memref<1x640x64xf32, #tpu.memory_space<hbm>>
      %dma_start3A_17 = tpu.memref_squeeze %dma_start3A_16 : memref<1x640x64xf32, #tpu.memory_space<hbm>> -> memref<640x64xf32, #tpu.memory_space<hbm>>
      %dma_start3A_18 = arith.constant 0 : i32
      %dma_start3A_19 = tpu.memref_slice %arg14[%mul3A_2, %dma_start3A_18] : memref<10240x64xf32, #tpu.memory_space<vmem_shared>> -> memref<640x64xf32, #tpu.memory_space<vmem_shared>>
      tpu.enqueue_dma source(%dma_start3A_19 : memref<640x64xf32, #tpu.memory_space<vmem_shared>>) target(%dma_start3A_17 : memref<640x64xf32, #tpu.memory_space<hbm>>) target_semaphore(%run_scoped3A : memref<!tpu.dma_semaphore, #tpu.memory_space<semaphore_mem>>)
      %dma_wait3A = arith.constant 0 : i32
      %dma_wait3A_20 = tpu.memref_slice %arg7[%arg0, %mul3A_2, %dma_wait3A] : memref<2x10240x64xf32, #tpu.memory_space<hbm>> -> memref<1x640x64xf32, #tpu.memory_space<hbm>>
      %dma_wait3A_21 = tpu.memref_squeeze %dma_wait3A_20 : memref<1x640x64xf32, #tpu.memory_space<hbm>> -> memref<640x64xf32, #tpu.memory_space<hbm>>
      %dma_wait3A_22 = arith.constant 0 : i32
      %dma_wait3A_23 = tpu.memref_slice %arg14[%mul3A_2, %dma_wait3A_22] : memref<10240x64xf32, #tpu.memory_space<vmem_shared>> -> memref<640x64xf32, #tpu.memory_space<vmem_shared>>
      tpu.wait_dma2 semaphore(%run_scoped3A : memref<!tpu.dma_semaphore, #tpu.memory_space<semaphore_mem>>) src(%dma_wait3A_23 : memref<640x64xf32, #tpu.memory_space<vmem_shared>>) dst(%dma_wait3A_21 : memref<640x64xf32, #tpu.memory_space<hbm>>)
      tpu.yield
    }) : () -> ()
    return
  }
}

#map = affine_map<(d0, d1) -> (0, 0)>
#map1 = affine_map<(d0, d1) -> (0, 0, 0)>
module attributes {stable_mosaic.version = 14 : i64} {
  func.func @deg(%arg0: i32, %arg1: i32, %arg2: memref<2560x128xi32, #tpu.memory_space<hbm>>, %arg3: memref<10240x16xf32, #tpu.memory_space<hbm>>, %arg4: memref<2x10240x16xf32, #tpu.memory_space<hbm>>, %arg5: memref<80x128xi32, #tpu.memory_space<vmem>>, %arg6: memref<128x16xf32, #tpu.memory_space<vmem>>, %arg7: memref<10240x16xf32, #tpu.memory_space<vmem_shared>>, %arg8: memref<!tpu.dma_semaphore, #tpu.memory_space<semaphore_mem>>) attributes {dimension_semantics = [#tpu.dimension_semantics<core_parallel>, #tpu.dimension_semantics<subcore_parallel>], iteration_bounds = array<i64: 2, 16>, scalar_prefetch = 0 : i64, scratch_operands = 4 : i64, tpu.core_type = #tpu.core_type<sc_vector_subcore>, window_params = [{transform_indices = #map}, {transform_indices = #map}, {transform_indices = #map1}]} {
    %eq3A = arith.constant 0 : i32
    %eq3A_0 = arith.cmpi eq, %arg0, %eq3A : i32
    %mul3A = arith.constant 80 : i32
    %mul3A_1 = arith.muli %arg1, %mul3A : i32
    %mul3A_2 = arith.constant 80 : i32
    %mul3A_3 = arith.muli %arg1, %mul3A_2 : i32
    %add3A = arith.constant 1280 : i32
    %add3A_4 = arith.addi %add3A, %mul3A_3 : i32
    %select_n3A = arith.select %eq3A_0, %mul3A_1, %add3A_4 : i32
    %eq3A_5 = arith.constant 0 : i32
    %eq3A_6 = arith.cmpi eq, %arg0, %eq3A_5 : i32
    %jit3A = arith.constant 80 : i32
    %jit3A_7 = arith.constant 80 : i32
    %select_n3A_8 = arith.select %eq3A_6, %jit3A, %jit3A_7 : i32
    %mul3A_9 = arith.constant 640 : i32
    %mul3A_10 = arith.muli %arg1, %mul3A_9 : i32
    "tpu.region"() ({
      %run_scoped3A = tpu.sem_alloc : memref<!tpu.dma_semaphore, #tpu.memory_space<semaphore_mem>>
      %dma_start3A = arith.constant 0 : i32
      %dma_start3A_799 = tpu.memref_slice %arg7[%mul3A_10, %dma_start3A] : memref<10240x16xf32, #tpu.memory_space<vmem_shared>> -> memref<640x16xf32, #tpu.memory_space<vmem_shared>>
      %dma_start3A_800 = arith.constant 0 : i32
      %dma_start3A_801 = tpu.memref_slice %arg3[%mul3A_10, %dma_start3A_800] : memref<10240x16xf32, #tpu.memory_space<hbm>> -> memref<640x16xf32, #tpu.memory_space<hbm>>
      tpu.enqueue_dma source(%dma_start3A_801 : memref<640x16xf32, #tpu.memory_space<hbm>>) target(%dma_start3A_799 : memref<640x16xf32, #tpu.memory_space<vmem_shared>>) target_semaphore(%run_scoped3A : memref<!tpu.dma_semaphore, #tpu.memory_space<semaphore_mem>>)
      %dma_wait3A = arith.constant 0 : i32
      %dma_wait3A_802 = tpu.memref_slice %arg7[%mul3A_10, %dma_wait3A] : memref<10240x16xf32, #tpu.memory_space<vmem_shared>> -> memref<640x16xf32, #tpu.memory_space<vmem_shared>>
      %dma_wait3A_803 = arith.constant 0 : i32
      %dma_wait3A_804 = tpu.memref_slice %arg3[%mul3A_10, %dma_wait3A_803] : memref<10240x16xf32, #tpu.memory_space<hbm>> -> memref<640x16xf32, #tpu.memory_space<hbm>>
      tpu.wait_dma2 semaphore(%run_scoped3A : memref<!tpu.dma_semaphore, #tpu.memory_space<semaphore_mem>>) src(%dma_wait3A_804 : memref<640x16xf32, #tpu.memory_space<hbm>>) dst(%dma_wait3A_802 : memref<640x16xf32, #tpu.memory_space<vmem_shared>>)
      tpu.yield
    }) : () -> ()
    "tpu.region"() ({
      %run_scoped3A = tpu.sem_alloc : memref<!tpu.dma_semaphore, #tpu.memory_space<semaphore_mem>>
      %dma_start3A = arith.constant 0 : i32
      %dma_start3A_799 = tpu.memref_slice %arg2[%select_n3A, %dma_start3A] : memref<2560x128xi32, #tpu.memory_space<hbm>> -> memref<80x128xi32, #tpu.memory_space<hbm>>
      %dma_start3A_800 = arith.constant 0 : i32
      %dma_start3A_801 = tpu.memref_slice %arg2[%select_n3A, %dma_start3A_800] : memref<2560x128xi32, #tpu.memory_space<hbm>> -> memref<80x128xi32, #tpu.memory_space<hbm>>
      tpu.enqueue_dma source(%dma_start3A_801 : memref<80x128xi32, #tpu.memory_space<hbm>>) target(%arg5 : memref<80x128xi32, #tpu.memory_space<vmem>>) target_semaphore(%run_scoped3A : memref<!tpu.dma_semaphore, #tpu.memory_space<semaphore_mem>>)
      %dma_wait3A = arith.constant 0 : i32
      %dma_wait3A_802 = tpu.memref_slice %arg2[%select_n3A, %dma_wait3A] : memref<2560x128xi32, #tpu.memory_space<hbm>> -> memref<80x128xi32, #tpu.memory_space<hbm>>
      %dma_wait3A_803 = arith.constant 0 : i32
      %dma_wait3A_804 = tpu.memref_slice %arg2[%select_n3A, %dma_wait3A_803] : memref<2560x128xi32, #tpu.memory_space<hbm>> -> memref<80x128xi32, #tpu.memory_space<hbm>>
      tpu.wait_dma2 semaphore(%run_scoped3A : memref<!tpu.dma_semaphore, #tpu.memory_space<semaphore_mem>>) src(%dma_wait3A_804 : memref<80x128xi32, #tpu.memory_space<hbm>>) dst(%arg5 : memref<80x128xi32, #tpu.memory_space<vmem>>)
      tpu.yield
    }) : () -> ()
    %broadcast_in_dim3A = arith.constant 1.000000e+00 : f32
    %broadcast_in_dim3A_11 = vector.broadcast %broadcast_in_dim3A : f32 to vector<16xf32>
    %swap3A = arith.constant 0 : i32
    %swap3A_12 = arith.index_cast %swap3A : i32 to index
    %swap3A_13 = arith.constant 0 : index
    %swap3A_14 = tpu.vector_load %arg6[%swap3A_12, %swap3A_13] {strides = array<i32>} : memref<128x16xf32, #tpu.memory_space<vmem>>, vector<1x16xf32>,
    %swap3A_15 = vector.shape_cast %swap3A_14 : vector<1x16xf32> to vector<16xf32>
    %swap3A_16 = vector.shape_cast %broadcast_in_dim3A_11 : vector<16xf32> to vector<1x16xf32>
    tpu.vector_store %arg6[%swap3A_12, %swap3A_13], %swap3A_16 {strides = array<i32>} : memref<128x16xf32, #tpu.memory_space<vmem>>, vector<1x16xf32>,
    %swap3A_17 = arith.constant 1 : i32
    %swap3A_18 = arith.index_cast %swap3A_17 : i32 to index
    %swap3A_19 = arith.constant 0 : index
    %swap3A_20 = tpu.vector_load %arg6[%swap3A_18, %swap3A_19] {strides = array<i32>} : memref<128x16xf32, #tpu.memory_space<vmem>>, vector<1x16xf32>,
    %swap3A_21 = vector.shape_cast %swap3A_20 : vector<1x16xf32> to vector<16xf32>
    %swap3A_22 = vector.shape_cast %broadcast_in_dim3A_11 : vector<16xf32> to vector<1x16xf32>
    tpu.vector_store %arg6[%swap3A_18, %swap3A_19], %swap3A_22 {strides = array<i32>} : memref<128x16xf32, #tpu.memory_space<vmem>>, vector<1x16xf32>,
    %swap3A_23 = arith.constant 2 : i32
    %swap3A_24 = arith.index_cast %swap3A_23 : i32 to index
    %swap3A_25 = arith.constant 0 : index
    %swap3A_26 = tpu.vector_load %arg6[%swap3A_24, %swap3A_25] {strides = array<i32>} : memref<128x16xf32, #tpu.memory_space<vmem>>, vector<1x16xf32>,
    %swap3A_27 = vector.shape_cast %swap3A_26 : vector<1x16xf32> to vector<16xf32>
    %swap3A_28 = vector.shape_cast %broadcast_in_dim3A_11 : vector<16xf32> to vector<1x16xf32>
    tpu.vector_store %arg6[%swap3A_24, %swap3A_25], %swap3A_28 {strides = array<i32>} : memref<128x16xf32, #tpu.memory_space<vmem>>, vector<1x16xf32>,
    %swap3A_29 = arith.constant 3 : i32
    %swap3A_30 = arith.index_cast %swap3A_29 : i32 to index
    %swap3A_31 = arith.constant 0 : index
    %swap3A_32 = tpu.vector_load %arg6[%swap3A_30, %swap3A_31] {strides = array<i32>} : memref<128x16xf32, #tpu.memory_space<vmem>>, vector<1x16xf32>,
    %swap3A_33 = vector.shape_cast %swap3A_32 : vector<1x16xf32> to vector<16xf32>
    %swap3A_34 = vector.shape_cast %broadcast_in_dim3A_11 : vector<16xf32> to vector<1x16xf32>
    tpu.vector_store %arg6[%swap3A_30, %swap3A_31], %swap3A_34 {strides = array<i32>} : memref<128x16xf32, #tpu.memory_space<vmem>>, vector<1x16xf32>,
    %swap3A_35 = arith.constant 4 : i32
    %swap3A_36 = arith.index_cast %swap3A_35 : i32 to index
    %swap3A_37 = arith.constant 0 : index
    %swap3A_38 = tpu.vector_load %arg6[%swap3A_36, %swap3A_37] {strides = array<i32>} : memref<128x16xf32, #tpu.memory_space<vmem>>, vector<1x16xf32>,
    %swap3A_39 = vector.shape_cast %swap3A_38 : vector<1x16xf32> to vector<16xf32>
    %swap3A_40 = vector.shape_cast %broadcast_in_dim3A_11 : vector<16xf32> to vector<1x16xf32>
    tpu.vector_store %arg6[%swap3A_36, %swap3A_37], %swap3A_40 {strides = array<i32>} : memref<128x16xf32, #tpu.memory_space<vmem>>, vector<1x16xf32>,
    %swap3A_41 = arith.constant 5 : i32
    %swap3A_42 = arith.index_cast %swap3A_41 : i32 to index
    %swap3A_43 = arith.constant 0 : index
    %swap3A_44 = tpu.vector_load %arg6[%swap3A_42, %swap3A_43] {strides = array<i32>} : memref<128x16xf32, #tpu.memory_space<vmem>>, vector<1x16xf32>,
    %swap3A_45 = vector.shape_cast %swap3A_44 : vector<1x16xf32> to vector<16xf32>
    %swap3A_46 = vector.shape_cast %broadcast_in_dim3A_11 : vector<16xf32> to vector<1x16xf32>
    tpu.vector_store %arg6[%swap3A_42, %swap3A_43], %swap3A_46 {strides = array<i32>} : memref<128x16xf32, #tpu.memory_space<vmem>>, vector<1x16xf32>,
    %swap3A_47 = arith.constant 6 : i32
    %swap3A_48 = arith.index_cast %swap3A_47 : i32 to index
    %swap3A_49 = arith.constant 0 : index
    %swap3A_50 = tpu.vector_load %arg6[%swap3A_48, %swap3A_49] {strides = array<i32>} : memref<128x16xf32, #tpu.memory_space<vmem>>, vector<1x16xf32>,
    %swap3A_51 = vector.shape_cast %swap3A_50 : vector<1x16xf32> to vector<16xf32>
    %swap3A_52 = vector.shape_cast %broadcast_in_dim3A_11 : vector<16xf32> to vector<1x16xf32>
    tpu.vector_store %arg6[%swap3A_48, %swap3A_49], %swap3A_52 {strides = array<i32>} : memref<128x16xf32, #tpu.memory_space<vmem>>, vector<1x16xf32>,
    %swap3A_53 = arith.constant 7 : i32
    %swap3A_54 = arith.index_cast %swap3A_53 : i32 to index
    %swap3A_55 = arith.constant 0 : index
    %swap3A_56 = tpu.vector_load %arg6[%swap3A_54, %swap3A_55] {strides = array<i32>} : memref<128x16xf32, #tpu.memory_space<vmem>>, vector<1x16xf32>,
    %swap3A_57 = vector.shape_cast %swap3A_56 : vector<1x16xf32> to vector<16xf32>
    %swap3A_58 = vector.shape_cast %broadcast_in_dim3A_11 : vector<16xf32> to vector<1x16xf32>
    tpu.vector_store %arg6[%swap3A_54, %swap3A_55], %swap3A_58 {strides = array<i32>} : memref<128x16xf32, #tpu.memory_space<vmem>>, vector<1x16xf32>,
    %swap3A_59 = arith.constant 8 : i32
    %swap3A_60 = arith.index_cast %swap3A_59 : i32 to index
    %swap3A_61 = arith.constant 0 : index
    %swap3A_62 = tpu.vector_load %arg6[%swap3A_60, %swap3A_61] {strides = array<i32>} : memref<128x16xf32, #tpu.memory_space<vmem>>, vector<1x16xf32>,
    %swap3A_63 = vector.shape_cast %swap3A_62 : vector<1x16xf32> to vector<16xf32>
    %swap3A_64 = vector.shape_cast %broadcast_in_dim3A_11 : vector<16xf32> to vector<1x16xf32>
    tpu.vector_store %arg6[%swap3A_60, %swap3A_61], %swap3A_64 {strides = array<i32>} : memref<128x16xf32, #tpu.memory_space<vmem>>, vector<1x16xf32>,
    %swap3A_65 = arith.constant 9 : i32
    %swap3A_66 = arith.index_cast %swap3A_65 : i32 to index
    %swap3A_67 = arith.constant 0 : index
    %swap3A_68 = tpu.vector_load %arg6[%swap3A_66, %swap3A_67] {strides = array<i32>} : memref<128x16xf32, #tpu.memory_space<vmem>>, vector<1x16xf32>,
    %swap3A_69 = vector.shape_cast %swap3A_68 : vector<1x16xf32> to vector<16xf32>
    %swap3A_70 = vector.shape_cast %broadcast_in_dim3A_11 : vector<16xf32> to vector<1x16xf32>
    tpu.vector_store %arg6[%swap3A_66, %swap3A_67], %swap3A_70 {strides = array<i32>} : memref<128x16xf32, #tpu.memory_space<vmem>>, vector<1x16xf32>,
    %swap3A_71 = arith.constant 10 : i32
    %swap3A_72 = arith.index_cast %swap3A_71 : i32 to index
    %swap3A_73 = arith.constant 0 : index
    %swap3A_74 = tpu.vector_load %arg6[%swap3A_72, %swap3A_73] {strides = array<i32>} : memref<128x16xf32, #tpu.memory_space<vmem>>, vector<1x16xf32>,
    %swap3A_75 = vector.shape_cast %swap3A_74 : vector<1x16xf32> to vector<16xf32>
    %swap3A_76 = vector.shape_cast %broadcast_in_dim3A_11 : vector<16xf32> to vector<1x16xf32>
    tpu.vector_store %arg6[%swap3A_72, %swap3A_73], %swap3A_76 {strides = array<i32>} : memref<128x16xf32, #tpu.memory_space<vmem>>, vector<1x16xf32>,
    %swap3A_77 = arith.constant 11 : i32
    %swap3A_78 = arith.index_cast %swap3A_77 : i32 to index
    %swap3A_79 = arith.constant 0 : index
    %swap3A_80 = tpu.vector_load %arg6[%swap3A_78, %swap3A_79] {strides = array<i32>} : memref<128x16xf32, #tpu.memory_space<vmem>>, vector<1x16xf32>,
    %swap3A_81 = vector.shape_cast %swap3A_80 : vector<1x16xf32> to vector<16xf32>
    %swap3A_82 = vector.shape_cast %broadcast_in_dim3A_11 : vector<16xf32> to vector<1x16xf32>
    tpu.vector_store %arg6[%swap3A_78, %swap3A_79], %swap3A_82 {strides = array<i32>} : memref<128x16xf32, #tpu.memory_space<vmem>>, vector<1x16xf32>,
    %swap3A_83 = arith.constant 12 : i32
    %swap3A_84 = arith.index_cast %swap3A_83 : i32 to index
    %swap3A_85 = arith.constant 0 : index
    %swap3A_86 = tpu.vector_load %arg6[%swap3A_84, %swap3A_85] {strides = array<i32>} : memref<128x16xf32, #tpu.memory_space<vmem>>, vector<1x16xf32>,
    %swap3A_87 = vector.shape_cast %swap3A_86 : vector<1x16xf32> to vector<16xf32>
    %swap3A_88 = vector.shape_cast %broadcast_in_dim3A_11 : vector<16xf32> to vector<1x16xf32>
    tpu.vector_store %arg6[%swap3A_84, %swap3A_85], %swap3A_88 {strides = array<i32>} : memref<128x16xf32, #tpu.memory_space<vmem>>, vector<1x16xf32>,
    %swap3A_89 = arith.constant 13 : i32
    %swap3A_90 = arith.index_cast %swap3A_89 : i32 to index
    %swap3A_91 = arith.constant 0 : index
    %swap3A_92 = tpu.vector_load %arg6[%swap3A_90, %swap3A_91] {strides = array<i32>} : memref<128x16xf32, #tpu.memory_space<vmem>>, vector<1x16xf32>,
    %swap3A_93 = vector.shape_cast %swap3A_92 : vector<1x16xf32> to vector<16xf32>
    %swap3A_94 = vector.shape_cast %broadcast_in_dim3A_11 : vector<16xf32> to vector<1x16xf32>
    tpu.vector_store %arg6[%swap3A_90, %swap3A_91], %swap3A_94 {strides = array<i32>} : memref<128x16xf32, #tpu.memory_space<vmem>>, vector<1x16xf32>,
    %swap3A_95 = arith.constant 14 : i32
    %swap3A_96 = arith.index_cast %swap3A_95 : i32 to index
    %swap3A_97 = arith.constant 0 : index
    %swap3A_98 = tpu.vector_load %arg6[%swap3A_96, %swap3A_97] {strides = array<i32>} : memref<128x16xf32, #tpu.memory_space<vmem>>, vector<1x16xf32>,
    %swap3A_99 = vector.shape_cast %swap3A_98 : vector<1x16xf32> to vector<16xf32>
    %swap3A_100 = vector.shape_cast %broadcast_in_dim3A_11 : vector<16xf32> to vector<1x16xf32>
    tpu.vector_store %arg6[%swap3A_96, %swap3A_97], %swap3A_100 {strides = array<i32>} : memref<128x16xf32, #tpu.memory_space<vmem>>, vector<1x16xf32>,
    %swap3A_101 = arith.constant 15 : i32
    %swap3A_102 = arith.index_cast %swap3A_101 : i32 to index
    %swap3A_103 = arith.constant 0 : index
    %swap3A_104 = tpu.vector_load %arg6[%swap3A_102, %swap3A_103] {strides = array<i32>} : memref<128x16xf32, #tpu.memory_space<vmem>>, vector<1x16xf32>,
    %swap3A_105 = vector.shape_cast %swap3A_104 : vector<1x16xf32> to vector<16xf32>
    %swap3A_106 = vector.shape_cast %broadcast_in_dim3A_11 : vector<16xf32> to vector<1x16xf32>
    tpu.vector_store %arg6[%swap3A_102, %swap3A_103], %swap3A_106 {strides = array<i32>} : memref<128x16xf32, #tpu.memory_space<vmem>>, vector<1x16xf32>,
    %swap3A_107 = arith.constant 16 : i32
    %swap3A_108 = arith.index_cast %swap3A_107 : i32 to index
    %swap3A_109 = arith.constant 0 : index
    %swap3A_110 = tpu.vector_load %arg6[%swap3A_108, %swap3A_109] {strides = array<i32>} : memref<128x16xf32, #tpu.memory_space<vmem>>, vector<1x16xf32>,
    %swap3A_111 = vector.shape_cast %swap3A_110 : vector<1x16xf32> to vector<16xf32>
    %swap3A_112 = vector.shape_cast %broadcast_in_dim3A_11 : vector<16xf32> to vector<1x16xf32>
    tpu.vector_store %arg6[%swap3A_108, %swap3A_109], %swap3A_112 {strides = array<i32>} : memref<128x16xf32, #tpu.memory_space<vmem>>, vector<1x16xf32>,
    %swap3A_113 = arith.constant 17 : i32
    %swap3A_114 = arith.index_cast %swap3A_113 : i32 to index
    %swap3A_115 = arith.constant 0 : index
    %swap3A_116 = tpu.vector_load %arg6[%swap3A_114, %swap3A_115] {strides = array<i32>} : memref<128x16xf32, #tpu.memory_space<vmem>>, vector<1x16xf32>,
    %swap3A_117 = vector.shape_cast %swap3A_116 : vector<1x16xf32> to vector<16xf32>
    %swap3A_118 = vector.shape_cast %broadcast_in_dim3A_11 : vector<16xf32> to vector<1x16xf32>
    tpu.vector_store %arg6[%swap3A_114, %swap3A_115], %swap3A_118 {strides = array<i32>} : memref<128x16xf32, #tpu.memory_space<vmem>>, vector<1x16xf32>,
    %swap3A_119 = arith.constant 18 : i32
    %swap3A_120 = arith.index_cast %swap3A_119 : i32 to index
    %swap3A_121 = arith.constant 0 : index
    %swap3A_122 = tpu.vector_load %arg6[%swap3A_120, %swap3A_121] {strides = array<i32>} : memref<128x16xf32, #tpu.memory_space<vmem>>, vector<1x16xf32>,
    %swap3A_123 = vector.shape_cast %swap3A_122 : vector<1x16xf32> to vector<16xf32>
    %swap3A_124 = vector.shape_cast %broadcast_in_dim3A_11 : vector<16xf32> to vector<1x16xf32>
    tpu.vector_store %arg6[%swap3A_120, %swap3A_121], %swap3A_124 {strides = array<i32>} : memref<128x16xf32, #tpu.memory_space<vmem>>, vector<1x16xf32>,
    %swap3A_125 = arith.constant 19 : i32
    %swap3A_126 = arith.index_cast %swap3A_125 : i32 to index
    %swap3A_127 = arith.constant 0 : index
    %swap3A_128 = tpu.vector_load %arg6[%swap3A_126, %swap3A_127] {strides = array<i32>} : memref<128x16xf32, #tpu.memory_space<vmem>>, vector<1x16xf32>,
    %swap3A_129 = vector.shape_cast %swap3A_128 : vector<1x16xf32> to vector<16xf32>
    %swap3A_130 = vector.shape_cast %broadcast_in_dim3A_11 : vector<16xf32> to vector<1x16xf32>
    tpu.vector_store %arg6[%swap3A_126, %swap3A_127], %swap3A_130 {strides = array<i32>} : memref<128x16xf32, #tpu.memory_space<vmem>>, vector<1x16xf32>,
    %swap3A_131 = arith.constant 20 : i32
    %swap3A_132 = arith.index_cast %swap3A_131 : i32 to index
    %swap3A_133 = arith.constant 0 : index
    %swap3A_134 = tpu.vector_load %arg6[%swap3A_132, %swap3A_133] {strides = array<i32>} : memref<128x16xf32, #tpu.memory_space<vmem>>, vector<1x16xf32>,
    %swap3A_135 = vector.shape_cast %swap3A_134 : vector<1x16xf32> to vector<16xf32>
    %swap3A_136 = vector.shape_cast %broadcast_in_dim3A_11 : vector<16xf32> to vector<1x16xf32>
    tpu.vector_store %arg6[%swap3A_132, %swap3A_133], %swap3A_136 {strides = array<i32>} : memref<128x16xf32, #tpu.memory_space<vmem>>, vector<1x16xf32>,
    %swap3A_137 = arith.constant 21 : i32
    %swap3A_138 = arith.index_cast %swap3A_137 : i32 to index
    %swap3A_139 = arith.constant 0 : index
    %swap3A_140 = tpu.vector_load %arg6[%swap3A_138, %swap3A_139] {strides = array<i32>} : memref<128x16xf32, #tpu.memory_space<vmem>>, vector<1x16xf32>,
    %swap3A_141 = vector.shape_cast %swap3A_140 : vector<1x16xf32> to vector<16xf32>
    %swap3A_142 = vector.shape_cast %broadcast_in_dim3A_11 : vector<16xf32> to vector<1x16xf32>
    tpu.vector_store %arg6[%swap3A_138, %swap3A_139], %swap3A_142 {strides = array<i32>} : memref<128x16xf32, #tpu.memory_space<vmem>>, vector<1x16xf32>,
    %swap3A_143 = arith.constant 22 : i32
    %swap3A_144 = arith.index_cast %swap3A_143 : i32 to index
    %swap3A_145 = arith.constant 0 : index
    %swap3A_146 = tpu.vector_load %arg6[%swap3A_144, %swap3A_145] {strides = array<i32>} : memref<128x16xf32, #tpu.memory_space<vmem>>, vector<1x16xf32>,
    %swap3A_147 = vector.shape_cast %swap3A_146 : vector<1x16xf32> to vector<16xf32>
    %swap3A_148 = vector.shape_cast %broadcast_in_dim3A_11 : vector<16xf32> to vector<1x16xf32>
    tpu.vector_store %arg6[%swap3A_144, %swap3A_145], %swap3A_148 {strides = array<i32>} : memref<128x16xf32, #tpu.memory_space<vmem>>, vector<1x16xf32>,
    %swap3A_149 = arith.constant 23 : i32
    %swap3A_150 = arith.index_cast %swap3A_149 : i32 to index
    %swap3A_151 = arith.constant 0 : index
    %swap3A_152 = tpu.vector_load %arg6[%swap3A_150, %swap3A_151] {strides = array<i32>} : memref<128x16xf32, #tpu.memory_space<vmem>>, vector<1x16xf32>,
    %swap3A_153 = vector.shape_cast %swap3A_152 : vector<1x16xf32> to vector<16xf32>
    %swap3A_154 = vector.shape_cast %broadcast_in_dim3A_11 : vector<16xf32> to vector<1x16xf32>
    tpu.vector_store %arg6[%swap3A_150, %swap3A_151], %swap3A_154 {strides = array<i32>} : memref<128x16xf32, #tpu.memory_space<vmem>>, vector<1x16xf32>,
    %swap3A_155 = arith.constant 24 : i32
    %swap3A_156 = arith.index_cast %swap3A_155 : i32 to index
    %swap3A_157 = arith.constant 0 : index
    %swap3A_158 = tpu.vector_load %arg6[%swap3A_156, %swap3A_157] {strides = array<i32>} : memref<128x16xf32, #tpu.memory_space<vmem>>, vector<1x16xf32>,
    %swap3A_159 = vector.shape_cast %swap3A_158 : vector<1x16xf32> to vector<16xf32>
    %swap3A_160 = vector.shape_cast %broadcast_in_dim3A_11 : vector<16xf32> to vector<1x16xf32>
    tpu.vector_store %arg6[%swap3A_156, %swap3A_157], %swap3A_160 {strides = array<i32>} : memref<128x16xf32, #tpu.memory_space<vmem>>, vector<1x16xf32>,
    %swap3A_161 = arith.constant 25 : i32
    %swap3A_162 = arith.index_cast %swap3A_161 : i32 to index
    %swap3A_163 = arith.constant 0 : index
    %swap3A_164 = tpu.vector_load %arg6[%swap3A_162, %swap3A_163] {strides = array<i32>} : memref<128x16xf32, #tpu.memory_space<vmem>>, vector<1x16xf32>,
    %swap3A_165 = vector.shape_cast %swap3A_164 : vector<1x16xf32> to vector<16xf32>
    %swap3A_166 = vector.shape_cast %broadcast_in_dim3A_11 : vector<16xf32> to vector<1x16xf32>
    tpu.vector_store %arg6[%swap3A_162, %swap3A_163], %swap3A_166 {strides = array<i32>} : memref<128x16xf32, #tpu.memory_space<vmem>>, vector<1x16xf32>,
    %swap3A_167 = arith.constant 26 : i32
    %swap3A_168 = arith.index_cast %swap3A_167 : i32 to index
    %swap3A_169 = arith.constant 0 : index
    %swap3A_170 = tpu.vector_load %arg6[%swap3A_168, %swap3A_169] {strides = array<i32>} : memref<128x16xf32, #tpu.memory_space<vmem>>, vector<1x16xf32>,
    %swap3A_171 = vector.shape_cast %swap3A_170 : vector<1x16xf32> to vector<16xf32>
    %swap3A_172 = vector.shape_cast %broadcast_in_dim3A_11 : vector<16xf32> to vector<1x16xf32>
    tpu.vector_store %arg6[%swap3A_168, %swap3A_169], %swap3A_172 {strides = array<i32>} : memref<128x16xf32, #tpu.memory_space<vmem>>, vector<1x16xf32>,
    %swap3A_173 = arith.constant 27 : i32
    %swap3A_174 = arith.index_cast %swap3A_173 : i32 to index
    %swap3A_175 = arith.constant 0 : index
    %swap3A_176 = tpu.vector_load %arg6[%swap3A_174, %swap3A_175] {strides = array<i32>} : memref<128x16xf32, #tpu.memory_space<vmem>>, vector<1x16xf32>,
    %swap3A_177 = vector.shape_cast %swap3A_176 : vector<1x16xf32> to vector<16xf32>
    %swap3A_178 = vector.shape_cast %broadcast_in_dim3A_11 : vector<16xf32> to vector<1x16xf32>
    tpu.vector_store %arg6[%swap3A_174, %swap3A_175], %swap3A_178 {strides = array<i32>} : memref<128x16xf32, #tpu.memory_space<vmem>>, vector<1x16xf32>,
    %swap3A_179 = arith.constant 28 : i32
    %swap3A_180 = arith.index_cast %swap3A_179 : i32 to index
    %swap3A_181 = arith.constant 0 : index
    %swap3A_182 = tpu.vector_load %arg6[%swap3A_180, %swap3A_181] {strides = array<i32>} : memref<128x16xf32, #tpu.memory_space<vmem>>, vector<1x16xf32>,
    %swap3A_183 = vector.shape_cast %swap3A_182 : vector<1x16xf32> to vector<16xf32>
    %swap3A_184 = vector.shape_cast %broadcast_in_dim3A_11 : vector<16xf32> to vector<1x16xf32>
    tpu.vector_store %arg6[%swap3A_180, %swap3A_181], %swap3A_184 {strides = array<i32>} : memref<128x16xf32, #tpu.memory_space<vmem>>, vector<1x16xf32>,
    %swap3A_185 = arith.constant 29 : i32
    %swap3A_186 = arith.index_cast %swap3A_185 : i32 to index
    %swap3A_187 = arith.constant 0 : index
    %swap3A_188 = tpu.vector_load %arg6[%swap3A_186, %swap3A_187] {strides = array<i32>} : memref<128x16xf32, #tpu.memory_space<vmem>>, vector<1x16xf32>,
    %swap3A_189 = vector.shape_cast %swap3A_188 : vector<1x16xf32> to vector<16xf32>
    %swap3A_190 = vector.shape_cast %broadcast_in_dim3A_11 : vector<16xf32> to vector<1x16xf32>
    tpu.vector_store %arg6[%swap3A_186, %swap3A_187], %swap3A_190 {strides = array<i32>} : memref<128x16xf32, #tpu.memory_space<vmem>>, vector<1x16xf32>,
    %swap3A_191 = arith.constant 30 : i32
    %swap3A_192 = arith.index_cast %swap3A_191 : i32 to index
    %swap3A_193 = arith.constant 0 : index
    %swap3A_194 = tpu.vector_load %arg6[%swap3A_192, %swap3A_193] {strides = array<i32>} : memref<128x16xf32, #tpu.memory_space<vmem>>, vector<1x16xf32>,
    %swap3A_195 = vector.shape_cast %swap3A_194 : vector<1x16xf32> to vector<16xf32>
    %swap3A_196 = vector.shape_cast %broadcast_in_dim3A_11 : vector<16xf32> to vector<1x16xf32>
    tpu.vector_store %arg6[%swap3A_192, %swap3A_193], %swap3A_196 {strides = array<i32>} : memref<128x16xf32, #tpu.memory_space<vmem>>, vector<1x16xf32>,
    %swap3A_197 = arith.constant 31 : i32
    %swap3A_198 = arith.index_cast %swap3A_197 : i32 to index
    %swap3A_199 = arith.constant 0 : index
    %swap3A_200 = tpu.vector_load %arg6[%swap3A_198, %swap3A_199] {strides = array<i32>} : memref<128x16xf32, #tpu.memory_space<vmem>>, vector<1x16xf32>,
    %swap3A_201 = vector.shape_cast %swap3A_200 : vector<1x16xf32> to vector<16xf32>
    %swap3A_202 = vector.shape_cast %broadcast_in_dim3A_11 : vector<16xf32> to vector<1x16xf32>
    tpu.vector_store %arg6[%swap3A_198, %swap3A_199], %swap3A_202 {strides = array<i32>} : memref<128x16xf32, #tpu.memory_space<vmem>>, vector<1x16xf32>,
    %swap3A_203 = arith.constant 32 : i32
    %swap3A_204 = arith.index_cast %swap3A_203 : i32 to index
    %swap3A_205 = arith.constant 0 : index
    %swap3A_206 = tpu.vector_load %arg6[%swap3A_204, %swap3A_205] {strides = array<i32>} : memref<128x16xf32, #tpu.memory_space<vmem>>, vector<1x16xf32>,
    %swap3A_207 = vector.shape_cast %swap3A_206 : vector<1x16xf32> to vector<16xf32>
    %swap3A_208 = vector.shape_cast %broadcast_in_dim3A_11 : vector<16xf32> to vector<1x16xf32>
    tpu.vector_store %arg6[%swap3A_204, %swap3A_205], %swap3A_208 {strides = array<i32>} : memref<128x16xf32, #tpu.memory_space<vmem>>, vector<1x16xf32>,
    %swap3A_209 = arith.constant 33 : i32
    %swap3A_210 = arith.index_cast %swap3A_209 : i32 to index
    %swap3A_211 = arith.constant 0 : index
    %swap3A_212 = tpu.vector_load %arg6[%swap3A_210, %swap3A_211] {strides = array<i32>} : memref<128x16xf32, #tpu.memory_space<vmem>>, vector<1x16xf32>,
    %swap3A_213 = vector.shape_cast %swap3A_212 : vector<1x16xf32> to vector<16xf32>
    %swap3A_214 = vector.shape_cast %broadcast_in_dim3A_11 : vector<16xf32> to vector<1x16xf32>
    tpu.vector_store %arg6[%swap3A_210, %swap3A_211], %swap3A_214 {strides = array<i32>} : memref<128x16xf32, #tpu.memory_space<vmem>>, vector<1x16xf32>,
    %swap3A_215 = arith.constant 34 : i32
    %swap3A_216 = arith.index_cast %swap3A_215 : i32 to index
    %swap3A_217 = arith.constant 0 : index
    %swap3A_218 = tpu.vector_load %arg6[%swap3A_216, %swap3A_217] {strides = array<i32>} : memref<128x16xf32, #tpu.memory_space<vmem>>, vector<1x16xf32>,
    %swap3A_219 = vector.shape_cast %swap3A_218 : vector<1x16xf32> to vector<16xf32>
    %swap3A_220 = vector.shape_cast %broadcast_in_dim3A_11 : vector<16xf32> to vector<1x16xf32>
    tpu.vector_store %arg6[%swap3A_216, %swap3A_217], %swap3A_220 {strides = array<i32>} : memref<128x16xf32, #tpu.memory_space<vmem>>, vector<1x16xf32>,
    %swap3A_221 = arith.constant 35 : i32
    %swap3A_222 = arith.index_cast %swap3A_221 : i32 to index
    %swap3A_223 = arith.constant 0 : index
    %swap3A_224 = tpu.vector_load %arg6[%swap3A_222, %swap3A_223] {strides = array<i32>} : memref<128x16xf32, #tpu.memory_space<vmem>>, vector<1x16xf32>,
    %swap3A_225 = vector.shape_cast %swap3A_224 : vector<1x16xf32> to vector<16xf32>
    %swap3A_226 = vector.shape_cast %broadcast_in_dim3A_11 : vector<16xf32> to vector<1x16xf32>
    tpu.vector_store %arg6[%swap3A_222, %swap3A_223], %swap3A_226 {strides = array<i32>} : memref<128x16xf32, #tpu.memory_space<vmem>>, vector<1x16xf32>,
    %swap3A_227 = arith.constant 36 : i32
    %swap3A_228 = arith.index_cast %swap3A_227 : i32 to index
    %swap3A_229 = arith.constant 0 : index
    %swap3A_230 = tpu.vector_load %arg6[%swap3A_228, %swap3A_229] {strides = array<i32>} : memref<128x16xf32, #tpu.memory_space<vmem>>, vector<1x16xf32>,
    %swap3A_231 = vector.shape_cast %swap3A_230 : vector<1x16xf32> to vector<16xf32>
    %swap3A_232 = vector.shape_cast %broadcast_in_dim3A_11 : vector<16xf32> to vector<1x16xf32>
    tpu.vector_store %arg6[%swap3A_228, %swap3A_229], %swap3A_232 {strides = array<i32>} : memref<128x16xf32, #tpu.memory_space<vmem>>, vector<1x16xf32>,
    %swap3A_233 = arith.constant 37 : i32
    %swap3A_234 = arith.index_cast %swap3A_233 : i32 to index
    %swap3A_235 = arith.constant 0 : index
    %swap3A_236 = tpu.vector_load %arg6[%swap3A_234, %swap3A_235] {strides = array<i32>} : memref<128x16xf32, #tpu.memory_space<vmem>>, vector<1x16xf32>,
    %swap3A_237 = vector.shape_cast %swap3A_236 : vector<1x16xf32> to vector<16xf32>
    %swap3A_238 = vector.shape_cast %broadcast_in_dim3A_11 : vector<16xf32> to vector<1x16xf32>
    tpu.vector_store %arg6[%swap3A_234, %swap3A_235], %swap3A_238 {strides = array<i32>} : memref<128x16xf32, #tpu.memory_space<vmem>>, vector<1x16xf32>,
    %swap3A_239 = arith.constant 38 : i32
    %swap3A_240 = arith.index_cast %swap3A_239 : i32 to index
    %swap3A_241 = arith.constant 0 : index
    %swap3A_242 = tpu.vector_load %arg6[%swap3A_240, %swap3A_241] {strides = array<i32>} : memref<128x16xf32, #tpu.memory_space<vmem>>, vector<1x16xf32>,
    %swap3A_243 = vector.shape_cast %swap3A_242 : vector<1x16xf32> to vector<16xf32>
    %swap3A_244 = vector.shape_cast %broadcast_in_dim3A_11 : vector<16xf32> to vector<1x16xf32>
    tpu.vector_store %arg6[%swap3A_240, %swap3A_241], %swap3A_244 {strides = array<i32>} : memref<128x16xf32, #tpu.memory_space<vmem>>, vector<1x16xf32>,
    %swap3A_245 = arith.constant 39 : i32
    %swap3A_246 = arith.index_cast %swap3A_245 : i32 to index
    %swap3A_247 = arith.constant 0 : index
    %swap3A_248 = tpu.vector_load %arg6[%swap3A_246, %swap3A_247] {strides = array<i32>} : memref<128x16xf32, #tpu.memory_space<vmem>>, vector<1x16xf32>,
    %swap3A_249 = vector.shape_cast %swap3A_248 : vector<1x16xf32> to vector<16xf32>
    %swap3A_250 = vector.shape_cast %broadcast_in_dim3A_11 : vector<16xf32> to vector<1x16xf32>
    tpu.vector_store %arg6[%swap3A_246, %swap3A_247], %swap3A_250 {strides = array<i32>} : memref<128x16xf32, #tpu.memory_space<vmem>>, vector<1x16xf32>,
    %swap3A_251 = arith.constant 40 : i32
    %swap3A_252 = arith.index_cast %swap3A_251 : i32 to index
    %swap3A_253 = arith.constant 0 : index
    %swap3A_254 = tpu.vector_load %arg6[%swap3A_252, %swap3A_253] {strides = array<i32>} : memref<128x16xf32, #tpu.memory_space<vmem>>, vector<1x16xf32>,
    %swap3A_255 = vector.shape_cast %swap3A_254 : vector<1x16xf32> to vector<16xf32>
    %swap3A_256 = vector.shape_cast %broadcast_in_dim3A_11 : vector<16xf32> to vector<1x16xf32>
    tpu.vector_store %arg6[%swap3A_252, %swap3A_253], %swap3A_256 {strides = array<i32>} : memref<128x16xf32, #tpu.memory_space<vmem>>, vector<1x16xf32>,
    %swap3A_257 = arith.constant 41 : i32
    %swap3A_258 = arith.index_cast %swap3A_257 : i32 to index
    %swap3A_259 = arith.constant 0 : index
    %swap3A_260 = tpu.vector_load %arg6[%swap3A_258, %swap3A_259] {strides = array<i32>} : memref<128x16xf32, #tpu.memory_space<vmem>>, vector<1x16xf32>,
    %swap3A_261 = vector.shape_cast %swap3A_260 : vector<1x16xf32> to vector<16xf32>
    %swap3A_262 = vector.shape_cast %broadcast_in_dim3A_11 : vector<16xf32> to vector<1x16xf32>
    tpu.vector_store %arg6[%swap3A_258, %swap3A_259], %swap3A_262 {strides = array<i32>} : memref<128x16xf32, #tpu.memory_space<vmem>>, vector<1x16xf32>,
    %swap3A_263 = arith.constant 42 : i32
    %swap3A_264 = arith.index_cast %swap3A_263 : i32 to index
    %swap3A_265 = arith.constant 0 : index
    %swap3A_266 = tpu.vector_load %arg6[%swap3A_264, %swap3A_265] {strides = array<i32>} : memref<128x16xf32, #tpu.memory_space<vmem>>, vector<1x16xf32>,
    %swap3A_267 = vector.shape_cast %swap3A_266 : vector<1x16xf32> to vector<16xf32>
    %swap3A_268 = vector.shape_cast %broadcast_in_dim3A_11 : vector<16xf32> to vector<1x16xf32>
    tpu.vector_store %arg6[%swap3A_264, %swap3A_265], %swap3A_268 {strides = array<i32>} : memref<128x16xf32, #tpu.memory_space<vmem>>, vector<1x16xf32>,
    %swap3A_269 = arith.constant 43 : i32
    %swap3A_270 = arith.index_cast %swap3A_269 : i32 to index
    %swap3A_271 = arith.constant 0 : index
    %swap3A_272 = tpu.vector_load %arg6[%swap3A_270, %swap3A_271] {strides = array<i32>} : memref<128x16xf32, #tpu.memory_space<vmem>>, vector<1x16xf32>,
    %swap3A_273 = vector.shape_cast %swap3A_272 : vector<1x16xf32> to vector<16xf32>
    %swap3A_274 = vector.shape_cast %broadcast_in_dim3A_11 : vector<16xf32> to vector<1x16xf32>
    tpu.vector_store %arg6[%swap3A_270, %swap3A_271], %swap3A_274 {strides = array<i32>} : memref<128x16xf32, #tpu.memory_space<vmem>>, vector<1x16xf32>,
    %swap3A_275 = arith.constant 44 : i32
    %swap3A_276 = arith.index_cast %swap3A_275 : i32 to index
    %swap3A_277 = arith.constant 0 : index
    %swap3A_278 = tpu.vector_load %arg6[%swap3A_276, %swap3A_277] {strides = array<i32>} : memref<128x16xf32, #tpu.memory_space<vmem>>, vector<1x16xf32>,
    %swap3A_279 = vector.shape_cast %swap3A_278 : vector<1x16xf32> to vector<16xf32>
    %swap3A_280 = vector.shape_cast %broadcast_in_dim3A_11 : vector<16xf32> to vector<1x16xf32>
    tpu.vector_store %arg6[%swap3A_276, %swap3A_277], %swap3A_280 {strides = array<i32>} : memref<128x16xf32, #tpu.memory_space<vmem>>, vector<1x16xf32>,
    %swap3A_281 = arith.constant 45 : i32
    %swap3A_282 = arith.index_cast %swap3A_281 : i32 to index
    %swap3A_283 = arith.constant 0 : index
    %swap3A_284 = tpu.vector_load %arg6[%swap3A_282, %swap3A_283] {strides = array<i32>} : memref<128x16xf32, #tpu.memory_space<vmem>>, vector<1x16xf32>,
    %swap3A_285 = vector.shape_cast %swap3A_284 : vector<1x16xf32> to vector<16xf32>
    %swap3A_286 = vector.shape_cast %broadcast_in_dim3A_11 : vector<16xf32> to vector<1x16xf32>
    tpu.vector_store %arg6[%swap3A_282, %swap3A_283], %swap3A_286 {strides = array<i32>} : memref<128x16xf32, #tpu.memory_space<vmem>>, vector<1x16xf32>,
    %swap3A_287 = arith.constant 46 : i32
    %swap3A_288 = arith.index_cast %swap3A_287 : i32 to index
    %swap3A_289 = arith.constant 0 : index
    %swap3A_290 = tpu.vector_load %arg6[%swap3A_288, %swap3A_289] {strides = array<i32>} : memref<128x16xf32, #tpu.memory_space<vmem>>, vector<1x16xf32>,
    %swap3A_291 = vector.shape_cast %swap3A_290 : vector<1x16xf32> to vector<16xf32>
    %swap3A_292 = vector.shape_cast %broadcast_in_dim3A_11 : vector<16xf32> to vector<1x16xf32>
    tpu.vector_store %arg6[%swap3A_288, %swap3A_289], %swap3A_292 {strides = array<i32>} : memref<128x16xf32, #tpu.memory_space<vmem>>, vector<1x16xf32>,
    %swap3A_293 = arith.constant 47 : i32
    %swap3A_294 = arith.index_cast %swap3A_293 : i32 to index
    %swap3A_295 = arith.constant 0 : index
    %swap3A_296 = tpu.vector_load %arg6[%swap3A_294, %swap3A_295] {strides = array<i32>} : memref<128x16xf32, #tpu.memory_space<vmem>>, vector<1x16xf32>,
    %swap3A_297 = vector.shape_cast %swap3A_296 : vector<1x16xf32> to vector<16xf32>
    %swap3A_298 = vector.shape_cast %broadcast_in_dim3A_11 : vector<16xf32> to vector<1x16xf32>
    tpu.vector_store %arg6[%swap3A_294, %swap3A_295], %swap3A_298 {strides = array<i32>} : memref<128x16xf32, #tpu.memory_space<vmem>>, vector<1x16xf32>,
    %swap3A_299 = arith.constant 48 : i32
    %swap3A_300 = arith.index_cast %swap3A_299 : i32 to index
    %swap3A_301 = arith.constant 0 : index
    %swap3A_302 = tpu.vector_load %arg6[%swap3A_300, %swap3A_301] {strides = array<i32>} : memref<128x16xf32, #tpu.memory_space<vmem>>, vector<1x16xf32>,
    %swap3A_303 = vector.shape_cast %swap3A_302 : vector<1x16xf32> to vector<16xf32>
    %swap3A_304 = vector.shape_cast %broadcast_in_dim3A_11 : vector<16xf32> to vector<1x16xf32>
    tpu.vector_store %arg6[%swap3A_300, %swap3A_301], %swap3A_304 {strides = array<i32>} : memref<128x16xf32, #tpu.memory_space<vmem>>, vector<1x16xf32>,
    %swap3A_305 = arith.constant 49 : i32
    %swap3A_306 = arith.index_cast %swap3A_305 : i32 to index
    %swap3A_307 = arith.constant 0 : index
    %swap3A_308 = tpu.vector_load %arg6[%swap3A_306, %swap3A_307] {strides = array<i32>} : memref<128x16xf32, #tpu.memory_space<vmem>>, vector<1x16xf32>,
    %swap3A_309 = vector.shape_cast %swap3A_308 : vector<1x16xf32> to vector<16xf32>
    %swap3A_310 = vector.shape_cast %broadcast_in_dim3A_11 : vector<16xf32> to vector<1x16xf32>
    tpu.vector_store %arg6[%swap3A_306, %swap3A_307], %swap3A_310 {strides = array<i32>} : memref<128x16xf32, #tpu.memory_space<vmem>>, vector<1x16xf32>,
    %swap3A_311 = arith.constant 50 : i32
    %swap3A_312 = arith.index_cast %swap3A_311 : i32 to index
    %swap3A_313 = arith.constant 0 : index
    %swap3A_314 = tpu.vector_load %arg6[%swap3A_312, %swap3A_313] {strides = array<i32>} : memref<128x16xf32, #tpu.memory_space<vmem>>, vector<1x16xf32>,
    %swap3A_315 = vector.shape_cast %swap3A_314 : vector<1x16xf32> to vector<16xf32>
    %swap3A_316 = vector.shape_cast %broadcast_in_dim3A_11 : vector<16xf32> to vector<1x16xf32>
    tpu.vector_store %arg6[%swap3A_312, %swap3A_313], %swap3A_316 {strides = array<i32>} : memref<128x16xf32, #tpu.memory_space<vmem>>, vector<1x16xf32>,
    %swap3A_317 = arith.constant 51 : i32
    %swap3A_318 = arith.index_cast %swap3A_317 : i32 to index
    %swap3A_319 = arith.constant 0 : index
    %swap3A_320 = tpu.vector_load %arg6[%swap3A_318, %swap3A_319] {strides = array<i32>} : memref<128x16xf32, #tpu.memory_space<vmem>>, vector<1x16xf32>,
    %swap3A_321 = vector.shape_cast %swap3A_320 : vector<1x16xf32> to vector<16xf32>
    %swap3A_322 = vector.shape_cast %broadcast_in_dim3A_11 : vector<16xf32> to vector<1x16xf32>
    tpu.vector_store %arg6[%swap3A_318, %swap3A_319], %swap3A_322 {strides = array<i32>} : memref<128x16xf32, #tpu.memory_space<vmem>>, vector<1x16xf32>,
    %swap3A_323 = arith.constant 52 : i32
    %swap3A_324 = arith.index_cast %swap3A_323 : i32 to index
    %swap3A_325 = arith.constant 0 : index
    %swap3A_326 = tpu.vector_load %arg6[%swap3A_324, %swap3A_325] {strides = array<i32>} : memref<128x16xf32, #tpu.memory_space<vmem>>, vector<1x16xf32>,
    %swap3A_327 = vector.shape_cast %swap3A_326 : vector<1x16xf32> to vector<16xf32>
    %swap3A_328 = vector.shape_cast %broadcast_in_dim3A_11 : vector<16xf32> to vector<1x16xf32>
    tpu.vector_store %arg6[%swap3A_324, %swap3A_325], %swap3A_328 {strides = array<i32>} : memref<128x16xf32, #tpu.memory_space<vmem>>, vector<1x16xf32>,
    %swap3A_329 = arith.constant 53 : i32
    %swap3A_330 = arith.index_cast %swap3A_329 : i32 to index
    %swap3A_331 = arith.constant 0 : index
    %swap3A_332 = tpu.vector_load %arg6[%swap3A_330, %swap3A_331] {strides = array<i32>} : memref<128x16xf32, #tpu.memory_space<vmem>>, vector<1x16xf32>,
    %swap3A_333 = vector.shape_cast %swap3A_332 : vector<1x16xf32> to vector<16xf32>
    %swap3A_334 = vector.shape_cast %broadcast_in_dim3A_11 : vector<16xf32> to vector<1x16xf32>
    tpu.vector_store %arg6[%swap3A_330, %swap3A_331], %swap3A_334 {strides = array<i32>} : memref<128x16xf32, #tpu.memory_space<vmem>>, vector<1x16xf32>,
    %swap3A_335 = arith.constant 54 : i32
    %swap3A_336 = arith.index_cast %swap3A_335 : i32 to index
    %swap3A_337 = arith.constant 0 : index
    %swap3A_338 = tpu.vector_load %arg6[%swap3A_336, %swap3A_337] {strides = array<i32>} : memref<128x16xf32, #tpu.memory_space<vmem>>, vector<1x16xf32>,
    %swap3A_339 = vector.shape_cast %swap3A_338 : vector<1x16xf32> to vector<16xf32>
    %swap3A_340 = vector.shape_cast %broadcast_in_dim3A_11 : vector<16xf32> to vector<1x16xf32>
    tpu.vector_store %arg6[%swap3A_336, %swap3A_337], %swap3A_340 {strides = array<i32>} : memref<128x16xf32, #tpu.memory_space<vmem>>, vector<1x16xf32>,
    %swap3A_341 = arith.constant 55 : i32
    %swap3A_342 = arith.index_cast %swap3A_341 : i32 to index
    %swap3A_343 = arith.constant 0 : index
    %swap3A_344 = tpu.vector_load %arg6[%swap3A_342, %swap3A_343] {strides = array<i32>} : memref<128x16xf32, #tpu.memory_space<vmem>>, vector<1x16xf32>,
    %swap3A_345 = vector.shape_cast %swap3A_344 : vector<1x16xf32> to vector<16xf32>
    %swap3A_346 = vector.shape_cast %broadcast_in_dim3A_11 : vector<16xf32> to vector<1x16xf32>
    tpu.vector_store %arg6[%swap3A_342, %swap3A_343], %swap3A_346 {strides = array<i32>} : memref<128x16xf32, #tpu.memory_space<vmem>>, vector<1x16xf32>,
    %swap3A_347 = arith.constant 56 : i32
    %swap3A_348 = arith.index_cast %swap3A_347 : i32 to index
    %swap3A_349 = arith.constant 0 : index
    %swap3A_350 = tpu.vector_load %arg6[%swap3A_348, %swap3A_349] {strides = array<i32>} : memref<128x16xf32, #tpu.memory_space<vmem>>, vector<1x16xf32>,
    %swap3A_351 = vector.shape_cast %swap3A_350 : vector<1x16xf32> to vector<16xf32>
    %swap3A_352 = vector.shape_cast %broadcast_in_dim3A_11 : vector<16xf32> to vector<1x16xf32>
    tpu.vector_store %arg6[%swap3A_348, %swap3A_349], %swap3A_352 {strides = array<i32>} : memref<128x16xf32, #tpu.memory_space<vmem>>, vector<1x16xf32>,
    %swap3A_353 = arith.constant 57 : i32
    %swap3A_354 = arith.index_cast %swap3A_353 : i32 to index
    %swap3A_355 = arith.constant 0 : index
    %swap3A_356 = tpu.vector_load %arg6[%swap3A_354, %swap3A_355] {strides = array<i32>} : memref<128x16xf32, #tpu.memory_space<vmem>>, vector<1x16xf32>,
    %swap3A_357 = vector.shape_cast %swap3A_356 : vector<1x16xf32> to vector<16xf32>
    %swap3A_358 = vector.shape_cast %broadcast_in_dim3A_11 : vector<16xf32> to vector<1x16xf32>
    tpu.vector_store %arg6[%swap3A_354, %swap3A_355], %swap3A_358 {strides = array<i32>} : memref<128x16xf32, #tpu.memory_space<vmem>>, vector<1x16xf32>,
    %swap3A_359 = arith.constant 58 : i32
    %swap3A_360 = arith.index_cast %swap3A_359 : i32 to index
    %swap3A_361 = arith.constant 0 : index
    %swap3A_362 = tpu.vector_load %arg6[%swap3A_360, %swap3A_361] {strides = array<i32>} : memref<128x16xf32, #tpu.memory_space<vmem>>, vector<1x16xf32>,
    %swap3A_363 = vector.shape_cast %swap3A_362 : vector<1x16xf32> to vector<16xf32>
    %swap3A_364 = vector.shape_cast %broadcast_in_dim3A_11 : vector<16xf32> to vector<1x16xf32>
    tpu.vector_store %arg6[%swap3A_360, %swap3A_361], %swap3A_364 {strides = array<i32>} : memref<128x16xf32, #tpu.memory_space<vmem>>, vector<1x16xf32>,
    %swap3A_365 = arith.constant 59 : i32
    %swap3A_366 = arith.index_cast %swap3A_365 : i32 to index
    %swap3A_367 = arith.constant 0 : index
    %swap3A_368 = tpu.vector_load %arg6[%swap3A_366, %swap3A_367] {strides = array<i32>} : memref<128x16xf32, #tpu.memory_space<vmem>>, vector<1x16xf32>,
    %swap3A_369 = vector.shape_cast %swap3A_368 : vector<1x16xf32> to vector<16xf32>
    %swap3A_370 = vector.shape_cast %broadcast_in_dim3A_11 : vector<16xf32> to vector<1x16xf32>
    tpu.vector_store %arg6[%swap3A_366, %swap3A_367], %swap3A_370 {strides = array<i32>} : memref<128x16xf32, #tpu.memory_space<vmem>>, vector<1x16xf32>,
    %swap3A_371 = arith.constant 60 : i32
    %swap3A_372 = arith.index_cast %swap3A_371 : i32 to index
    %swap3A_373 = arith.constant 0 : index
    %swap3A_374 = tpu.vector_load %arg6[%swap3A_372, %swap3A_373] {strides = array<i32>} : memref<128x16xf32, #tpu.memory_space<vmem>>, vector<1x16xf32>,
    %swap3A_375 = vector.shape_cast %swap3A_374 : vector<1x16xf32> to vector<16xf32>
    %swap3A_376 = vector.shape_cast %broadcast_in_dim3A_11 : vector<16xf32> to vector<1x16xf32>
    tpu.vector_store %arg6[%swap3A_372, %swap3A_373], %swap3A_376 {strides = array<i32>} : memref<128x16xf32, #tpu.memory_space<vmem>>, vector<1x16xf32>,
    %swap3A_377 = arith.constant 61 : i32
    %swap3A_378 = arith.index_cast %swap3A_377 : i32 to index
    %swap3A_379 = arith.constant 0 : index
    %swap3A_380 = tpu.vector_load %arg6[%swap3A_378, %swap3A_379] {strides = array<i32>} : memref<128x16xf32, #tpu.memory_space<vmem>>, vector<1x16xf32>,
    %swap3A_381 = vector.shape_cast %swap3A_380 : vector<1x16xf32> to vector<16xf32>
    %swap3A_382 = vector.shape_cast %broadcast_in_dim3A_11 : vector<16xf32> to vector<1x16xf32>
    tpu.vector_store %arg6[%swap3A_378, %swap3A_379], %swap3A_382 {strides = array<i32>} : memref<128x16xf32, #tpu.memory_space<vmem>>, vector<1x16xf32>,
    %swap3A_383 = arith.constant 62 : i32
    %swap3A_384 = arith.index_cast %swap3A_383 : i32 to index
    %swap3A_385 = arith.constant 0 : index
    %swap3A_386 = tpu.vector_load %arg6[%swap3A_384, %swap3A_385] {strides = array<i32>} : memref<128x16xf32, #tpu.memory_space<vmem>>, vector<1x16xf32>,
    %swap3A_387 = vector.shape_cast %swap3A_386 : vector<1x16xf32> to vector<16xf32>
    %swap3A_388 = vector.shape_cast %broadcast_in_dim3A_11 : vector<16xf32> to vector<1x16xf32>
    tpu.vector_store %arg6[%swap3A_384, %swap3A_385], %swap3A_388 {strides = array<i32>} : memref<128x16xf32, #tpu.memory_space<vmem>>, vector<1x16xf32>,
    %swap3A_389 = arith.constant 63 : i32
    %swap3A_390 = arith.index_cast %swap3A_389 : i32 to index
    %swap3A_391 = arith.constant 0 : index
    %swap3A_392 = tpu.vector_load %arg6[%swap3A_390, %swap3A_391] {strides = array<i32>} : memref<128x16xf32, #tpu.memory_space<vmem>>, vector<1x16xf32>,
    %swap3A_393 = vector.shape_cast %swap3A_392 : vector<1x16xf32> to vector<16xf32>
    %swap3A_394 = vector.shape_cast %broadcast_in_dim3A_11 : vector<16xf32> to vector<1x16xf32>
    tpu.vector_store %arg6[%swap3A_390, %swap3A_391], %swap3A_394 {strides = array<i32>} : memref<128x16xf32, #tpu.memory_space<vmem>>, vector<1x16xf32>,
    %swap3A_395 = arith.constant 64 : i32
    %swap3A_396 = arith.index_cast %swap3A_395 : i32 to index
    %swap3A_397 = arith.constant 0 : index
    %swap3A_398 = tpu.vector_load %arg6[%swap3A_396, %swap3A_397] {strides = array<i32>} : memref<128x16xf32, #tpu.memory_space<vmem>>, vector<1x16xf32>,
    %swap3A_399 = vector.shape_cast %swap3A_398 : vector<1x16xf32> to vector<16xf32>
    %swap3A_400 = vector.shape_cast %broadcast_in_dim3A_11 : vector<16xf32> to vector<1x16xf32>
    tpu.vector_store %arg6[%swap3A_396, %swap3A_397], %swap3A_400 {strides = array<i32>} : memref<128x16xf32, #tpu.memory_space<vmem>>, vector<1x16xf32>,
    %swap3A_401 = arith.constant 65 : i32
    %swap3A_402 = arith.index_cast %swap3A_401 : i32 to index
    %swap3A_403 = arith.constant 0 : index
    %swap3A_404 = tpu.vector_load %arg6[%swap3A_402, %swap3A_403] {strides = array<i32>} : memref<128x16xf32, #tpu.memory_space<vmem>>, vector<1x16xf32>,
    %swap3A_405 = vector.shape_cast %swap3A_404 : vector<1x16xf32> to vector<16xf32>
    %swap3A_406 = vector.shape_cast %broadcast_in_dim3A_11 : vector<16xf32> to vector<1x16xf32>
    tpu.vector_store %arg6[%swap3A_402, %swap3A_403], %swap3A_406 {strides = array<i32>} : memref<128x16xf32, #tpu.memory_space<vmem>>, vector<1x16xf32>,
    %swap3A_407 = arith.constant 66 : i32
    %swap3A_408 = arith.index_cast %swap3A_407 : i32 to index
    %swap3A_409 = arith.constant 0 : index
    %swap3A_410 = tpu.vector_load %arg6[%swap3A_408, %swap3A_409] {strides = array<i32>} : memref<128x16xf32, #tpu.memory_space<vmem>>, vector<1x16xf32>,
    %swap3A_411 = vector.shape_cast %swap3A_410 : vector<1x16xf32> to vector<16xf32>
    %swap3A_412 = vector.shape_cast %broadcast_in_dim3A_11 : vector<16xf32> to vector<1x16xf32>
    tpu.vector_store %arg6[%swap3A_408, %swap3A_409], %swap3A_412 {strides = array<i32>} : memref<128x16xf32, #tpu.memory_space<vmem>>, vector<1x16xf32>,
    %swap3A_413 = arith.constant 67 : i32
    %swap3A_414 = arith.index_cast %swap3A_413 : i32 to index
    %swap3A_415 = arith.constant 0 : index
    %swap3A_416 = tpu.vector_load %arg6[%swap3A_414, %swap3A_415] {strides = array<i32>} : memref<128x16xf32, #tpu.memory_space<vmem>>, vector<1x16xf32>,
    %swap3A_417 = vector.shape_cast %swap3A_416 : vector<1x16xf32> to vector<16xf32>
    %swap3A_418 = vector.shape_cast %broadcast_in_dim3A_11 : vector<16xf32> to vector<1x16xf32>
    tpu.vector_store %arg6[%swap3A_414, %swap3A_415], %swap3A_418 {strides = array<i32>} : memref<128x16xf32, #tpu.memory_space<vmem>>, vector<1x16xf32>,
    %swap3A_419 = arith.constant 68 : i32
    %swap3A_420 = arith.index_cast %swap3A_419 : i32 to index
    %swap3A_421 = arith.constant 0 : index
    %swap3A_422 = tpu.vector_load %arg6[%swap3A_420, %swap3A_421] {strides = array<i32>} : memref<128x16xf32, #tpu.memory_space<vmem>>, vector<1x16xf32>,
    %swap3A_423 = vector.shape_cast %swap3A_422 : vector<1x16xf32> to vector<16xf32>
    %swap3A_424 = vector.shape_cast %broadcast_in_dim3A_11 : vector<16xf32> to vector<1x16xf32>
    tpu.vector_store %arg6[%swap3A_420, %swap3A_421], %swap3A_424 {strides = array<i32>} : memref<128x16xf32, #tpu.memory_space<vmem>>, vector<1x16xf32>,
    %swap3A_425 = arith.constant 69 : i32
    %swap3A_426 = arith.index_cast %swap3A_425 : i32 to index
    %swap3A_427 = arith.constant 0 : index
    %swap3A_428 = tpu.vector_load %arg6[%swap3A_426, %swap3A_427] {strides = array<i32>} : memref<128x16xf32, #tpu.memory_space<vmem>>, vector<1x16xf32>,
    %swap3A_429 = vector.shape_cast %swap3A_428 : vector<1x16xf32> to vector<16xf32>
    %swap3A_430 = vector.shape_cast %broadcast_in_dim3A_11 : vector<16xf32> to vector<1x16xf32>
    tpu.vector_store %arg6[%swap3A_426, %swap3A_427], %swap3A_430 {strides = array<i32>} : memref<128x16xf32, #tpu.memory_space<vmem>>, vector<1x16xf32>,
    %swap3A_431 = arith.constant 70 : i32
    %swap3A_432 = arith.index_cast %swap3A_431 : i32 to index
    %swap3A_433 = arith.constant 0 : index
    %swap3A_434 = tpu.vector_load %arg6[%swap3A_432, %swap3A_433] {strides = array<i32>} : memref<128x16xf32, #tpu.memory_space<vmem>>, vector<1x16xf32>,
    %swap3A_435 = vector.shape_cast %swap3A_434 : vector<1x16xf32> to vector<16xf32>
    %swap3A_436 = vector.shape_cast %broadcast_in_dim3A_11 : vector<16xf32> to vector<1x16xf32>
    tpu.vector_store %arg6[%swap3A_432, %swap3A_433], %swap3A_436 {strides = array<i32>} : memref<128x16xf32, #tpu.memory_space<vmem>>, vector<1x16xf32>,
    %swap3A_437 = arith.constant 71 : i32
    %swap3A_438 = arith.index_cast %swap3A_437 : i32 to index
    %swap3A_439 = arith.constant 0 : index
    %swap3A_440 = tpu.vector_load %arg6[%swap3A_438, %swap3A_439] {strides = array<i32>} : memref<128x16xf32, #tpu.memory_space<vmem>>, vector<1x16xf32>,
    %swap3A_441 = vector.shape_cast %swap3A_440 : vector<1x16xf32> to vector<16xf32>
    %swap3A_442 = vector.shape_cast %broadcast_in_dim3A_11 : vector<16xf32> to vector<1x16xf32>
    tpu.vector_store %arg6[%swap3A_438, %swap3A_439], %swap3A_442 {strides = array<i32>} : memref<128x16xf32, #tpu.memory_space<vmem>>, vector<1x16xf32>,
    %swap3A_443 = arith.constant 72 : i32
    %swap3A_444 = arith.index_cast %swap3A_443 : i32 to index
    %swap3A_445 = arith.constant 0 : index
    %swap3A_446 = tpu.vector_load %arg6[%swap3A_444, %swap3A_445] {strides = array<i32>} : memref<128x16xf32, #tpu.memory_space<vmem>>, vector<1x16xf32>,
    %swap3A_447 = vector.shape_cast %swap3A_446 : vector<1x16xf32> to vector<16xf32>
    %swap3A_448 = vector.shape_cast %broadcast_in_dim3A_11 : vector<16xf32> to vector<1x16xf32>
    tpu.vector_store %arg6[%swap3A_444, %swap3A_445], %swap3A_448 {strides = array<i32>} : memref<128x16xf32, #tpu.memory_space<vmem>>, vector<1x16xf32>,
    %swap3A_449 = arith.constant 73 : i32
    %swap3A_450 = arith.index_cast %swap3A_449 : i32 to index
    %swap3A_451 = arith.constant 0 : index
    %swap3A_452 = tpu.vector_load %arg6[%swap3A_450, %swap3A_451] {strides = array<i32>} : memref<128x16xf32, #tpu.memory_space<vmem>>, vector<1x16xf32>,
    %swap3A_453 = vector.shape_cast %swap3A_452 : vector<1x16xf32> to vector<16xf32>
    %swap3A_454 = vector.shape_cast %broadcast_in_dim3A_11 : vector<16xf32> to vector<1x16xf32>
    tpu.vector_store %arg6[%swap3A_450, %swap3A_451], %swap3A_454 {strides = array<i32>} : memref<128x16xf32, #tpu.memory_space<vmem>>, vector<1x16xf32>,
    %swap3A_455 = arith.constant 74 : i32
    %swap3A_456 = arith.index_cast %swap3A_455 : i32 to index
    %swap3A_457 = arith.constant 0 : index
    %swap3A_458 = tpu.vector_load %arg6[%swap3A_456, %swap3A_457] {strides = array<i32>} : memref<128x16xf32, #tpu.memory_space<vmem>>, vector<1x16xf32>,
    %swap3A_459 = vector.shape_cast %swap3A_458 : vector<1x16xf32> to vector<16xf32>
    %swap3A_460 = vector.shape_cast %broadcast_in_dim3A_11 : vector<16xf32> to vector<1x16xf32>
    tpu.vector_store %arg6[%swap3A_456, %swap3A_457], %swap3A_460 {strides = array<i32>} : memref<128x16xf32, #tpu.memory_space<vmem>>, vector<1x16xf32>,
    %swap3A_461 = arith.constant 75 : i32
    %swap3A_462 = arith.index_cast %swap3A_461 : i32 to index
    %swap3A_463 = arith.constant 0 : index
    %swap3A_464 = tpu.vector_load %arg6[%swap3A_462, %swap3A_463] {strides = array<i32>} : memref<128x16xf32, #tpu.memory_space<vmem>>, vector<1x16xf32>,
    %swap3A_465 = vector.shape_cast %swap3A_464 : vector<1x16xf32> to vector<16xf32>
    %swap3A_466 = vector.shape_cast %broadcast_in_dim3A_11 : vector<16xf32> to vector<1x16xf32>
    tpu.vector_store %arg6[%swap3A_462, %swap3A_463], %swap3A_466 {strides = array<i32>} : memref<128x16xf32, #tpu.memory_space<vmem>>, vector<1x16xf32>,
    %swap3A_467 = arith.constant 76 : i32
    %swap3A_468 = arith.index_cast %swap3A_467 : i32 to index
    %swap3A_469 = arith.constant 0 : index
    %swap3A_470 = tpu.vector_load %arg6[%swap3A_468, %swap3A_469] {strides = array<i32>} : memref<128x16xf32, #tpu.memory_space<vmem>>, vector<1x16xf32>,
    %swap3A_471 = vector.shape_cast %swap3A_470 : vector<1x16xf32> to vector<16xf32>
    %swap3A_472 = vector.shape_cast %broadcast_in_dim3A_11 : vector<16xf32> to vector<1x16xf32>
    tpu.vector_store %arg6[%swap3A_468, %swap3A_469], %swap3A_472 {strides = array<i32>} : memref<128x16xf32, #tpu.memory_space<vmem>>, vector<1x16xf32>,
    %swap3A_473 = arith.constant 77 : i32
    %swap3A_474 = arith.index_cast %swap3A_473 : i32 to index
    %swap3A_475 = arith.constant 0 : index
    %swap3A_476 = tpu.vector_load %arg6[%swap3A_474, %swap3A_475] {strides = array<i32>} : memref<128x16xf32, #tpu.memory_space<vmem>>, vector<1x16xf32>,
    %swap3A_477 = vector.shape_cast %swap3A_476 : vector<1x16xf32> to vector<16xf32>
    %swap3A_478 = vector.shape_cast %broadcast_in_dim3A_11 : vector<16xf32> to vector<1x16xf32>
    tpu.vector_store %arg6[%swap3A_474, %swap3A_475], %swap3A_478 {strides = array<i32>} : memref<128x16xf32, #tpu.memory_space<vmem>>, vector<1x16xf32>,
    %swap3A_479 = arith.constant 78 : i32
    %swap3A_480 = arith.index_cast %swap3A_479 : i32 to index
    %swap3A_481 = arith.constant 0 : index
    %swap3A_482 = tpu.vector_load %arg6[%swap3A_480, %swap3A_481] {strides = array<i32>} : memref<128x16xf32, #tpu.memory_space<vmem>>, vector<1x16xf32>,
    %swap3A_483 = vector.shape_cast %swap3A_482 : vector<1x16xf32> to vector<16xf32>
    %swap3A_484 = vector.shape_cast %broadcast_in_dim3A_11 : vector<16xf32> to vector<1x16xf32>
    tpu.vector_store %arg6[%swap3A_480, %swap3A_481], %swap3A_484 {strides = array<i32>} : memref<128x16xf32, #tpu.memory_space<vmem>>, vector<1x16xf32>,
    %swap3A_485 = arith.constant 79 : i32
    %swap3A_486 = arith.index_cast %swap3A_485 : i32 to index
    %swap3A_487 = arith.constant 0 : index
    %swap3A_488 = tpu.vector_load %arg6[%swap3A_486, %swap3A_487] {strides = array<i32>} : memref<128x16xf32, #tpu.memory_space<vmem>>, vector<1x16xf32>,
    %swap3A_489 = vector.shape_cast %swap3A_488 : vector<1x16xf32> to vector<16xf32>
    %swap3A_490 = vector.shape_cast %broadcast_in_dim3A_11 : vector<16xf32> to vector<1x16xf32>
    tpu.vector_store %arg6[%swap3A_486, %swap3A_487], %swap3A_490 {strides = array<i32>} : memref<128x16xf32, #tpu.memory_space<vmem>>, vector<1x16xf32>,
    %swap3A_491 = arith.constant 80 : i32
    %swap3A_492 = arith.index_cast %swap3A_491 : i32 to index
    %swap3A_493 = arith.constant 0 : index
    %swap3A_494 = tpu.vector_load %arg6[%swap3A_492, %swap3A_493] {strides = array<i32>} : memref<128x16xf32, #tpu.memory_space<vmem>>, vector<1x16xf32>,
    %swap3A_495 = vector.shape_cast %swap3A_494 : vector<1x16xf32> to vector<16xf32>
    %swap3A_496 = vector.shape_cast %broadcast_in_dim3A_11 : vector<16xf32> to vector<1x16xf32>
    tpu.vector_store %arg6[%swap3A_492, %swap3A_493], %swap3A_496 {strides = array<i32>} : memref<128x16xf32, #tpu.memory_space<vmem>>, vector<1x16xf32>,
    %swap3A_497 = arith.constant 81 : i32
    %swap3A_498 = arith.index_cast %swap3A_497 : i32 to index
    %swap3A_499 = arith.constant 0 : index
    %swap3A_500 = tpu.vector_load %arg6[%swap3A_498, %swap3A_499] {strides = array<i32>} : memref<128x16xf32, #tpu.memory_space<vmem>>, vector<1x16xf32>,
    %swap3A_501 = vector.shape_cast %swap3A_500 : vector<1x16xf32> to vector<16xf32>
    %swap3A_502 = vector.shape_cast %broadcast_in_dim3A_11 : vector<16xf32> to vector<1x16xf32>
    tpu.vector_store %arg6[%swap3A_498, %swap3A_499], %swap3A_502 {strides = array<i32>} : memref<128x16xf32, #tpu.memory_space<vmem>>, vector<1x16xf32>,
    %swap3A_503 = arith.constant 82 : i32
    %swap3A_504 = arith.index_cast %swap3A_503 : i32 to index
    %swap3A_505 = arith.constant 0 : index
    %swap3A_506 = tpu.vector_load %arg6[%swap3A_504, %swap3A_505] {strides = array<i32>} : memref<128x16xf32, #tpu.memory_space<vmem>>, vector<1x16xf32>,
    %swap3A_507 = vector.shape_cast %swap3A_506 : vector<1x16xf32> to vector<16xf32>
    %swap3A_508 = vector.shape_cast %broadcast_in_dim3A_11 : vector<16xf32> to vector<1x16xf32>
    tpu.vector_store %arg6[%swap3A_504, %swap3A_505], %swap3A_508 {strides = array<i32>} : memref<128x16xf32, #tpu.memory_space<vmem>>, vector<1x16xf32>,
    %swap3A_509 = arith.constant 83 : i32
    %swap3A_510 = arith.index_cast %swap3A_509 : i32 to index
    %swap3A_511 = arith.constant 0 : index
    %swap3A_512 = tpu.vector_load %arg6[%swap3A_510, %swap3A_511] {strides = array<i32>} : memref<128x16xf32, #tpu.memory_space<vmem>>, vector<1x16xf32>,
    %swap3A_513 = vector.shape_cast %swap3A_512 : vector<1x16xf32> to vector<16xf32>
    %swap3A_514 = vector.shape_cast %broadcast_in_dim3A_11 : vector<16xf32> to vector<1x16xf32>
    tpu.vector_store %arg6[%swap3A_510, %swap3A_511], %swap3A_514 {strides = array<i32>} : memref<128x16xf32, #tpu.memory_space<vmem>>, vector<1x16xf32>,
    %swap3A_515 = arith.constant 84 : i32
    %swap3A_516 = arith.index_cast %swap3A_515 : i32 to index
    %swap3A_517 = arith.constant 0 : index
    %swap3A_518 = tpu.vector_load %arg6[%swap3A_516, %swap3A_517] {strides = array<i32>} : memref<128x16xf32, #tpu.memory_space<vmem>>, vector<1x16xf32>,
    %swap3A_519 = vector.shape_cast %swap3A_518 : vector<1x16xf32> to vector<16xf32>
    %swap3A_520 = vector.shape_cast %broadcast_in_dim3A_11 : vector<16xf32> to vector<1x16xf32>
    tpu.vector_store %arg6[%swap3A_516, %swap3A_517], %swap3A_520 {strides = array<i32>} : memref<128x16xf32, #tpu.memory_space<vmem>>, vector<1x16xf32>,
    %swap3A_521 = arith.constant 85 : i32
    %swap3A_522 = arith.index_cast %swap3A_521 : i32 to index
    %swap3A_523 = arith.constant 0 : index
    %swap3A_524 = tpu.vector_load %arg6[%swap3A_522, %swap3A_523] {strides = array<i32>} : memref<128x16xf32, #tpu.memory_space<vmem>>, vector<1x16xf32>,
    %swap3A_525 = vector.shape_cast %swap3A_524 : vector<1x16xf32> to vector<16xf32>
    %swap3A_526 = vector.shape_cast %broadcast_in_dim3A_11 : vector<16xf32> to vector<1x16xf32>
    tpu.vector_store %arg6[%swap3A_522, %swap3A_523], %swap3A_526 {strides = array<i32>} : memref<128x16xf32, #tpu.memory_space<vmem>>, vector<1x16xf32>,
    %swap3A_527 = arith.constant 86 : i32
    %swap3A_528 = arith.index_cast %swap3A_527 : i32 to index
    %swap3A_529 = arith.constant 0 : index
    %swap3A_530 = tpu.vector_load %arg6[%swap3A_528, %swap3A_529] {strides = array<i32>} : memref<128x16xf32, #tpu.memory_space<vmem>>, vector<1x16xf32>,
    %swap3A_531 = vector.shape_cast %swap3A_530 : vector<1x16xf32> to vector<16xf32>
    %swap3A_532 = vector.shape_cast %broadcast_in_dim3A_11 : vector<16xf32> to vector<1x16xf32>
    tpu.vector_store %arg6[%swap3A_528, %swap3A_529], %swap3A_532 {strides = array<i32>} : memref<128x16xf32, #tpu.memory_space<vmem>>, vector<1x16xf32>,
    %swap3A_533 = arith.constant 87 : i32
    %swap3A_534 = arith.index_cast %swap3A_533 : i32 to index
    %swap3A_535 = arith.constant 0 : index
    %swap3A_536 = tpu.vector_load %arg6[%swap3A_534, %swap3A_535] {strides = array<i32>} : memref<128x16xf32, #tpu.memory_space<vmem>>, vector<1x16xf32>,
    %swap3A_537 = vector.shape_cast %swap3A_536 : vector<1x16xf32> to vector<16xf32>
    %swap3A_538 = vector.shape_cast %broadcast_in_dim3A_11 : vector<16xf32> to vector<1x16xf32>
    tpu.vector_store %arg6[%swap3A_534, %swap3A_535], %swap3A_538 {strides = array<i32>} : memref<128x16xf32, #tpu.memory_space<vmem>>, vector<1x16xf32>,
    %swap3A_539 = arith.constant 88 : i32
    %swap3A_540 = arith.index_cast %swap3A_539 : i32 to index
    %swap3A_541 = arith.constant 0 : index
    %swap3A_542 = tpu.vector_load %arg6[%swap3A_540, %swap3A_541] {strides = array<i32>} : memref<128x16xf32, #tpu.memory_space<vmem>>, vector<1x16xf32>,
    %swap3A_543 = vector.shape_cast %swap3A_542 : vector<1x16xf32> to vector<16xf32>
    %swap3A_544 = vector.shape_cast %broadcast_in_dim3A_11 : vector<16xf32> to vector<1x16xf32>
    tpu.vector_store %arg6[%swap3A_540, %swap3A_541], %swap3A_544 {strides = array<i32>} : memref<128x16xf32, #tpu.memory_space<vmem>>, vector<1x16xf32>,
    %swap3A_545 = arith.constant 89 : i32
    %swap3A_546 = arith.index_cast %swap3A_545 : i32 to index
    %swap3A_547 = arith.constant 0 : index
    %swap3A_548 = tpu.vector_load %arg6[%swap3A_546, %swap3A_547] {strides = array<i32>} : memref<128x16xf32, #tpu.memory_space<vmem>>, vector<1x16xf32>,
    %swap3A_549 = vector.shape_cast %swap3A_548 : vector<1x16xf32> to vector<16xf32>
    %swap3A_550 = vector.shape_cast %broadcast_in_dim3A_11 : vector<16xf32> to vector<1x16xf32>
    tpu.vector_store %arg6[%swap3A_546, %swap3A_547], %swap3A_550 {strides = array<i32>} : memref<128x16xf32, #tpu.memory_space<vmem>>, vector<1x16xf32>,
    %swap3A_551 = arith.constant 90 : i32
    %swap3A_552 = arith.index_cast %swap3A_551 : i32 to index
    %swap3A_553 = arith.constant 0 : index
    %swap3A_554 = tpu.vector_load %arg6[%swap3A_552, %swap3A_553] {strides = array<i32>} : memref<128x16xf32, #tpu.memory_space<vmem>>, vector<1x16xf32>,
    %swap3A_555 = vector.shape_cast %swap3A_554 : vector<1x16xf32> to vector<16xf32>
    %swap3A_556 = vector.shape_cast %broadcast_in_dim3A_11 : vector<16xf32> to vector<1x16xf32>
    tpu.vector_store %arg6[%swap3A_552, %swap3A_553], %swap3A_556 {strides = array<i32>} : memref<128x16xf32, #tpu.memory_space<vmem>>, vector<1x16xf32>,
    %swap3A_557 = arith.constant 91 : i32
    %swap3A_558 = arith.index_cast %swap3A_557 : i32 to index
    %swap3A_559 = arith.constant 0 : index
    %swap3A_560 = tpu.vector_load %arg6[%swap3A_558, %swap3A_559] {strides = array<i32>} : memref<128x16xf32, #tpu.memory_space<vmem>>, vector<1x16xf32>,
    %swap3A_561 = vector.shape_cast %swap3A_560 : vector<1x16xf32> to vector<16xf32>
    %swap3A_562 = vector.shape_cast %broadcast_in_dim3A_11 : vector<16xf32> to vector<1x16xf32>
    tpu.vector_store %arg6[%swap3A_558, %swap3A_559], %swap3A_562 {strides = array<i32>} : memref<128x16xf32, #tpu.memory_space<vmem>>, vector<1x16xf32>,
    %swap3A_563 = arith.constant 92 : i32
    %swap3A_564 = arith.index_cast %swap3A_563 : i32 to index
    %swap3A_565 = arith.constant 0 : index
    %swap3A_566 = tpu.vector_load %arg6[%swap3A_564, %swap3A_565] {strides = array<i32>} : memref<128x16xf32, #tpu.memory_space<vmem>>, vector<1x16xf32>,
    %swap3A_567 = vector.shape_cast %swap3A_566 : vector<1x16xf32> to vector<16xf32>
    %swap3A_568 = vector.shape_cast %broadcast_in_dim3A_11 : vector<16xf32> to vector<1x16xf32>
    tpu.vector_store %arg6[%swap3A_564, %swap3A_565], %swap3A_568 {strides = array<i32>} : memref<128x16xf32, #tpu.memory_space<vmem>>, vector<1x16xf32>,
    %swap3A_569 = arith.constant 93 : i32
    %swap3A_570 = arith.index_cast %swap3A_569 : i32 to index
    %swap3A_571 = arith.constant 0 : index
    %swap3A_572 = tpu.vector_load %arg6[%swap3A_570, %swap3A_571] {strides = array<i32>} : memref<128x16xf32, #tpu.memory_space<vmem>>, vector<1x16xf32>,
    %swap3A_573 = vector.shape_cast %swap3A_572 : vector<1x16xf32> to vector<16xf32>
    %swap3A_574 = vector.shape_cast %broadcast_in_dim3A_11 : vector<16xf32> to vector<1x16xf32>
    tpu.vector_store %arg6[%swap3A_570, %swap3A_571], %swap3A_574 {strides = array<i32>} : memref<128x16xf32, #tpu.memory_space<vmem>>, vector<1x16xf32>,
    %swap3A_575 = arith.constant 94 : i32
    %swap3A_576 = arith.index_cast %swap3A_575 : i32 to index
    %swap3A_577 = arith.constant 0 : index
    %swap3A_578 = tpu.vector_load %arg6[%swap3A_576, %swap3A_577] {strides = array<i32>} : memref<128x16xf32, #tpu.memory_space<vmem>>, vector<1x16xf32>,
    %swap3A_579 = vector.shape_cast %swap3A_578 : vector<1x16xf32> to vector<16xf32>
    %swap3A_580 = vector.shape_cast %broadcast_in_dim3A_11 : vector<16xf32> to vector<1x16xf32>
    tpu.vector_store %arg6[%swap3A_576, %swap3A_577], %swap3A_580 {strides = array<i32>} : memref<128x16xf32, #tpu.memory_space<vmem>>, vector<1x16xf32>,
    %swap3A_581 = arith.constant 95 : i32
    %swap3A_582 = arith.index_cast %swap3A_581 : i32 to index
    %swap3A_583 = arith.constant 0 : index
    %swap3A_584 = tpu.vector_load %arg6[%swap3A_582, %swap3A_583] {strides = array<i32>} : memref<128x16xf32, #tpu.memory_space<vmem>>, vector<1x16xf32>,
    %swap3A_585 = vector.shape_cast %swap3A_584 : vector<1x16xf32> to vector<16xf32>
    %swap3A_586 = vector.shape_cast %broadcast_in_dim3A_11 : vector<16xf32> to vector<1x16xf32>
    tpu.vector_store %arg6[%swap3A_582, %swap3A_583], %swap3A_586 {strides = array<i32>} : memref<128x16xf32, #tpu.memory_space<vmem>>, vector<1x16xf32>,
    %swap3A_587 = arith.constant 96 : i32
    %swap3A_588 = arith.index_cast %swap3A_587 : i32 to index
    %swap3A_589 = arith.constant 0 : index
    %swap3A_590 = tpu.vector_load %arg6[%swap3A_588, %swap3A_589] {strides = array<i32>} : memref<128x16xf32, #tpu.memory_space<vmem>>, vector<1x16xf32>,
    %swap3A_591 = vector.shape_cast %swap3A_590 : vector<1x16xf32> to vector<16xf32>
    %swap3A_592 = vector.shape_cast %broadcast_in_dim3A_11 : vector<16xf32> to vector<1x16xf32>
    tpu.vector_store %arg6[%swap3A_588, %swap3A_589], %swap3A_592 {strides = array<i32>} : memref<128x16xf32, #tpu.memory_space<vmem>>, vector<1x16xf32>,
    %swap3A_593 = arith.constant 97 : i32
    %swap3A_594 = arith.index_cast %swap3A_593 : i32 to index
    %swap3A_595 = arith.constant 0 : index
    %swap3A_596 = tpu.vector_load %arg6[%swap3A_594, %swap3A_595] {strides = array<i32>} : memref<128x16xf32, #tpu.memory_space<vmem>>, vector<1x16xf32>,
    %swap3A_597 = vector.shape_cast %swap3A_596 : vector<1x16xf32> to vector<16xf32>
    %swap3A_598 = vector.shape_cast %broadcast_in_dim3A_11 : vector<16xf32> to vector<1x16xf32>
    tpu.vector_store %arg6[%swap3A_594, %swap3A_595], %swap3A_598 {strides = array<i32>} : memref<128x16xf32, #tpu.memory_space<vmem>>, vector<1x16xf32>,
    %swap3A_599 = arith.constant 98 : i32
    %swap3A_600 = arith.index_cast %swap3A_599 : i32 to index
    %swap3A_601 = arith.constant 0 : index
    %swap3A_602 = tpu.vector_load %arg6[%swap3A_600, %swap3A_601] {strides = array<i32>} : memref<128x16xf32, #tpu.memory_space<vmem>>, vector<1x16xf32>,
    %swap3A_603 = vector.shape_cast %swap3A_602 : vector<1x16xf32> to vector<16xf32>
    %swap3A_604 = vector.shape_cast %broadcast_in_dim3A_11 : vector<16xf32> to vector<1x16xf32>
    tpu.vector_store %arg6[%swap3A_600, %swap3A_601], %swap3A_604 {strides = array<i32>} : memref<128x16xf32, #tpu.memory_space<vmem>>, vector<1x16xf32>,
    %swap3A_605 = arith.constant 99 : i32
    %swap3A_606 = arith.index_cast %swap3A_605 : i32 to index
    %swap3A_607 = arith.constant 0 : index
    %swap3A_608 = tpu.vector_load %arg6[%swap3A_606, %swap3A_607] {strides = array<i32>} : memref<128x16xf32, #tpu.memory_space<vmem>>, vector<1x16xf32>,
    %swap3A_609 = vector.shape_cast %swap3A_608 : vector<1x16xf32> to vector<16xf32>
    %swap3A_610 = vector.shape_cast %broadcast_in_dim3A_11 : vector<16xf32> to vector<1x16xf32>
    tpu.vector_store %arg6[%swap3A_606, %swap3A_607], %swap3A_610 {strides = array<i32>} : memref<128x16xf32, #tpu.memory_space<vmem>>, vector<1x16xf32>,
    %swap3A_611 = arith.constant 100 : i32
    %swap3A_612 = arith.index_cast %swap3A_611 : i32 to index
    %swap3A_613 = arith.constant 0 : index
    %swap3A_614 = tpu.vector_load %arg6[%swap3A_612, %swap3A_613] {strides = array<i32>} : memref<128x16xf32, #tpu.memory_space<vmem>>, vector<1x16xf32>,
    %swap3A_615 = vector.shape_cast %swap3A_614 : vector<1x16xf32> to vector<16xf32>
    %swap3A_616 = vector.shape_cast %broadcast_in_dim3A_11 : vector<16xf32> to vector<1x16xf32>
    tpu.vector_store %arg6[%swap3A_612, %swap3A_613], %swap3A_616 {strides = array<i32>} : memref<128x16xf32, #tpu.memory_space<vmem>>, vector<1x16xf32>,
    %swap3A_617 = arith.constant 101 : i32
    %swap3A_618 = arith.index_cast %swap3A_617 : i32 to index
    %swap3A_619 = arith.constant 0 : index
    %swap3A_620 = tpu.vector_load %arg6[%swap3A_618, %swap3A_619] {strides = array<i32>} : memref<128x16xf32, #tpu.memory_space<vmem>>, vector<1x16xf32>,
    %swap3A_621 = vector.shape_cast %swap3A_620 : vector<1x16xf32> to vector<16xf32>
    %swap3A_622 = vector.shape_cast %broadcast_in_dim3A_11 : vector<16xf32> to vector<1x16xf32>
    tpu.vector_store %arg6[%swap3A_618, %swap3A_619], %swap3A_622 {strides = array<i32>} : memref<128x16xf32, #tpu.memory_space<vmem>>, vector<1x16xf32>,
    %swap3A_623 = arith.constant 102 : i32
    %swap3A_624 = arith.index_cast %swap3A_623 : i32 to index
    %swap3A_625 = arith.constant 0 : index
    %swap3A_626 = tpu.vector_load %arg6[%swap3A_624, %swap3A_625] {strides = array<i32>} : memref<128x16xf32, #tpu.memory_space<vmem>>, vector<1x16xf32>,
    %swap3A_627 = vector.shape_cast %swap3A_626 : vector<1x16xf32> to vector<16xf32>
    %swap3A_628 = vector.shape_cast %broadcast_in_dim3A_11 : vector<16xf32> to vector<1x16xf32>
    tpu.vector_store %arg6[%swap3A_624, %swap3A_625], %swap3A_628 {strides = array<i32>} : memref<128x16xf32, #tpu.memory_space<vmem>>, vector<1x16xf32>,
    %swap3A_629 = arith.constant 103 : i32
    %swap3A_630 = arith.index_cast %swap3A_629 : i32 to index
    %swap3A_631 = arith.constant 0 : index
    %swap3A_632 = tpu.vector_load %arg6[%swap3A_630, %swap3A_631] {strides = array<i32>} : memref<128x16xf32, #tpu.memory_space<vmem>>, vector<1x16xf32>,
    %swap3A_633 = vector.shape_cast %swap3A_632 : vector<1x16xf32> to vector<16xf32>
    %swap3A_634 = vector.shape_cast %broadcast_in_dim3A_11 : vector<16xf32> to vector<1x16xf32>
    tpu.vector_store %arg6[%swap3A_630, %swap3A_631], %swap3A_634 {strides = array<i32>} : memref<128x16xf32, #tpu.memory_space<vmem>>, vector<1x16xf32>,
    %swap3A_635 = arith.constant 104 : i32
    %swap3A_636 = arith.index_cast %swap3A_635 : i32 to index
    %swap3A_637 = arith.constant 0 : index
    %swap3A_638 = tpu.vector_load %arg6[%swap3A_636, %swap3A_637] {strides = array<i32>} : memref<128x16xf32, #tpu.memory_space<vmem>>, vector<1x16xf32>,
    %swap3A_639 = vector.shape_cast %swap3A_638 : vector<1x16xf32> to vector<16xf32>
    %swap3A_640 = vector.shape_cast %broadcast_in_dim3A_11 : vector<16xf32> to vector<1x16xf32>
    tpu.vector_store %arg6[%swap3A_636, %swap3A_637], %swap3A_640 {strides = array<i32>} : memref<128x16xf32, #tpu.memory_space<vmem>>, vector<1x16xf32>,
    %swap3A_641 = arith.constant 105 : i32
    %swap3A_642 = arith.index_cast %swap3A_641 : i32 to index
    %swap3A_643 = arith.constant 0 : index
    %swap3A_644 = tpu.vector_load %arg6[%swap3A_642, %swap3A_643] {strides = array<i32>} : memref<128x16xf32, #tpu.memory_space<vmem>>, vector<1x16xf32>,
    %swap3A_645 = vector.shape_cast %swap3A_644 : vector<1x16xf32> to vector<16xf32>
    %swap3A_646 = vector.shape_cast %broadcast_in_dim3A_11 : vector<16xf32> to vector<1x16xf32>
    tpu.vector_store %arg6[%swap3A_642, %swap3A_643], %swap3A_646 {strides = array<i32>} : memref<128x16xf32, #tpu.memory_space<vmem>>, vector<1x16xf32>,
    %swap3A_647 = arith.constant 106 : i32
    %swap3A_648 = arith.index_cast %swap3A_647 : i32 to index
    %swap3A_649 = arith.constant 0 : index
    %swap3A_650 = tpu.vector_load %arg6[%swap3A_648, %swap3A_649] {strides = array<i32>} : memref<128x16xf32, #tpu.memory_space<vmem>>, vector<1x16xf32>,
    %swap3A_651 = vector.shape_cast %swap3A_650 : vector<1x16xf32> to vector<16xf32>
    %swap3A_652 = vector.shape_cast %broadcast_in_dim3A_11 : vector<16xf32> to vector<1x16xf32>
    tpu.vector_store %arg6[%swap3A_648, %swap3A_649], %swap3A_652 {strides = array<i32>} : memref<128x16xf32, #tpu.memory_space<vmem>>, vector<1x16xf32>,
    %swap3A_653 = arith.constant 107 : i32
    %swap3A_654 = arith.index_cast %swap3A_653 : i32 to index
    %swap3A_655 = arith.constant 0 : index
    %swap3A_656 = tpu.vector_load %arg6[%swap3A_654, %swap3A_655] {strides = array<i32>} : memref<128x16xf32, #tpu.memory_space<vmem>>, vector<1x16xf32>,
    %swap3A_657 = vector.shape_cast %swap3A_656 : vector<1x16xf32> to vector<16xf32>
    %swap3A_658 = vector.shape_cast %broadcast_in_dim3A_11 : vector<16xf32> to vector<1x16xf32>
    tpu.vector_store %arg6[%swap3A_654, %swap3A_655], %swap3A_658 {strides = array<i32>} : memref<128x16xf32, #tpu.memory_space<vmem>>, vector<1x16xf32>,
    %swap3A_659 = arith.constant 108 : i32
    %swap3A_660 = arith.index_cast %swap3A_659 : i32 to index
    %swap3A_661 = arith.constant 0 : index
    %swap3A_662 = tpu.vector_load %arg6[%swap3A_660, %swap3A_661] {strides = array<i32>} : memref<128x16xf32, #tpu.memory_space<vmem>>, vector<1x16xf32>,
    %swap3A_663 = vector.shape_cast %swap3A_662 : vector<1x16xf32> to vector<16xf32>
    %swap3A_664 = vector.shape_cast %broadcast_in_dim3A_11 : vector<16xf32> to vector<1x16xf32>
    tpu.vector_store %arg6[%swap3A_660, %swap3A_661], %swap3A_664 {strides = array<i32>} : memref<128x16xf32, #tpu.memory_space<vmem>>, vector<1x16xf32>,
    %swap3A_665 = arith.constant 109 : i32
    %swap3A_666 = arith.index_cast %swap3A_665 : i32 to index
    %swap3A_667 = arith.constant 0 : index
    %swap3A_668 = tpu.vector_load %arg6[%swap3A_666, %swap3A_667] {strides = array<i32>} : memref<128x16xf32, #tpu.memory_space<vmem>>, vector<1x16xf32>,
    %swap3A_669 = vector.shape_cast %swap3A_668 : vector<1x16xf32> to vector<16xf32>
    %swap3A_670 = vector.shape_cast %broadcast_in_dim3A_11 : vector<16xf32> to vector<1x16xf32>
    tpu.vector_store %arg6[%swap3A_666, %swap3A_667], %swap3A_670 {strides = array<i32>} : memref<128x16xf32, #tpu.memory_space<vmem>>, vector<1x16xf32>,
    %swap3A_671 = arith.constant 110 : i32
    %swap3A_672 = arith.index_cast %swap3A_671 : i32 to index
    %swap3A_673 = arith.constant 0 : index
    %swap3A_674 = tpu.vector_load %arg6[%swap3A_672, %swap3A_673] {strides = array<i32>} : memref<128x16xf32, #tpu.memory_space<vmem>>, vector<1x16xf32>,
    %swap3A_675 = vector.shape_cast %swap3A_674 : vector<1x16xf32> to vector<16xf32>
    %swap3A_676 = vector.shape_cast %broadcast_in_dim3A_11 : vector<16xf32> to vector<1x16xf32>
    tpu.vector_store %arg6[%swap3A_672, %swap3A_673], %swap3A_676 {strides = array<i32>} : memref<128x16xf32, #tpu.memory_space<vmem>>, vector<1x16xf32>,
    %swap3A_677 = arith.constant 111 : i32
    %swap3A_678 = arith.index_cast %swap3A_677 : i32 to index
    %swap3A_679 = arith.constant 0 : index
    %swap3A_680 = tpu.vector_load %arg6[%swap3A_678, %swap3A_679] {strides = array<i32>} : memref<128x16xf32, #tpu.memory_space<vmem>>, vector<1x16xf32>,
    %swap3A_681 = vector.shape_cast %swap3A_680 : vector<1x16xf32> to vector<16xf32>
    %swap3A_682 = vector.shape_cast %broadcast_in_dim3A_11 : vector<16xf32> to vector<1x16xf32>
    tpu.vector_store %arg6[%swap3A_678, %swap3A_679], %swap3A_682 {strides = array<i32>} : memref<128x16xf32, #tpu.memory_space<vmem>>, vector<1x16xf32>,
    %swap3A_683 = arith.constant 112 : i32
    %swap3A_684 = arith.index_cast %swap3A_683 : i32 to index
    %swap3A_685 = arith.constant 0 : index
    %swap3A_686 = tpu.vector_load %arg6[%swap3A_684, %swap3A_685] {strides = array<i32>} : memref<128x16xf32, #tpu.memory_space<vmem>>, vector<1x16xf32>,
    %swap3A_687 = vector.shape_cast %swap3A_686 : vector<1x16xf32> to vector<16xf32>
    %swap3A_688 = vector.shape_cast %broadcast_in_dim3A_11 : vector<16xf32> to vector<1x16xf32>
    tpu.vector_store %arg6[%swap3A_684, %swap3A_685], %swap3A_688 {strides = array<i32>} : memref<128x16xf32, #tpu.memory_space<vmem>>, vector<1x16xf32>,
    %swap3A_689 = arith.constant 113 : i32
    %swap3A_690 = arith.index_cast %swap3A_689 : i32 to index
    %swap3A_691 = arith.constant 0 : index
    %swap3A_692 = tpu.vector_load %arg6[%swap3A_690, %swap3A_691] {strides = array<i32>} : memref<128x16xf32, #tpu.memory_space<vmem>>, vector<1x16xf32>,
    %swap3A_693 = vector.shape_cast %swap3A_692 : vector<1x16xf32> to vector<16xf32>
    %swap3A_694 = vector.shape_cast %broadcast_in_dim3A_11 : vector<16xf32> to vector<1x16xf32>
    tpu.vector_store %arg6[%swap3A_690, %swap3A_691], %swap3A_694 {strides = array<i32>} : memref<128x16xf32, #tpu.memory_space<vmem>>, vector<1x16xf32>,
    %swap3A_695 = arith.constant 114 : i32
    %swap3A_696 = arith.index_cast %swap3A_695 : i32 to index
    %swap3A_697 = arith.constant 0 : index
    %swap3A_698 = tpu.vector_load %arg6[%swap3A_696, %swap3A_697] {strides = array<i32>} : memref<128x16xf32, #tpu.memory_space<vmem>>, vector<1x16xf32>,
    %swap3A_699 = vector.shape_cast %swap3A_698 : vector<1x16xf32> to vector<16xf32>
    %swap3A_700 = vector.shape_cast %broadcast_in_dim3A_11 : vector<16xf32> to vector<1x16xf32>
    tpu.vector_store %arg6[%swap3A_696, %swap3A_697], %swap3A_700 {strides = array<i32>} : memref<128x16xf32, #tpu.memory_space<vmem>>, vector<1x16xf32>,
    %swap3A_701 = arith.constant 115 : i32
    %swap3A_702 = arith.index_cast %swap3A_701 : i32 to index
    %swap3A_703 = arith.constant 0 : index
    %swap3A_704 = tpu.vector_load %arg6[%swap3A_702, %swap3A_703] {strides = array<i32>} : memref<128x16xf32, #tpu.memory_space<vmem>>, vector<1x16xf32>,
    %swap3A_705 = vector.shape_cast %swap3A_704 : vector<1x16xf32> to vector<16xf32>
    %swap3A_706 = vector.shape_cast %broadcast_in_dim3A_11 : vector<16xf32> to vector<1x16xf32>
    tpu.vector_store %arg6[%swap3A_702, %swap3A_703], %swap3A_706 {strides = array<i32>} : memref<128x16xf32, #tpu.memory_space<vmem>>, vector<1x16xf32>,
    %swap3A_707 = arith.constant 116 : i32
    %swap3A_708 = arith.index_cast %swap3A_707 : i32 to index
    %swap3A_709 = arith.constant 0 : index
    %swap3A_710 = tpu.vector_load %arg6[%swap3A_708, %swap3A_709] {strides = array<i32>} : memref<128x16xf32, #tpu.memory_space<vmem>>, vector<1x16xf32>,
    %swap3A_711 = vector.shape_cast %swap3A_710 : vector<1x16xf32> to vector<16xf32>
    %swap3A_712 = vector.shape_cast %broadcast_in_dim3A_11 : vector<16xf32> to vector<1x16xf32>
    tpu.vector_store %arg6[%swap3A_708, %swap3A_709], %swap3A_712 {strides = array<i32>} : memref<128x16xf32, #tpu.memory_space<vmem>>, vector<1x16xf32>,
    %swap3A_713 = arith.constant 117 : i32
    %swap3A_714 = arith.index_cast %swap3A_713 : i32 to index
    %swap3A_715 = arith.constant 0 : index
    %swap3A_716 = tpu.vector_load %arg6[%swap3A_714, %swap3A_715] {strides = array<i32>} : memref<128x16xf32, #tpu.memory_space<vmem>>, vector<1x16xf32>,
    %swap3A_717 = vector.shape_cast %swap3A_716 : vector<1x16xf32> to vector<16xf32>
    %swap3A_718 = vector.shape_cast %broadcast_in_dim3A_11 : vector<16xf32> to vector<1x16xf32>
    tpu.vector_store %arg6[%swap3A_714, %swap3A_715], %swap3A_718 {strides = array<i32>} : memref<128x16xf32, #tpu.memory_space<vmem>>, vector<1x16xf32>,
    %swap3A_719 = arith.constant 118 : i32
    %swap3A_720 = arith.index_cast %swap3A_719 : i32 to index
    %swap3A_721 = arith.constant 0 : index
    %swap3A_722 = tpu.vector_load %arg6[%swap3A_720, %swap3A_721] {strides = array<i32>} : memref<128x16xf32, #tpu.memory_space<vmem>>, vector<1x16xf32>,
    %swap3A_723 = vector.shape_cast %swap3A_722 : vector<1x16xf32> to vector<16xf32>
    %swap3A_724 = vector.shape_cast %broadcast_in_dim3A_11 : vector<16xf32> to vector<1x16xf32>
    tpu.vector_store %arg6[%swap3A_720, %swap3A_721], %swap3A_724 {strides = array<i32>} : memref<128x16xf32, #tpu.memory_space<vmem>>, vector<1x16xf32>,
    %swap3A_725 = arith.constant 119 : i32
    %swap3A_726 = arith.index_cast %swap3A_725 : i32 to index
    %swap3A_727 = arith.constant 0 : index
    %swap3A_728 = tpu.vector_load %arg6[%swap3A_726, %swap3A_727] {strides = array<i32>} : memref<128x16xf32, #tpu.memory_space<vmem>>, vector<1x16xf32>,
    %swap3A_729 = vector.shape_cast %swap3A_728 : vector<1x16xf32> to vector<16xf32>
    %swap3A_730 = vector.shape_cast %broadcast_in_dim3A_11 : vector<16xf32> to vector<1x16xf32>
    tpu.vector_store %arg6[%swap3A_726, %swap3A_727], %swap3A_730 {strides = array<i32>} : memref<128x16xf32, #tpu.memory_space<vmem>>, vector<1x16xf32>,
    %swap3A_731 = arith.constant 120 : i32
    %swap3A_732 = arith.index_cast %swap3A_731 : i32 to index
    %swap3A_733 = arith.constant 0 : index
    %swap3A_734 = tpu.vector_load %arg6[%swap3A_732, %swap3A_733] {strides = array<i32>} : memref<128x16xf32, #tpu.memory_space<vmem>>, vector<1x16xf32>,
    %swap3A_735 = vector.shape_cast %swap3A_734 : vector<1x16xf32> to vector<16xf32>
    %swap3A_736 = vector.shape_cast %broadcast_in_dim3A_11 : vector<16xf32> to vector<1x16xf32>
    tpu.vector_store %arg6[%swap3A_732, %swap3A_733], %swap3A_736 {strides = array<i32>} : memref<128x16xf32, #tpu.memory_space<vmem>>, vector<1x16xf32>,
    %swap3A_737 = arith.constant 121 : i32
    %swap3A_738 = arith.index_cast %swap3A_737 : i32 to index
    %swap3A_739 = arith.constant 0 : index
    %swap3A_740 = tpu.vector_load %arg6[%swap3A_738, %swap3A_739] {strides = array<i32>} : memref<128x16xf32, #tpu.memory_space<vmem>>, vector<1x16xf32>,
    %swap3A_741 = vector.shape_cast %swap3A_740 : vector<1x16xf32> to vector<16xf32>
    %swap3A_742 = vector.shape_cast %broadcast_in_dim3A_11 : vector<16xf32> to vector<1x16xf32>
    tpu.vector_store %arg6[%swap3A_738, %swap3A_739], %swap3A_742 {strides = array<i32>} : memref<128x16xf32, #tpu.memory_space<vmem>>, vector<1x16xf32>,
    %swap3A_743 = arith.constant 122 : i32
    %swap3A_744 = arith.index_cast %swap3A_743 : i32 to index
    %swap3A_745 = arith.constant 0 : index
    %swap3A_746 = tpu.vector_load %arg6[%swap3A_744, %swap3A_745] {strides = array<i32>} : memref<128x16xf32, #tpu.memory_space<vmem>>, vector<1x16xf32>,
    %swap3A_747 = vector.shape_cast %swap3A_746 : vector<1x16xf32> to vector<16xf32>
    %swap3A_748 = vector.shape_cast %broadcast_in_dim3A_11 : vector<16xf32> to vector<1x16xf32>
    tpu.vector_store %arg6[%swap3A_744, %swap3A_745], %swap3A_748 {strides = array<i32>} : memref<128x16xf32, #tpu.memory_space<vmem>>, vector<1x16xf32>,
    %swap3A_749 = arith.constant 123 : i32
    %swap3A_750 = arith.index_cast %swap3A_749 : i32 to index
    %swap3A_751 = arith.constant 0 : index
    %swap3A_752 = tpu.vector_load %arg6[%swap3A_750, %swap3A_751] {strides = array<i32>} : memref<128x16xf32, #tpu.memory_space<vmem>>, vector<1x16xf32>,
    %swap3A_753 = vector.shape_cast %swap3A_752 : vector<1x16xf32> to vector<16xf32>
    %swap3A_754 = vector.shape_cast %broadcast_in_dim3A_11 : vector<16xf32> to vector<1x16xf32>
    tpu.vector_store %arg6[%swap3A_750, %swap3A_751], %swap3A_754 {strides = array<i32>} : memref<128x16xf32, #tpu.memory_space<vmem>>, vector<1x16xf32>,
    %swap3A_755 = arith.constant 124 : i32
    %swap3A_756 = arith.index_cast %swap3A_755 : i32 to index
    %swap3A_757 = arith.constant 0 : index
    %swap3A_758 = tpu.vector_load %arg6[%swap3A_756, %swap3A_757] {strides = array<i32>} : memref<128x16xf32, #tpu.memory_space<vmem>>, vector<1x16xf32>,
    %swap3A_759 = vector.shape_cast %swap3A_758 : vector<1x16xf32> to vector<16xf32>
    %swap3A_760 = vector.shape_cast %broadcast_in_dim3A_11 : vector<16xf32> to vector<1x16xf32>
    tpu.vector_store %arg6[%swap3A_756, %swap3A_757], %swap3A_760 {strides = array<i32>} : memref<128x16xf32, #tpu.memory_space<vmem>>, vector<1x16xf32>,
    %swap3A_761 = arith.constant 125 : i32
    %swap3A_762 = arith.index_cast %swap3A_761 : i32 to index
    %swap3A_763 = arith.constant 0 : index
    %swap3A_764 = tpu.vector_load %arg6[%swap3A_762, %swap3A_763] {strides = array<i32>} : memref<128x16xf32, #tpu.memory_space<vmem>>, vector<1x16xf32>,
    %swap3A_765 = vector.shape_cast %swap3A_764 : vector<1x16xf32> to vector<16xf32>
    %swap3A_766 = vector.shape_cast %broadcast_in_dim3A_11 : vector<16xf32> to vector<1x16xf32>
    tpu.vector_store %arg6[%swap3A_762, %swap3A_763], %swap3A_766 {strides = array<i32>} : memref<128x16xf32, #tpu.memory_space<vmem>>, vector<1x16xf32>,
    %swap3A_767 = arith.constant 126 : i32
    %swap3A_768 = arith.index_cast %swap3A_767 : i32 to index
    %swap3A_769 = arith.constant 0 : index
    %swap3A_770 = tpu.vector_load %arg6[%swap3A_768, %swap3A_769] {strides = array<i32>} : memref<128x16xf32, #tpu.memory_space<vmem>>, vector<1x16xf32>,
    %swap3A_771 = vector.shape_cast %swap3A_770 : vector<1x16xf32> to vector<16xf32>
    %swap3A_772 = vector.shape_cast %broadcast_in_dim3A_11 : vector<16xf32> to vector<1x16xf32>
    tpu.vector_store %arg6[%swap3A_768, %swap3A_769], %swap3A_772 {strides = array<i32>} : memref<128x16xf32, #tpu.memory_space<vmem>>, vector<1x16xf32>,
    %swap3A_773 = arith.constant 127 : i32
    %swap3A_774 = arith.index_cast %swap3A_773 : i32 to index
    %swap3A_775 = arith.constant 0 : index
    %swap3A_776 = tpu.vector_load %arg6[%swap3A_774, %swap3A_775] {strides = array<i32>} : memref<128x16xf32, #tpu.memory_space<vmem>>, vector<1x16xf32>,
    %swap3A_777 = vector.shape_cast %swap3A_776 : vector<1x16xf32> to vector<16xf32>
    %swap3A_778 = vector.shape_cast %broadcast_in_dim3A_11 : vector<16xf32> to vector<1x16xf32>
    tpu.vector_store %arg6[%swap3A_774, %swap3A_775], %swap3A_778 {strides = array<i32>} : memref<128x16xf32, #tpu.memory_space<vmem>>, vector<1x16xf32>,
    %barrier3A = arith.constant 0 : index
    tpu.barrier barrier_id(%barrier3A)
    %while3A = arith.constant 0 : i32
    %while3A_779 = arith.constant 0 : i32
    %while3A_780 = arith.subi %select_n3A_8, %while3A_779 : i32
    %while3A_781 = arith.addi %while3A_779, %while3A_780 : i32
    %while3A_782 = arith.constant 1 : i32
    %while3A_783 = arith.divsi %while3A_780, %while3A_782 : i32
    %while3A_784 = arith.muli %while3A_783, %while3A_782 : i32
    %while3A_785 = arith.addi %while3A_779, %while3A_784 : i32
    %while3A_786 = arith.constant 1 : i32
    scf.for %while3A_799 = %while3A_779 to %while3A_785 step %while3A_786  : i32 {
      %dma_start3A = arith.constant 0 : i32
      %dma_start3A_800 = tpu.memref_slice %arg5[%while3A_799, %dma_start3A] : memref<80x128xi32, #tpu.memory_space<vmem>> -> memref<1x128xi32, #tpu.memory_space<vmem>>
      %dma_start3A_801 = tpu.memref_squeeze %dma_start3A_800 : memref<1x128xi32, #tpu.memory_space<vmem>> -> memref<128xi32, #tpu.memory_space<vmem>>
      %dma_start3A_802 = arith.constant 0 : i32
      %dma_start3A_803 = arith.constant 0 : i32
      %dma_start3A_804 = tpu.memref_slice %arg7[%dma_start3A_802, %dma_start3A_803] : memref<10240x16xf32, #tpu.memory_space<vmem_shared>> -> memref<10240x16xf32, #tpu.memory_space<vmem_shared>>
      tpu.enqueue_indirect_dma source(%arg6 : memref<128x16xf32, #tpu.memory_space<vmem>>) target(%dma_start3A_804 : memref<10240x16xf32, #tpu.memory_space<vmem_shared>>) offsets(%dma_start3A_801 : memref<128xi32, #tpu.memory_space<vmem>>) semaphore(%arg8 : memref<!tpu.dma_semaphore, #tpu.memory_space<semaphore_mem>>) {add = true}
    }
    %while3A_787 = arith.constant 1 : i32
    scf.for %while3A_799 = %while3A_785 to %while3A_781 step %while3A_787  : i32 {
      %dma_start3A = arith.constant 0 : i32
      %dma_start3A_800 = tpu.memref_slice %arg5[%while3A_799, %dma_start3A] : memref<80x128xi32, #tpu.memory_space<vmem>> -> memref<1x128xi32, #tpu.memory_space<vmem>>
      %dma_start3A_801 = tpu.memref_squeeze %dma_start3A_800 : memref<1x128xi32, #tpu.memory_space<vmem>> -> memref<128xi32, #tpu.memory_space<vmem>>
      %dma_start3A_802 = arith.constant 0 : i32
      %dma_start3A_803 = arith.constant 0 : i32
      %dma_start3A_804 = tpu.memref_slice %arg7[%dma_start3A_802, %dma_start3A_803] : memref<10240x16xf32, #tpu.memory_space<vmem_shared>> -> memref<10240x16xf32, #tpu.memory_space<vmem_shared>>
      tpu.enqueue_indirect_dma source(%arg6 : memref<128x16xf32, #tpu.memory_space<vmem>>) target(%dma_start3A_804 : memref<10240x16xf32, #tpu.memory_space<vmem_shared>>) offsets(%dma_start3A_801 : memref<128xi32, #tpu.memory_space<vmem>>) semaphore(%arg8 : memref<!tpu.dma_semaphore, #tpu.memory_space<semaphore_mem>>) {add = true}
    }
    %while3A_788 = arith.constant 0 : i32
    %while3A_789 = arith.constant 0 : i32
    %while3A_790 = arith.subi %select_n3A_8, %while3A_789 : i32
    %while3A_791 = arith.addi %while3A_789, %while3A_790 : i32
    %while3A_792 = arith.constant 1 : i32
    %while3A_793 = arith.divsi %while3A_790, %while3A_792 : i32
    %while3A_794 = arith.muli %while3A_793, %while3A_792 : i32
    %while3A_795 = arith.addi %while3A_789, %while3A_794 : i32
    %while3A_796 = arith.constant 1 : i32
    scf.for %while3A_799 = %while3A_789 to %while3A_795 step %while3A_796  : i32 {
      %dma_wait3A = arith.constant 0 : i32
      %dma_wait3A_800 = tpu.memref_slice %arg5[%while3A_799, %dma_wait3A] : memref<80x128xi32, #tpu.memory_space<vmem>> -> memref<1x128xi32, #tpu.memory_space<vmem>>
      %dma_wait3A_801 = tpu.memref_squeeze %dma_wait3A_800 : memref<1x128xi32, #tpu.memory_space<vmem>> -> memref<128xi32, #tpu.memory_space<vmem>>
      %dma_wait3A_802 = arith.constant 0 : i32
      %dma_wait3A_803 = arith.constant 0 : i32
      %dma_wait3A_804 = tpu.memref_slice %arg7[%dma_wait3A_802, %dma_wait3A_803] : memref<10240x16xf32, #tpu.memory_space<vmem_shared>> -> memref<10240x16xf32, #tpu.memory_space<vmem_shared>>
      tpu.wait_indirect_dma semaphore(%arg8 : memref<!tpu.dma_semaphore, #tpu.memory_space<semaphore_mem>>) src(%arg6 : memref<128x16xf32, #tpu.memory_space<vmem>>) dst(%dma_wait3A_804 : memref<10240x16xf32, #tpu.memory_space<vmem_shared>>)
    }
    %while3A_797 = arith.constant 1 : i32
    scf.for %while3A_799 = %while3A_795 to %while3A_791 step %while3A_797  : i32 {
      %dma_wait3A = arith.constant 0 : i32
      %dma_wait3A_800 = tpu.memref_slice %arg5[%while3A_799, %dma_wait3A] : memref<80x128xi32, #tpu.memory_space<vmem>> -> memref<1x128xi32, #tpu.memory_space<vmem>>
      %dma_wait3A_801 = tpu.memref_squeeze %dma_wait3A_800 : memref<1x128xi32, #tpu.memory_space<vmem>> -> memref<128xi32, #tpu.memory_space<vmem>>
      %dma_wait3A_802 = arith.constant 0 : i32
      %dma_wait3A_803 = arith.constant 0 : i32
      %dma_wait3A_804 = tpu.memref_slice %arg7[%dma_wait3A_802, %dma_wait3A_803] : memref<10240x16xf32, #tpu.memory_space<vmem_shared>> -> memref<10240x16xf32, #tpu.memory_space<vmem_shared>>
      tpu.wait_indirect_dma semaphore(%arg8 : memref<!tpu.dma_semaphore, #tpu.memory_space<semaphore_mem>>) src(%arg6 : memref<128x16xf32, #tpu.memory_space<vmem>>) dst(%dma_wait3A_804 : memref<10240x16xf32, #tpu.memory_space<vmem_shared>>)
    }
    %barrier3A_798 = arith.constant 0 : index
    tpu.barrier barrier_id(%barrier3A_798)
    "tpu.region"() ({
      %run_scoped3A = tpu.sem_alloc : memref<!tpu.dma_semaphore, #tpu.memory_space<semaphore_mem>>
      %dma_start3A = arith.constant 0 : i32
      %dma_start3A_799 = tpu.memref_slice %arg4[%arg0, %mul3A_10, %dma_start3A] : memref<2x10240x16xf32, #tpu.memory_space<hbm>> -> memref<1x640x16xf32, #tpu.memory_space<hbm>>
      %dma_start3A_800 = tpu.memref_squeeze %dma_start3A_799 : memref<1x640x16xf32, #tpu.memory_space<hbm>> -> memref<640x16xf32, #tpu.memory_space<hbm>>
      %dma_start3A_801 = arith.constant 0 : i32
      %dma_start3A_802 = tpu.memref_slice %arg7[%mul3A_10, %dma_start3A_801] : memref<10240x16xf32, #tpu.memory_space<vmem_shared>> -> memref<640x16xf32, #tpu.memory_space<vmem_shared>>
      tpu.enqueue_dma source(%dma_start3A_802 : memref<640x16xf32, #tpu.memory_space<vmem_shared>>) target(%dma_start3A_800 : memref<640x16xf32, #tpu.memory_space<hbm>>) target_semaphore(%run_scoped3A : memref<!tpu.dma_semaphore, #tpu.memory_space<semaphore_mem>>)
      %dma_wait3A = arith.constant 0 : i32
      %dma_wait3A_803 = tpu.memref_slice %arg4[%arg0, %mul3A_10, %dma_wait3A] : memref<2x10240x16xf32, #tpu.memory_space<hbm>> -> memref<1x640x16xf32, #tpu.memory_space<hbm>>
      %dma_wait3A_804 = tpu.memref_squeeze %dma_wait3A_803 : memref<1x640x16xf32, #tpu.memory_space<hbm>> -> memref<640x16xf32, #tpu.memory_space<hbm>>
      %dma_wait3A_805 = arith.constant 0 : i32
      %dma_wait3A_806 = tpu.memref_slice %arg7[%mul3A_10, %dma_wait3A_805] : memref<10240x16xf32, #tpu.memory_space<vmem_shared>> -> memref<640x16xf32, #tpu.memory_space<vmem_shared>>
      tpu.wait_dma2 semaphore(%run_scoped3A : memref<!tpu.dma_semaphore, #tpu.memory_space<semaphore_mem>>) src(%dma_wait3A_806 : memref<640x16xf32, #tpu.memory_space<vmem_shared>>) dst(%dma_wait3A_804 : memref<640x16xf32, #tpu.memory_space<hbm>>)
      tpu.yield
    }) : () -> ()
    return
  }
}

#map = affine_map<(d0, d1) -> (0, 0)>
#map1 = affine_map<(d0, d1) -> (0, 0, 0)>
module attributes {stable_mosaic.version = 14 : i64} {
  func.func @agg(%arg0: i32, %arg1: i32, %arg2: memref<10240x64xf32, #tpu.memory_space<hbm>>, %arg3: memref<2560x128xi32, #tpu.memory_space<hbm>>, %arg4: memref<2560x128xi32, #tpu.memory_space<hbm>>, %arg5: memref<10240x64xf32, #tpu.memory_space<hbm>>, %arg6: memref<2x10240x64xf32, #tpu.memory_space<hbm>>, %arg7: memref<4x128xi32, #tpu.memory_space<vmem>>, %arg8: memref<4x128xi32, #tpu.memory_space<vmem>>, %arg9: memref<128x64xf32, #tpu.memory_space<vmem>>, %arg10: memref<128x64xf32, #tpu.memory_space<vmem>>, %arg11: memref<128x64xf32, #tpu.memory_space<vmem>>, %arg12: memref<128x64xf32, #tpu.memory_space<vmem>>, %arg13: memref<10240x64xf32, #tpu.memory_space<vmem_shared>>, %arg14: memref<10240x64xf32, #tpu.memory_space<vmem_shared>>, %arg15: memref<!tpu.dma_semaphore, #tpu.memory_space<semaphore_mem>>, %arg16: memref<!tpu.dma_semaphore, #tpu.memory_space<semaphore_mem>>, %arg17: memref<!tpu.dma_semaphore, #tpu.memory_space<semaphore_mem>>, %arg18: memref<!tpu.dma_semaphore, #tpu.memory_space<semaphore_mem>>, %arg19: memref<!tpu.dma_semaphore, #tpu.memory_space<semaphore_mem>>, %arg20: memref<!tpu.dma_semaphore, #tpu.memory_space<semaphore_mem>>, %arg21: memref<!tpu.dma_semaphore, #tpu.memory_space<semaphore_mem>>, %arg22: memref<!tpu.dma_semaphore, #tpu.memory_space<semaphore_mem>>) attributes {dimension_semantics = [#tpu.dimension_semantics<core_parallel>, #tpu.dimension_semantics<subcore_parallel>], iteration_bounds = array<i64: 2, 16>, scalar_prefetch = 0 : i64, scratch_operands = 16 : i64, tpu.core_type = #tpu.core_type<sc_vector_subcore>, window_params = [{transform_indices = #map}, {transform_indices = #map}, {transform_indices = #map}, {transform_indices = #map}, {transform_indices = #map1}]} {
    %eq3A = arith.constant 0 : i32
    %eq3A_0 = arith.cmpi eq, %arg0, %eq3A : i32
    %mul3A = arith.constant 80 : i32
    %mul3A_1 = arith.muli %arg1, %mul3A : i32
    %mul3A_2 = arith.constant 80 : i32
    %mul3A_3 = arith.muli %arg1, %mul3A_2 : i32
    %add3A = arith.constant 1280 : i32
    %add3A_4 = arith.addi %add3A, %mul3A_3 : i32
    %select_n3A = arith.select %eq3A_0, %mul3A_1, %add3A_4 : i32
    %eq3A_5 = arith.constant 0 : i32
    %eq3A_6 = arith.cmpi eq, %arg0, %eq3A_5 : i32
    %jit3A = arith.constant 20 : i32
    %jit3A_7 = arith.constant 20 : i32
    %select_n3A_8 = arith.select %eq3A_6, %jit3A, %jit3A_7 : i32
    %mul3A_9 = arith.constant 640 : i32
    %mul3A_10 = arith.muli %arg1, %mul3A_9 : i32
    "tpu.region"() ({
      %run_scoped3A = tpu.sem_alloc : memref<!tpu.dma_semaphore, #tpu.memory_space<semaphore_mem>>
      %dma_start3A = arith.constant 0 : i32
      %dma_start3A_21 = tpu.memref_slice %arg13[%mul3A_10, %dma_start3A] : memref<10240x64xf32, #tpu.memory_space<vmem_shared>> -> memref<640x64xf32, #tpu.memory_space<vmem_shared>>
      %dma_start3A_22 = arith.constant 0 : i32
      %dma_start3A_23 = tpu.memref_slice %arg5[%mul3A_10, %dma_start3A_22] : memref<10240x64xf32, #tpu.memory_space<hbm>> -> memref<640x64xf32, #tpu.memory_space<hbm>>
      tpu.enqueue_dma source(%dma_start3A_23 : memref<640x64xf32, #tpu.memory_space<hbm>>) target(%dma_start3A_21 : memref<640x64xf32, #tpu.memory_space<vmem_shared>>) target_semaphore(%run_scoped3A : memref<!tpu.dma_semaphore, #tpu.memory_space<semaphore_mem>>)
      %dma_wait3A = arith.constant 0 : i32
      %dma_wait3A_24 = tpu.memref_slice %arg13[%mul3A_10, %dma_wait3A] : memref<10240x64xf32, #tpu.memory_space<vmem_shared>> -> memref<640x64xf32, #tpu.memory_space<vmem_shared>>
      %dma_wait3A_25 = arith.constant 0 : i32
      %dma_wait3A_26 = tpu.memref_slice %arg5[%mul3A_10, %dma_wait3A_25] : memref<10240x64xf32, #tpu.memory_space<hbm>> -> memref<640x64xf32, #tpu.memory_space<hbm>>
      tpu.wait_dma2 semaphore(%run_scoped3A : memref<!tpu.dma_semaphore, #tpu.memory_space<semaphore_mem>>) src(%dma_wait3A_26 : memref<640x64xf32, #tpu.memory_space<hbm>>) dst(%dma_wait3A_24 : memref<640x64xf32, #tpu.memory_space<vmem_shared>>)
      tpu.yield
    }) : () -> ()
    "tpu.region"() ({
      %run_scoped3A = tpu.sem_alloc : memref<!tpu.dma_semaphore, #tpu.memory_space<semaphore_mem>>
      %dma_start3A = arith.constant 0 : i32
      %dma_start3A_21 = tpu.memref_slice %arg14[%mul3A_10, %dma_start3A] : memref<10240x64xf32, #tpu.memory_space<vmem_shared>> -> memref<640x64xf32, #tpu.memory_space<vmem_shared>>
      %dma_start3A_22 = arith.constant 0 : i32
      %dma_start3A_23 = tpu.memref_slice %arg2[%mul3A_10, %dma_start3A_22] : memref<10240x64xf32, #tpu.memory_space<hbm>> -> memref<640x64xf32, #tpu.memory_space<hbm>>
      tpu.enqueue_dma source(%dma_start3A_23 : memref<640x64xf32, #tpu.memory_space<hbm>>) target(%dma_start3A_21 : memref<640x64xf32, #tpu.memory_space<vmem_shared>>) target_semaphore(%run_scoped3A : memref<!tpu.dma_semaphore, #tpu.memory_space<semaphore_mem>>)
      %dma_wait3A = arith.constant 0 : i32
      %dma_wait3A_24 = tpu.memref_slice %arg14[%mul3A_10, %dma_wait3A] : memref<10240x64xf32, #tpu.memory_space<vmem_shared>> -> memref<640x64xf32, #tpu.memory_space<vmem_shared>>
      %dma_wait3A_25 = arith.constant 0 : i32
      %dma_wait3A_26 = tpu.memref_slice %arg2[%mul3A_10, %dma_wait3A_25] : memref<10240x64xf32, #tpu.memory_space<hbm>> -> memref<640x64xf32, #tpu.memory_space<hbm>>
      tpu.wait_dma2 semaphore(%run_scoped3A : memref<!tpu.dma_semaphore, #tpu.memory_space<semaphore_mem>>) src(%dma_wait3A_26 : memref<640x64xf32, #tpu.memory_space<hbm>>) dst(%dma_wait3A_24 : memref<640x64xf32, #tpu.memory_space<vmem_shared>>)
      tpu.yield
    }) : () -> ()
    %barrier3A = arith.constant 0 : index
    tpu.barrier barrier_id(%barrier3A)
    %while3A = arith.constant 0 : i32
    %while3A_11 = arith.constant 0 : i32
    %while3A_12 = arith.subi %select_n3A_8, %while3A_11 : i32
    %while3A_13 = arith.addi %while3A_11, %while3A_12 : i32
    %while3A_14 = arith.constant 1 : i32
    %while3A_15 = arith.divsi %while3A_12, %while3A_14 : i32
    %while3A_16 = arith.muli %while3A_15, %while3A_14 : i32
    %while3A_17 = arith.addi %while3A_11, %while3A_16 : i32
    %while3A_18 = arith.constant 1 : i32
    scf.for %while3A_21 = %while3A_11 to %while3A_17 step %while3A_18  : i32 {
      %mul3A_22 = arith.constant 4 : i32
      %mul3A_23 = arith.muli %while3A_21, %mul3A_22 : i32
      %add3A_24 = arith.addi %select_n3A, %mul3A_23 : i32
      "tpu.region"() ({
        %run_scoped3A = tpu.sem_alloc : memref<!tpu.dma_semaphore, #tpu.memory_space<semaphore_mem>>
        %dma_start3A_135 = arith.constant 0 : i32
        %dma_start3A_136 = tpu.memref_slice %arg3[%add3A_24, %dma_start3A_135] : memref<2560x128xi32, #tpu.memory_space<hbm>> -> memref<4x128xi32, #tpu.memory_space<hbm>>
        %dma_start3A_137 = arith.constant 0 : i32
        %dma_start3A_138 = tpu.memref_slice %arg3[%add3A_24, %dma_start3A_137] : memref<2560x128xi32, #tpu.memory_space<hbm>> -> memref<4x128xi32, #tpu.memory_space<hbm>>
        tpu.enqueue_dma source(%dma_start3A_138 : memref<4x128xi32, #tpu.memory_space<hbm>>) target(%arg7 : memref<4x128xi32, #tpu.memory_space<vmem>>) target_semaphore(%run_scoped3A : memref<!tpu.dma_semaphore, #tpu.memory_space<semaphore_mem>>)
        %dma_wait3A_139 = arith.constant 0 : i32
        %dma_wait3A_140 = tpu.memref_slice %arg3[%add3A_24, %dma_wait3A_139] : memref<2560x128xi32, #tpu.memory_space<hbm>> -> memref<4x128xi32, #tpu.memory_space<hbm>>
        %dma_wait3A_141 = arith.constant 0 : i32
        %dma_wait3A_142 = tpu.memref_slice %arg3[%add3A_24, %dma_wait3A_141] : memref<2560x128xi32, #tpu.memory_space<hbm>> -> memref<4x128xi32, #tpu.memory_space<hbm>>
        tpu.wait_dma2 semaphore(%run_scoped3A : memref<!tpu.dma_semaphore, #tpu.memory_space<semaphore_mem>>) src(%dma_wait3A_142 : memref<4x128xi32, #tpu.memory_space<hbm>>) dst(%arg7 : memref<4x128xi32, #tpu.memory_space<vmem>>)
        tpu.yield
      }) : () -> ()
      "tpu.region"() ({
        %run_scoped3A = tpu.sem_alloc : memref<!tpu.dma_semaphore, #tpu.memory_space<semaphore_mem>>
        %dma_start3A_135 = arith.constant 0 : i32
        %dma_start3A_136 = tpu.memref_slice %arg4[%add3A_24, %dma_start3A_135] : memref<2560x128xi32, #tpu.memory_space<hbm>> -> memref<4x128xi32, #tpu.memory_space<hbm>>
        %dma_start3A_137 = arith.constant 0 : i32
        %dma_start3A_138 = tpu.memref_slice %arg4[%add3A_24, %dma_start3A_137] : memref<2560x128xi32, #tpu.memory_space<hbm>> -> memref<4x128xi32, #tpu.memory_space<hbm>>
        tpu.enqueue_dma source(%dma_start3A_138 : memref<4x128xi32, #tpu.memory_space<hbm>>) target(%arg8 : memref<4x128xi32, #tpu.memory_space<vmem>>) target_semaphore(%run_scoped3A : memref<!tpu.dma_semaphore, #tpu.memory_space<semaphore_mem>>)
        %dma_wait3A_139 = arith.constant 0 : i32
        %dma_wait3A_140 = tpu.memref_slice %arg4[%add3A_24, %dma_wait3A_139] : memref<2560x128xi32, #tpu.memory_space<hbm>> -> memref<4x128xi32, #tpu.memory_space<hbm>>
        %dma_wait3A_141 = arith.constant 0 : i32
        %dma_wait3A_142 = tpu.memref_slice %arg4[%add3A_24, %dma_wait3A_141] : memref<2560x128xi32, #tpu.memory_space<hbm>> -> memref<4x128xi32, #tpu.memory_space<hbm>>
        tpu.wait_dma2 semaphore(%run_scoped3A : memref<!tpu.dma_semaphore, #tpu.memory_space<semaphore_mem>>) src(%dma_wait3A_142 : memref<4x128xi32, #tpu.memory_space<hbm>>) dst(%arg8 : memref<4x128xi32, #tpu.memory_space<vmem>>)
        tpu.yield
      }) : () -> ()
      %dma_start3A = arith.constant 0 : i32
      %dma_start3A_25 = arith.constant 0 : i32
      %dma_start3A_26 = tpu.memref_slice %arg7[%dma_start3A, %dma_start3A_25] : memref<4x128xi32, #tpu.memory_space<vmem>> -> memref<1x128xi32, #tpu.memory_space<vmem>>
      %dma_start3A_27 = tpu.memref_squeeze %dma_start3A_26 : memref<1x128xi32, #tpu.memory_space<vmem>> -> memref<128xi32, #tpu.memory_space<vmem>>
      %dma_start3A_28 = arith.constant 0 : i32
      %dma_start3A_29 = arith.constant 0 : i32
      %dma_start3A_30 = tpu.memref_slice %arg14[%dma_start3A_28, %dma_start3A_29] : memref<10240x64xf32, #tpu.memory_space<vmem_shared>> -> memref<10240x64xf32, #tpu.memory_space<vmem_shared>>
      tpu.enqueue_indirect_dma source(%dma_start3A_30 : memref<10240x64xf32, #tpu.memory_space<vmem_shared>>) target(%arg9 : memref<128x64xf32, #tpu.memory_space<vmem>>) offsets(%dma_start3A_27 : memref<128xi32, #tpu.memory_space<vmem>>) semaphore(%arg15 : memref<!tpu.dma_semaphore, #tpu.memory_space<semaphore_mem>>)
      %dma_start3A_31 = arith.constant 1 : i32
      %dma_start3A_32 = arith.constant 0 : i32
      %dma_start3A_33 = tpu.memref_slice %arg7[%dma_start3A_31, %dma_start3A_32] : memref<4x128xi32, #tpu.memory_space<vmem>> -> memref<1x128xi32, #tpu.memory_space<vmem>>
      %dma_start3A_34 = tpu.memref_squeeze %dma_start3A_33 : memref<1x128xi32, #tpu.memory_space<vmem>> -> memref<128xi32, #tpu.memory_space<vmem>>
      %dma_start3A_35 = arith.constant 0 : i32
      %dma_start3A_36 = arith.constant 0 : i32
      %dma_start3A_37 = tpu.memref_slice %arg14[%dma_start3A_35, %dma_start3A_36] : memref<10240x64xf32, #tpu.memory_space<vmem_shared>> -> memref<10240x64xf32, #tpu.memory_space<vmem_shared>>
      tpu.enqueue_indirect_dma source(%dma_start3A_37 : memref<10240x64xf32, #tpu.memory_space<vmem_shared>>) target(%arg10 : memref<128x64xf32, #tpu.memory_space<vmem>>) offsets(%dma_start3A_34 : memref<128xi32, #tpu.memory_space<vmem>>) semaphore(%arg16 : memref<!tpu.dma_semaphore, #tpu.memory_space<semaphore_mem>>)
      %dma_start3A_38 = arith.constant 2 : i32
      %dma_start3A_39 = arith.constant 0 : i32
      %dma_start3A_40 = tpu.memref_slice %arg7[%dma_start3A_38, %dma_start3A_39] : memref<4x128xi32, #tpu.memory_space<vmem>> -> memref<1x128xi32, #tpu.memory_space<vmem>>
      %dma_start3A_41 = tpu.memref_squeeze %dma_start3A_40 : memref<1x128xi32, #tpu.memory_space<vmem>> -> memref<128xi32, #tpu.memory_space<vmem>>
      %dma_start3A_42 = arith.constant 0 : i32
      %dma_start3A_43 = arith.constant 0 : i32
      %dma_start3A_44 = tpu.memref_slice %arg14[%dma_start3A_42, %dma_start3A_43] : memref<10240x64xf32, #tpu.memory_space<vmem_shared>> -> memref<10240x64xf32, #tpu.memory_space<vmem_shared>>
      tpu.enqueue_indirect_dma source(%dma_start3A_44 : memref<10240x64xf32, #tpu.memory_space<vmem_shared>>) target(%arg11 : memref<128x64xf32, #tpu.memory_space<vmem>>) offsets(%dma_start3A_41 : memref<128xi32, #tpu.memory_space<vmem>>) semaphore(%arg17 : memref<!tpu.dma_semaphore, #tpu.memory_space<semaphore_mem>>)
      %dma_start3A_45 = arith.constant 3 : i32
      %dma_start3A_46 = arith.constant 0 : i32
      %dma_start3A_47 = tpu.memref_slice %arg7[%dma_start3A_45, %dma_start3A_46] : memref<4x128xi32, #tpu.memory_space<vmem>> -> memref<1x128xi32, #tpu.memory_space<vmem>>
      %dma_start3A_48 = tpu.memref_squeeze %dma_start3A_47 : memref<1x128xi32, #tpu.memory_space<vmem>> -> memref<128xi32, #tpu.memory_space<vmem>>
      %dma_start3A_49 = arith.constant 0 : i32
      %dma_start3A_50 = arith.constant 0 : i32
      %dma_start3A_51 = tpu.memref_slice %arg14[%dma_start3A_49, %dma_start3A_50] : memref<10240x64xf32, #tpu.memory_space<vmem_shared>> -> memref<10240x64xf32, #tpu.memory_space<vmem_shared>>
      tpu.enqueue_indirect_dma source(%dma_start3A_51 : memref<10240x64xf32, #tpu.memory_space<vmem_shared>>) target(%arg12 : memref<128x64xf32, #tpu.memory_space<vmem>>) offsets(%dma_start3A_48 : memref<128xi32, #tpu.memory_space<vmem>>) semaphore(%arg18 : memref<!tpu.dma_semaphore, #tpu.memory_space<semaphore_mem>>)
      %dma_wait3A = arith.constant 0 : i32
      %dma_wait3A_52 = arith.constant 0 : i32
      %dma_wait3A_53 = tpu.memref_slice %arg7[%dma_wait3A, %dma_wait3A_52] : memref<4x128xi32, #tpu.memory_space<vmem>> -> memref<1x128xi32, #tpu.memory_space<vmem>>
      %dma_wait3A_54 = tpu.memref_squeeze %dma_wait3A_53 : memref<1x128xi32, #tpu.memory_space<vmem>> -> memref<128xi32, #tpu.memory_space<vmem>>
      %dma_wait3A_55 = arith.constant 0 : i32
      %dma_wait3A_56 = arith.constant 0 : i32
      %dma_wait3A_57 = tpu.memref_slice %arg14[%dma_wait3A_55, %dma_wait3A_56] : memref<10240x64xf32, #tpu.memory_space<vmem_shared>> -> memref<10240x64xf32, #tpu.memory_space<vmem_shared>>
      tpu.wait_indirect_dma semaphore(%arg15 : memref<!tpu.dma_semaphore, #tpu.memory_space<semaphore_mem>>) src(%dma_wait3A_57 : memref<10240x64xf32, #tpu.memory_space<vmem_shared>>) dst(%arg9 : memref<128x64xf32, #tpu.memory_space<vmem>>)
      %dma_start3A_58 = arith.constant 0 : i32
      %dma_start3A_59 = arith.constant 0 : i32
      %dma_start3A_60 = tpu.memref_slice %arg8[%dma_start3A_58, %dma_start3A_59] : memref<4x128xi32, #tpu.memory_space<vmem>> -> memref<1x128xi32, #tpu.memory_space<vmem>>
      %dma_start3A_61 = tpu.memref_squeeze %dma_start3A_60 : memref<1x128xi32, #tpu.memory_space<vmem>> -> memref<128xi32, #tpu.memory_space<vmem>>
      %dma_start3A_62 = arith.constant 0 : i32
      %dma_start3A_63 = arith.constant 0 : i32
      %dma_start3A_64 = tpu.memref_slice %arg13[%dma_start3A_62, %dma_start3A_63] : memref<10240x64xf32, #tpu.memory_space<vmem_shared>> -> memref<10240x64xf32, #tpu.memory_space<vmem_shared>>
      tpu.enqueue_indirect_dma source(%arg9 : memref<128x64xf32, #tpu.memory_space<vmem>>) target(%dma_start3A_64 : memref<10240x64xf32, #tpu.memory_space<vmem_shared>>) offsets(%dma_start3A_61 : memref<128xi32, #tpu.memory_space<vmem>>) semaphore(%arg19 : memref<!tpu.dma_semaphore, #tpu.memory_space<semaphore_mem>>) {add = true}
      %dma_wait3A_65 = arith.constant 1 : i32
      %dma_wait3A_66 = arith.constant 0 : i32
      %dma_wait3A_67 = tpu.memref_slice %arg7[%dma_wait3A_65, %dma_wait3A_66] : memref<4x128xi32, #tpu.memory_space<vmem>> -> memref<1x128xi32, #tpu.memory_space<vmem>>
      %dma_wait3A_68 = tpu.memref_squeeze %dma_wait3A_67 : memref<1x128xi32, #tpu.memory_space<vmem>> -> memref<128xi32, #tpu.memory_space<vmem>>
      %dma_wait3A_69 = arith.constant 0 : i32
      %dma_wait3A_70 = arith.constant 0 : i32
      %dma_wait3A_71 = tpu.memref_slice %arg14[%dma_wait3A_69, %dma_wait3A_70] : memref<10240x64xf32, #tpu.memory_space<vmem_shared>> -> memref<10240x64xf32, #tpu.memory_space<vmem_shared>>
      tpu.wait_indirect_dma semaphore(%arg16 : memref<!tpu.dma_semaphore, #tpu.memory_space<semaphore_mem>>) src(%dma_wait3A_71 : memref<10240x64xf32, #tpu.memory_space<vmem_shared>>) dst(%arg10 : memref<128x64xf32, #tpu.memory_space<vmem>>)
      %dma_start3A_72 = arith.constant 1 : i32
      %dma_start3A_73 = arith.constant 0 : i32
      %dma_start3A_74 = tpu.memref_slice %arg8[%dma_start3A_72, %dma_start3A_73] : memref<4x128xi32, #tpu.memory_space<vmem>> -> memref<1x128xi32, #tpu.memory_space<vmem>>
      %dma_start3A_75 = tpu.memref_squeeze %dma_start3A_74 : memref<1x128xi32, #tpu.memory_space<vmem>> -> memref<128xi32, #tpu.memory_space<vmem>>
      %dma_start3A_76 = arith.constant 0 : i32
      %dma_start3A_77 = arith.constant 0 : i32
      %dma_start3A_78 = tpu.memref_slice %arg13[%dma_start3A_76, %dma_start3A_77] : memref<10240x64xf32, #tpu.memory_space<vmem_shared>> -> memref<10240x64xf32, #tpu.memory_space<vmem_shared>>
      tpu.enqueue_indirect_dma source(%arg10 : memref<128x64xf32, #tpu.memory_space<vmem>>) target(%dma_start3A_78 : memref<10240x64xf32, #tpu.memory_space<vmem_shared>>) offsets(%dma_start3A_75 : memref<128xi32, #tpu.memory_space<vmem>>) semaphore(%arg20 : memref<!tpu.dma_semaphore, #tpu.memory_space<semaphore_mem>>) {add = true}
      %dma_wait3A_79 = arith.constant 2 : i32
      %dma_wait3A_80 = arith.constant 0 : i32
      %dma_wait3A_81 = tpu.memref_slice %arg7[%dma_wait3A_79, %dma_wait3A_80] : memref<4x128xi32, #tpu.memory_space<vmem>> -> memref<1x128xi32, #tpu.memory_space<vmem>>
      %dma_wait3A_82 = tpu.memref_squeeze %dma_wait3A_81 : memref<1x128xi32, #tpu.memory_space<vmem>> -> memref<128xi32, #tpu.memory_space<vmem>>
      %dma_wait3A_83 = arith.constant 0 : i32
      %dma_wait3A_84 = arith.constant 0 : i32
      %dma_wait3A_85 = tpu.memref_slice %arg14[%dma_wait3A_83, %dma_wait3A_84] : memref<10240x64xf32, #tpu.memory_space<vmem_shared>> -> memref<10240x64xf32, #tpu.memory_space<vmem_shared>>
      tpu.wait_indirect_dma semaphore(%arg17 : memref<!tpu.dma_semaphore, #tpu.memory_space<semaphore_mem>>) src(%dma_wait3A_85 : memref<10240x64xf32, #tpu.memory_space<vmem_shared>>) dst(%arg11 : memref<128x64xf32, #tpu.memory_space<vmem>>)
      %dma_start3A_86 = arith.constant 2 : i32
      %dma_start3A_87 = arith.constant 0 : i32
      %dma_start3A_88 = tpu.memref_slice %arg8[%dma_start3A_86, %dma_start3A_87] : memref<4x128xi32, #tpu.memory_space<vmem>> -> memref<1x128xi32, #tpu.memory_space<vmem>>
      %dma_start3A_89 = tpu.memref_squeeze %dma_start3A_88 : memref<1x128xi32, #tpu.memory_space<vmem>> -> memref<128xi32, #tpu.memory_space<vmem>>
      %dma_start3A_90 = arith.constant 0 : i32
      %dma_start3A_91 = arith.constant 0 : i32
      %dma_start3A_92 = tpu.memref_slice %arg13[%dma_start3A_90, %dma_start3A_91] : memref<10240x64xf32, #tpu.memory_space<vmem_shared>> -> memref<10240x64xf32, #tpu.memory_space<vmem_shared>>
      tpu.enqueue_indirect_dma source(%arg11 : memref<128x64xf32, #tpu.memory_space<vmem>>) target(%dma_start3A_92 : memref<10240x64xf32, #tpu.memory_space<vmem_shared>>) offsets(%dma_start3A_89 : memref<128xi32, #tpu.memory_space<vmem>>) semaphore(%arg21 : memref<!tpu.dma_semaphore, #tpu.memory_space<semaphore_mem>>) {add = true}
      %dma_wait3A_93 = arith.constant 3 : i32
      %dma_wait3A_94 = arith.constant 0 : i32
      %dma_wait3A_95 = tpu.memref_slice %arg7[%dma_wait3A_93, %dma_wait3A_94] : memref<4x128xi32, #tpu.memory_space<vmem>> -> memref<1x128xi32, #tpu.memory_space<vmem>>
      %dma_wait3A_96 = tpu.memref_squeeze %dma_wait3A_95 : memref<1x128xi32, #tpu.memory_space<vmem>> -> memref<128xi32, #tpu.memory_space<vmem>>
      %dma_wait3A_97 = arith.constant 0 : i32
      %dma_wait3A_98 = arith.constant 0 : i32
      %dma_wait3A_99 = tpu.memref_slice %arg14[%dma_wait3A_97, %dma_wait3A_98] : memref<10240x64xf32, #tpu.memory_space<vmem_shared>> -> memref<10240x64xf32, #tpu.memory_space<vmem_shared>>
      tpu.wait_indirect_dma semaphore(%arg18 : memref<!tpu.dma_semaphore, #tpu.memory_space<semaphore_mem>>) src(%dma_wait3A_99 : memref<10240x64xf32, #tpu.memory_space<vmem_shared>>) dst(%arg12 : memref<128x64xf32, #tpu.memory_space<vmem>>)
      %dma_start3A_100 = arith.constant 3 : i32
      %dma_start3A_101 = arith.constant 0 : i32
      %dma_start3A_102 = tpu.memref_slice %arg8[%dma_start3A_100, %dma_start3A_101] : memref<4x128xi32, #tpu.memory_space<vmem>> -> memref<1x128xi32, #tpu.memory_space<vmem>>
      %dma_start3A_103 = tpu.memref_squeeze %dma_start3A_102 : memref<1x128xi32, #tpu.memory_space<vmem>> -> memref<128xi32, #tpu.memory_space<vmem>>
      %dma_start3A_104 = arith.constant 0 : i32
      %dma_start3A_105 = arith.constant 0 : i32
      %dma_start3A_106 = tpu.memref_slice %arg13[%dma_start3A_104, %dma_start3A_105] : memref<10240x64xf32, #tpu.memory_space<vmem_shared>> -> memref<10240x64xf32, #tpu.memory_space<vmem_shared>>
      tpu.enqueue_indirect_dma source(%arg12 : memref<128x64xf32, #tpu.memory_space<vmem>>) target(%dma_start3A_106 : memref<10240x64xf32, #tpu.memory_space<vmem_shared>>) offsets(%dma_start3A_103 : memref<128xi32, #tpu.memory_space<vmem>>) semaphore(%arg22 : memref<!tpu.dma_semaphore, #tpu.memory_space<semaphore_mem>>) {add = true}
      %dma_wait3A_107 = arith.constant 0 : i32
      %dma_wait3A_108 = arith.constant 0 : i32
      %dma_wait3A_109 = tpu.memref_slice %arg8[%dma_wait3A_107, %dma_wait3A_108] : memref<4x128xi32, #tpu.memory_space<vmem>> -> memref<1x128xi32, #tpu.memory_space<vmem>>
      %dma_wait3A_110 = tpu.memref_squeeze %dma_wait3A_109 : memref<1x128xi32, #tpu.memory_space<vmem>> -> memref<128xi32, #tpu.memory_space<vmem>>
      %dma_wait3A_111 = arith.constant 0 : i32
      %dma_wait3A_112 = arith.constant 0 : i32
      %dma_wait3A_113 = tpu.memref_slice %arg13[%dma_wait3A_111, %dma_wait3A_112] : memref<10240x64xf32, #tpu.memory_space<vmem_shared>> -> memref<10240x64xf32, #tpu.memory_space<vmem_shared>>
      tpu.wait_indirect_dma semaphore(%arg19 : memref<!tpu.dma_semaphore, #tpu.memory_space<semaphore_mem>>) src(%arg9 : memref<128x64xf32, #tpu.memory_space<vmem>>) dst(%dma_wait3A_113 : memref<10240x64xf32, #tpu.memory_space<vmem_shared>>)
      %dma_wait3A_114 = arith.constant 1 : i32
      %dma_wait3A_115 = arith.constant 0 : i32
      %dma_wait3A_116 = tpu.memref_slice %arg8[%dma_wait3A_114, %dma_wait3A_115] : memref<4x128xi32, #tpu.memory_space<vmem>> -> memref<1x128xi32, #tpu.memory_space<vmem>>
      %dma_wait3A_117 = tpu.memref_squeeze %dma_wait3A_116 : memref<1x128xi32, #tpu.memory_space<vmem>> -> memref<128xi32, #tpu.memory_space<vmem>>
      %dma_wait3A_118 = arith.constant 0 : i32
      %dma_wait3A_119 = arith.constant 0 : i32
      %dma_wait3A_120 = tpu.memref_slice %arg13[%dma_wait3A_118, %dma_wait3A_119] : memref<10240x64xf32, #tpu.memory_space<vmem_shared>> -> memref<10240x64xf32, #tpu.memory_space<vmem_shared>>
      tpu.wait_indirect_dma semaphore(%arg20 : memref<!tpu.dma_semaphore, #tpu.memory_space<semaphore_mem>>) src(%arg10 : memref<128x64xf32, #tpu.memory_space<vmem>>) dst(%dma_wait3A_120 : memref<10240x64xf32, #tpu.memory_space<vmem_shared>>)
      %dma_wait3A_121 = arith.constant 2 : i32
      %dma_wait3A_122 = arith.constant 0 : i32
      %dma_wait3A_123 = tpu.memref_slice %arg8[%dma_wait3A_121, %dma_wait3A_122] : memref<4x128xi32, #tpu.memory_space<vmem>> -> memref<1x128xi32, #tpu.memory_space<vmem>>
      %dma_wait3A_124 = tpu.memref_squeeze %dma_wait3A_123 : memref<1x128xi32, #tpu.memory_space<vmem>> -> memref<128xi32, #tpu.memory_space<vmem>>
      %dma_wait3A_125 = arith.constant 0 : i32
      %dma_wait3A_126 = arith.constant 0 : i32
      %dma_wait3A_127 = tpu.memref_slice %arg13[%dma_wait3A_125, %dma_wait3A_126] : memref<10240x64xf32, #tpu.memory_space<vmem_shared>> -> memref<10240x64xf32, #tpu.memory_space<vmem_shared>>
      tpu.wait_indirect_dma semaphore(%arg21 : memref<!tpu.dma_semaphore, #tpu.memory_space<semaphore_mem>>) src(%arg11 : memref<128x64xf32, #tpu.memory_space<vmem>>) dst(%dma_wait3A_127 : memref<10240x64xf32, #tpu.memory_space<vmem_shared>>)
      %dma_wait3A_128 = arith.constant 3 : i32
      %dma_wait3A_129 = arith.constant 0 : i32
      %dma_wait3A_130 = tpu.memref_slice %arg8[%dma_wait3A_128, %dma_wait3A_129] : memref<4x128xi32, #tpu.memory_space<vmem>> -> memref<1x128xi32, #tpu.memory_space<vmem>>
      %dma_wait3A_131 = tpu.memref_squeeze %dma_wait3A_130 : memref<1x128xi32, #tpu.memory_space<vmem>> -> memref<128xi32, #tpu.memory_space<vmem>>
      %dma_wait3A_132 = arith.constant 0 : i32
      %dma_wait3A_133 = arith.constant 0 : i32
      %dma_wait3A_134 = tpu.memref_slice %arg13[%dma_wait3A_132, %dma_wait3A_133] : memref<10240x64xf32, #tpu.memory_space<vmem_shared>> -> memref<10240x64xf32, #tpu.memory_space<vmem_shared>>
      tpu.wait_indirect_dma semaphore(%arg22 : memref<!tpu.dma_semaphore, #tpu.memory_space<semaphore_mem>>) src(%arg12 : memref<128x64xf32, #tpu.memory_space<vmem>>) dst(%dma_wait3A_134 : memref<10240x64xf32, #tpu.memory_space<vmem_shared>>)
    }
    %while3A_19 = arith.constant 1 : i32
    scf.for %while3A_21 = %while3A_17 to %while3A_13 step %while3A_19  : i32 {
      %mul3A_22 = arith.constant 4 : i32
      %mul3A_23 = arith.muli %while3A_21, %mul3A_22 : i32
      %add3A_24 = arith.addi %select_n3A, %mul3A_23 : i32
      "tpu.region"() ({
        %run_scoped3A = tpu.sem_alloc : memref<!tpu.dma_semaphore, #tpu.memory_space<semaphore_mem>>
        %dma_start3A_135 = arith.constant 0 : i32
        %dma_start3A_136 = tpu.memref_slice %arg3[%add3A_24, %dma_start3A_135] : memref<2560x128xi32, #tpu.memory_space<hbm>> -> memref<4x128xi32, #tpu.memory_space<hbm>>
        %dma_start3A_137 = arith.constant 0 : i32
        %dma_start3A_138 = tpu.memref_slice %arg3[%add3A_24, %dma_start3A_137] : memref<2560x128xi32, #tpu.memory_space<hbm>> -> memref<4x128xi32, #tpu.memory_space<hbm>>
        tpu.enqueue_dma source(%dma_start3A_138 : memref<4x128xi32, #tpu.memory_space<hbm>>) target(%arg7 : memref<4x128xi32, #tpu.memory_space<vmem>>) target_semaphore(%run_scoped3A : memref<!tpu.dma_semaphore, #tpu.memory_space<semaphore_mem>>)
        %dma_wait3A_139 = arith.constant 0 : i32
        %dma_wait3A_140 = tpu.memref_slice %arg3[%add3A_24, %dma_wait3A_139] : memref<2560x128xi32, #tpu.memory_space<hbm>> -> memref<4x128xi32, #tpu.memory_space<hbm>>
        %dma_wait3A_141 = arith.constant 0 : i32
        %dma_wait3A_142 = tpu.memref_slice %arg3[%add3A_24, %dma_wait3A_141] : memref<2560x128xi32, #tpu.memory_space<hbm>> -> memref<4x128xi32, #tpu.memory_space<hbm>>
        tpu.wait_dma2 semaphore(%run_scoped3A : memref<!tpu.dma_semaphore, #tpu.memory_space<semaphore_mem>>) src(%dma_wait3A_142 : memref<4x128xi32, #tpu.memory_space<hbm>>) dst(%arg7 : memref<4x128xi32, #tpu.memory_space<vmem>>)
        tpu.yield
      }) : () -> ()
      "tpu.region"() ({
        %run_scoped3A = tpu.sem_alloc : memref<!tpu.dma_semaphore, #tpu.memory_space<semaphore_mem>>
        %dma_start3A_135 = arith.constant 0 : i32
        %dma_start3A_136 = tpu.memref_slice %arg4[%add3A_24, %dma_start3A_135] : memref<2560x128xi32, #tpu.memory_space<hbm>> -> memref<4x128xi32, #tpu.memory_space<hbm>>
        %dma_start3A_137 = arith.constant 0 : i32
        %dma_start3A_138 = tpu.memref_slice %arg4[%add3A_24, %dma_start3A_137] : memref<2560x128xi32, #tpu.memory_space<hbm>> -> memref<4x128xi32, #tpu.memory_space<hbm>>
        tpu.enqueue_dma source(%dma_start3A_138 : memref<4x128xi32, #tpu.memory_space<hbm>>) target(%arg8 : memref<4x128xi32, #tpu.memory_space<vmem>>) target_semaphore(%run_scoped3A : memref<!tpu.dma_semaphore, #tpu.memory_space<semaphore_mem>>)
        %dma_wait3A_139 = arith.constant 0 : i32
        %dma_wait3A_140 = tpu.memref_slice %arg4[%add3A_24, %dma_wait3A_139] : memref<2560x128xi32, #tpu.memory_space<hbm>> -> memref<4x128xi32, #tpu.memory_space<hbm>>
        %dma_wait3A_141 = arith.constant 0 : i32
        %dma_wait3A_142 = tpu.memref_slice %arg4[%add3A_24, %dma_wait3A_141] : memref<2560x128xi32, #tpu.memory_space<hbm>> -> memref<4x128xi32, #tpu.memory_space<hbm>>
        tpu.wait_dma2 semaphore(%run_scoped3A : memref<!tpu.dma_semaphore, #tpu.memory_space<semaphore_mem>>) src(%dma_wait3A_142 : memref<4x128xi32, #tpu.memory_space<hbm>>) dst(%arg8 : memref<4x128xi32, #tpu.memory_space<vmem>>)
        tpu.yield
      }) : () -> ()
      %dma_start3A = arith.constant 0 : i32
      %dma_start3A_25 = arith.constant 0 : i32
      %dma_start3A_26 = tpu.memref_slice %arg7[%dma_start3A, %dma_start3A_25] : memref<4x128xi32, #tpu.memory_space<vmem>> -> memref<1x128xi32, #tpu.memory_space<vmem>>
      %dma_start3A_27 = tpu.memref_squeeze %dma_start3A_26 : memref<1x128xi32, #tpu.memory_space<vmem>> -> memref<128xi32, #tpu.memory_space<vmem>>
      %dma_start3A_28 = arith.constant 0 : i32
      %dma_start3A_29 = arith.constant 0 : i32
      %dma_start3A_30 = tpu.memref_slice %arg14[%dma_start3A_28, %dma_start3A_29] : memref<10240x64xf32, #tpu.memory_space<vmem_shared>> -> memref<10240x64xf32, #tpu.memory_space<vmem_shared>>
      tpu.enqueue_indirect_dma source(%dma_start3A_30 : memref<10240x64xf32, #tpu.memory_space<vmem_shared>>) target(%arg9 : memref<128x64xf32, #tpu.memory_space<vmem>>) offsets(%dma_start3A_27 : memref<128xi32, #tpu.memory_space<vmem>>) semaphore(%arg15 : memref<!tpu.dma_semaphore, #tpu.memory_space<semaphore_mem>>)
      %dma_start3A_31 = arith.constant 1 : i32
      %dma_start3A_32 = arith.constant 0 : i32
      %dma_start3A_33 = tpu.memref_slice %arg7[%dma_start3A_31, %dma_start3A_32] : memref<4x128xi32, #tpu.memory_space<vmem>> -> memref<1x128xi32, #tpu.memory_space<vmem>>
      %dma_start3A_34 = tpu.memref_squeeze %dma_start3A_33 : memref<1x128xi32, #tpu.memory_space<vmem>> -> memref<128xi32, #tpu.memory_space<vmem>>
      %dma_start3A_35 = arith.constant 0 : i32
      %dma_start3A_36 = arith.constant 0 : i32
      %dma_start3A_37 = tpu.memref_slice %arg14[%dma_start3A_35, %dma_start3A_36] : memref<10240x64xf32, #tpu.memory_space<vmem_shared>> -> memref<10240x64xf32, #tpu.memory_space<vmem_shared>>
      tpu.enqueue_indirect_dma source(%dma_start3A_37 : memref<10240x64xf32, #tpu.memory_space<vmem_shared>>) target(%arg10 : memref<128x64xf32, #tpu.memory_space<vmem>>) offsets(%dma_start3A_34 : memref<128xi32, #tpu.memory_space<vmem>>) semaphore(%arg16 : memref<!tpu.dma_semaphore, #tpu.memory_space<semaphore_mem>>)
      %dma_start3A_38 = arith.constant 2 : i32
      %dma_start3A_39 = arith.constant 0 : i32
      %dma_start3A_40 = tpu.memref_slice %arg7[%dma_start3A_38, %dma_start3A_39] : memref<4x128xi32, #tpu.memory_space<vmem>> -> memref<1x128xi32, #tpu.memory_space<vmem>>
      %dma_start3A_41 = tpu.memref_squeeze %dma_start3A_40 : memref<1x128xi32, #tpu.memory_space<vmem>> -> memref<128xi32, #tpu.memory_space<vmem>>
      %dma_start3A_42 = arith.constant 0 : i32
      %dma_start3A_43 = arith.constant 0 : i32
      %dma_start3A_44 = tpu.memref_slice %arg14[%dma_start3A_42, %dma_start3A_43] : memref<10240x64xf32, #tpu.memory_space<vmem_shared>> -> memref<10240x64xf32, #tpu.memory_space<vmem_shared>>
      tpu.enqueue_indirect_dma source(%dma_start3A_44 : memref<10240x64xf32, #tpu.memory_space<vmem_shared>>) target(%arg11 : memref<128x64xf32, #tpu.memory_space<vmem>>) offsets(%dma_start3A_41 : memref<128xi32, #tpu.memory_space<vmem>>) semaphore(%arg17 : memref<!tpu.dma_semaphore, #tpu.memory_space<semaphore_mem>>)
      %dma_start3A_45 = arith.constant 3 : i32
      %dma_start3A_46 = arith.constant 0 : i32
      %dma_start3A_47 = tpu.memref_slice %arg7[%dma_start3A_45, %dma_start3A_46] : memref<4x128xi32, #tpu.memory_space<vmem>> -> memref<1x128xi32, #tpu.memory_space<vmem>>
      %dma_start3A_48 = tpu.memref_squeeze %dma_start3A_47 : memref<1x128xi32, #tpu.memory_space<vmem>> -> memref<128xi32, #tpu.memory_space<vmem>>
      %dma_start3A_49 = arith.constant 0 : i32
      %dma_start3A_50 = arith.constant 0 : i32
      %dma_start3A_51 = tpu.memref_slice %arg14[%dma_start3A_49, %dma_start3A_50] : memref<10240x64xf32, #tpu.memory_space<vmem_shared>> -> memref<10240x64xf32, #tpu.memory_space<vmem_shared>>
      tpu.enqueue_indirect_dma source(%dma_start3A_51 : memref<10240x64xf32, #tpu.memory_space<vmem_shared>>) target(%arg12 : memref<128x64xf32, #tpu.memory_space<vmem>>) offsets(%dma_start3A_48 : memref<128xi32, #tpu.memory_space<vmem>>) semaphore(%arg18 : memref<!tpu.dma_semaphore, #tpu.memory_space<semaphore_mem>>)
      %dma_wait3A = arith.constant 0 : i32
      %dma_wait3A_52 = arith.constant 0 : i32
      %dma_wait3A_53 = tpu.memref_slice %arg7[%dma_wait3A, %dma_wait3A_52] : memref<4x128xi32, #tpu.memory_space<vmem>> -> memref<1x128xi32, #tpu.memory_space<vmem>>
      %dma_wait3A_54 = tpu.memref_squeeze %dma_wait3A_53 : memref<1x128xi32, #tpu.memory_space<vmem>> -> memref<128xi32, #tpu.memory_space<vmem>>
      %dma_wait3A_55 = arith.constant 0 : i32
      %dma_wait3A_56 = arith.constant 0 : i32
      %dma_wait3A_57 = tpu.memref_slice %arg14[%dma_wait3A_55, %dma_wait3A_56] : memref<10240x64xf32, #tpu.memory_space<vmem_shared>> -> memref<10240x64xf32, #tpu.memory_space<vmem_shared>>
      tpu.wait_indirect_dma semaphore(%arg15 : memref<!tpu.dma_semaphore, #tpu.memory_space<semaphore_mem>>) src(%dma_wait3A_57 : memref<10240x64xf32, #tpu.memory_space<vmem_shared>>) dst(%arg9 : memref<128x64xf32, #tpu.memory_space<vmem>>)
      %dma_start3A_58 = arith.constant 0 : i32
      %dma_start3A_59 = arith.constant 0 : i32
      %dma_start3A_60 = tpu.memref_slice %arg8[%dma_start3A_58, %dma_start3A_59] : memref<4x128xi32, #tpu.memory_space<vmem>> -> memref<1x128xi32, #tpu.memory_space<vmem>>
      %dma_start3A_61 = tpu.memref_squeeze %dma_start3A_60 : memref<1x128xi32, #tpu.memory_space<vmem>> -> memref<128xi32, #tpu.memory_space<vmem>>
      %dma_start3A_62 = arith.constant 0 : i32
      %dma_start3A_63 = arith.constant 0 : i32
      %dma_start3A_64 = tpu.memref_slice %arg13[%dma_start3A_62, %dma_start3A_63] : memref<10240x64xf32, #tpu.memory_space<vmem_shared>> -> memref<10240x64xf32, #tpu.memory_space<vmem_shared>>
      tpu.enqueue_indirect_dma source(%arg9 : memref<128x64xf32, #tpu.memory_space<vmem>>) target(%dma_start3A_64 : memref<10240x64xf32, #tpu.memory_space<vmem_shared>>) offsets(%dma_start3A_61 : memref<128xi32, #tpu.memory_space<vmem>>) semaphore(%arg19 : memref<!tpu.dma_semaphore, #tpu.memory_space<semaphore_mem>>) {add = true}
      %dma_wait3A_65 = arith.constant 1 : i32
      %dma_wait3A_66 = arith.constant 0 : i32
      %dma_wait3A_67 = tpu.memref_slice %arg7[%dma_wait3A_65, %dma_wait3A_66] : memref<4x128xi32, #tpu.memory_space<vmem>> -> memref<1x128xi32, #tpu.memory_space<vmem>>
      %dma_wait3A_68 = tpu.memref_squeeze %dma_wait3A_67 : memref<1x128xi32, #tpu.memory_space<vmem>> -> memref<128xi32, #tpu.memory_space<vmem>>
      %dma_wait3A_69 = arith.constant 0 : i32
      %dma_wait3A_70 = arith.constant 0 : i32
      %dma_wait3A_71 = tpu.memref_slice %arg14[%dma_wait3A_69, %dma_wait3A_70] : memref<10240x64xf32, #tpu.memory_space<vmem_shared>> -> memref<10240x64xf32, #tpu.memory_space<vmem_shared>>
      tpu.wait_indirect_dma semaphore(%arg16 : memref<!tpu.dma_semaphore, #tpu.memory_space<semaphore_mem>>) src(%dma_wait3A_71 : memref<10240x64xf32, #tpu.memory_space<vmem_shared>>) dst(%arg10 : memref<128x64xf32, #tpu.memory_space<vmem>>)
      %dma_start3A_72 = arith.constant 1 : i32
      %dma_start3A_73 = arith.constant 0 : i32
      %dma_start3A_74 = tpu.memref_slice %arg8[%dma_start3A_72, %dma_start3A_73] : memref<4x128xi32, #tpu.memory_space<vmem>> -> memref<1x128xi32, #tpu.memory_space<vmem>>
      %dma_start3A_75 = tpu.memref_squeeze %dma_start3A_74 : memref<1x128xi32, #tpu.memory_space<vmem>> -> memref<128xi32, #tpu.memory_space<vmem>>
      %dma_start3A_76 = arith.constant 0 : i32
      %dma_start3A_77 = arith.constant 0 : i32
      %dma_start3A_78 = tpu.memref_slice %arg13[%dma_start3A_76, %dma_start3A_77] : memref<10240x64xf32, #tpu.memory_space<vmem_shared>> -> memref<10240x64xf32, #tpu.memory_space<vmem_shared>>
      tpu.enqueue_indirect_dma source(%arg10 : memref<128x64xf32, #tpu.memory_space<vmem>>) target(%dma_start3A_78 : memref<10240x64xf32, #tpu.memory_space<vmem_shared>>) offsets(%dma_start3A_75 : memref<128xi32, #tpu.memory_space<vmem>>) semaphore(%arg20 : memref<!tpu.dma_semaphore, #tpu.memory_space<semaphore_mem>>) {add = true}
      %dma_wait3A_79 = arith.constant 2 : i32
      %dma_wait3A_80 = arith.constant 0 : i32
      %dma_wait3A_81 = tpu.memref_slice %arg7[%dma_wait3A_79, %dma_wait3A_80] : memref<4x128xi32, #tpu.memory_space<vmem>> -> memref<1x128xi32, #tpu.memory_space<vmem>>
      %dma_wait3A_82 = tpu.memref_squeeze %dma_wait3A_81 : memref<1x128xi32, #tpu.memory_space<vmem>> -> memref<128xi32, #tpu.memory_space<vmem>>
      %dma_wait3A_83 = arith.constant 0 : i32
      %dma_wait3A_84 = arith.constant 0 : i32
      %dma_wait3A_85 = tpu.memref_slice %arg14[%dma_wait3A_83, %dma_wait3A_84] : memref<10240x64xf32, #tpu.memory_space<vmem_shared>> -> memref<10240x64xf32, #tpu.memory_space<vmem_shared>>
      tpu.wait_indirect_dma semaphore(%arg17 : memref<!tpu.dma_semaphore, #tpu.memory_space<semaphore_mem>>) src(%dma_wait3A_85 : memref<10240x64xf32, #tpu.memory_space<vmem_shared>>) dst(%arg11 : memref<128x64xf32, #tpu.memory_space<vmem>>)
      %dma_start3A_86 = arith.constant 2 : i32
      %dma_start3A_87 = arith.constant 0 : i32
      %dma_start3A_88 = tpu.memref_slice %arg8[%dma_start3A_86, %dma_start3A_87] : memref<4x128xi32, #tpu.memory_space<vmem>> -> memref<1x128xi32, #tpu.memory_space<vmem>>
      %dma_start3A_89 = tpu.memref_squeeze %dma_start3A_88 : memref<1x128xi32, #tpu.memory_space<vmem>> -> memref<128xi32, #tpu.memory_space<vmem>>
      %dma_start3A_90 = arith.constant 0 : i32
      %dma_start3A_91 = arith.constant 0 : i32
      %dma_start3A_92 = tpu.memref_slice %arg13[%dma_start3A_90, %dma_start3A_91] : memref<10240x64xf32, #tpu.memory_space<vmem_shared>> -> memref<10240x64xf32, #tpu.memory_space<vmem_shared>>
      tpu.enqueue_indirect_dma source(%arg11 : memref<128x64xf32, #tpu.memory_space<vmem>>) target(%dma_start3A_92 : memref<10240x64xf32, #tpu.memory_space<vmem_shared>>) offsets(%dma_start3A_89 : memref<128xi32, #tpu.memory_space<vmem>>) semaphore(%arg21 : memref<!tpu.dma_semaphore, #tpu.memory_space<semaphore_mem>>) {add = true}
      %dma_wait3A_93 = arith.constant 3 : i32
      %dma_wait3A_94 = arith.constant 0 : i32
      %dma_wait3A_95 = tpu.memref_slice %arg7[%dma_wait3A_93, %dma_wait3A_94] : memref<4x128xi32, #tpu.memory_space<vmem>> -> memref<1x128xi32, #tpu.memory_space<vmem>>
      %dma_wait3A_96 = tpu.memref_squeeze %dma_wait3A_95 : memref<1x128xi32, #tpu.memory_space<vmem>> -> memref<128xi32, #tpu.memory_space<vmem>>
      %dma_wait3A_97 = arith.constant 0 : i32
      %dma_wait3A_98 = arith.constant 0 : i32
      %dma_wait3A_99 = tpu.memref_slice %arg14[%dma_wait3A_97, %dma_wait3A_98] : memref<10240x64xf32, #tpu.memory_space<vmem_shared>> -> memref<10240x64xf32, #tpu.memory_space<vmem_shared>>
      tpu.wait_indirect_dma semaphore(%arg18 : memref<!tpu.dma_semaphore, #tpu.memory_space<semaphore_mem>>) src(%dma_wait3A_99 : memref<10240x64xf32, #tpu.memory_space<vmem_shared>>) dst(%arg12 : memref<128x64xf32, #tpu.memory_space<vmem>>)
      %dma_start3A_100 = arith.constant 3 : i32
      %dma_start3A_101 = arith.constant 0 : i32
      %dma_start3A_102 = tpu.memref_slice %arg8[%dma_start3A_100, %dma_start3A_101] : memref<4x128xi32, #tpu.memory_space<vmem>> -> memref<1x128xi32, #tpu.memory_space<vmem>>
      %dma_start3A_103 = tpu.memref_squeeze %dma_start3A_102 : memref<1x128xi32, #tpu.memory_space<vmem>> -> memref<128xi32, #tpu.memory_space<vmem>>
      %dma_start3A_104 = arith.constant 0 : i32
      %dma_start3A_105 = arith.constant 0 : i32
      %dma_start3A_106 = tpu.memref_slice %arg13[%dma_start3A_104, %dma_start3A_105] : memref<10240x64xf32, #tpu.memory_space<vmem_shared>> -> memref<10240x64xf32, #tpu.memory_space<vmem_shared>>
      tpu.enqueue_indirect_dma source(%arg12 : memref<128x64xf32, #tpu.memory_space<vmem>>) target(%dma_start3A_106 : memref<10240x64xf32, #tpu.memory_space<vmem_shared>>) offsets(%dma_start3A_103 : memref<128xi32, #tpu.memory_space<vmem>>) semaphore(%arg22 : memref<!tpu.dma_semaphore, #tpu.memory_space<semaphore_mem>>) {add = true}
      %dma_wait3A_107 = arith.constant 0 : i32
      %dma_wait3A_108 = arith.constant 0 : i32
      %dma_wait3A_109 = tpu.memref_slice %arg8[%dma_wait3A_107, %dma_wait3A_108] : memref<4x128xi32, #tpu.memory_space<vmem>> -> memref<1x128xi32, #tpu.memory_space<vmem>>
      %dma_wait3A_110 = tpu.memref_squeeze %dma_wait3A_109 : memref<1x128xi32, #tpu.memory_space<vmem>> -> memref<128xi32, #tpu.memory_space<vmem>>
      %dma_wait3A_111 = arith.constant 0 : i32
      %dma_wait3A_112 = arith.constant 0 : i32
      %dma_wait3A_113 = tpu.memref_slice %arg13[%dma_wait3A_111, %dma_wait3A_112] : memref<10240x64xf32, #tpu.memory_space<vmem_shared>> -> memref<10240x64xf32, #tpu.memory_space<vmem_shared>>
      tpu.wait_indirect_dma semaphore(%arg19 : memref<!tpu.dma_semaphore, #tpu.memory_space<semaphore_mem>>) src(%arg9 : memref<128x64xf32, #tpu.memory_space<vmem>>) dst(%dma_wait3A_113 : memref<10240x64xf32, #tpu.memory_space<vmem_shared>>)
      %dma_wait3A_114 = arith.constant 1 : i32
      %dma_wait3A_115 = arith.constant 0 : i32
      %dma_wait3A_116 = tpu.memref_slice %arg8[%dma_wait3A_114, %dma_wait3A_115] : memref<4x128xi32, #tpu.memory_space<vmem>> -> memref<1x128xi32, #tpu.memory_space<vmem>>
      %dma_wait3A_117 = tpu.memref_squeeze %dma_wait3A_116 : memref<1x128xi32, #tpu.memory_space<vmem>> -> memref<128xi32, #tpu.memory_space<vmem>>
      %dma_wait3A_118 = arith.constant 0 : i32
      %dma_wait3A_119 = arith.constant 0 : i32
      %dma_wait3A_120 = tpu.memref_slice %arg13[%dma_wait3A_118, %dma_wait3A_119] : memref<10240x64xf32, #tpu.memory_space<vmem_shared>> -> memref<10240x64xf32, #tpu.memory_space<vmem_shared>>
      tpu.wait_indirect_dma semaphore(%arg20 : memref<!tpu.dma_semaphore, #tpu.memory_space<semaphore_mem>>) src(%arg10 : memref<128x64xf32, #tpu.memory_space<vmem>>) dst(%dma_wait3A_120 : memref<10240x64xf32, #tpu.memory_space<vmem_shared>>)
      %dma_wait3A_121 = arith.constant 2 : i32
      %dma_wait3A_122 = arith.constant 0 : i32
      %dma_wait3A_123 = tpu.memref_slice %arg8[%dma_wait3A_121, %dma_wait3A_122] : memref<4x128xi32, #tpu.memory_space<vmem>> -> memref<1x128xi32, #tpu.memory_space<vmem>>
      %dma_wait3A_124 = tpu.memref_squeeze %dma_wait3A_123 : memref<1x128xi32, #tpu.memory_space<vmem>> -> memref<128xi32, #tpu.memory_space<vmem>>
      %dma_wait3A_125 = arith.constant 0 : i32
      %dma_wait3A_126 = arith.constant 0 : i32
      %dma_wait3A_127 = tpu.memref_slice %arg13[%dma_wait3A_125, %dma_wait3A_126] : memref<10240x64xf32, #tpu.memory_space<vmem_shared>> -> memref<10240x64xf32, #tpu.memory_space<vmem_shared>>
      tpu.wait_indirect_dma semaphore(%arg21 : memref<!tpu.dma_semaphore, #tpu.memory_space<semaphore_mem>>) src(%arg11 : memref<128x64xf32, #tpu.memory_space<vmem>>) dst(%dma_wait3A_127 : memref<10240x64xf32, #tpu.memory_space<vmem_shared>>)
      %dma_wait3A_128 = arith.constant 3 : i32
      %dma_wait3A_129 = arith.constant 0 : i32
      %dma_wait3A_130 = tpu.memref_slice %arg8[%dma_wait3A_128, %dma_wait3A_129] : memref<4x128xi32, #tpu.memory_space<vmem>> -> memref<1x128xi32, #tpu.memory_space<vmem>>
      %dma_wait3A_131 = tpu.memref_squeeze %dma_wait3A_130 : memref<1x128xi32, #tpu.memory_space<vmem>> -> memref<128xi32, #tpu.memory_space<vmem>>
      %dma_wait3A_132 = arith.constant 0 : i32
      %dma_wait3A_133 = arith.constant 0 : i32
      %dma_wait3A_134 = tpu.memref_slice %arg13[%dma_wait3A_132, %dma_wait3A_133] : memref<10240x64xf32, #tpu.memory_space<vmem_shared>> -> memref<10240x64xf32, #tpu.memory_space<vmem_shared>>
      tpu.wait_indirect_dma semaphore(%arg22 : memref<!tpu.dma_semaphore, #tpu.memory_space<semaphore_mem>>) src(%arg12 : memref<128x64xf32, #tpu.memory_space<vmem>>) dst(%dma_wait3A_134 : memref<10240x64xf32, #tpu.memory_space<vmem_shared>>)
    }
    %barrier3A_20 = arith.constant 0 : index
    tpu.barrier barrier_id(%barrier3A_20)
    "tpu.region"() ({
      %run_scoped3A = tpu.sem_alloc : memref<!tpu.dma_semaphore, #tpu.memory_space<semaphore_mem>>
      %dma_start3A = arith.constant 0 : i32
      %dma_start3A_21 = tpu.memref_slice %arg6[%arg0, %mul3A_10, %dma_start3A] : memref<2x10240x64xf32, #tpu.memory_space<hbm>> -> memref<1x640x64xf32, #tpu.memory_space<hbm>>
      %dma_start3A_22 = tpu.memref_squeeze %dma_start3A_21 : memref<1x640x64xf32, #tpu.memory_space<hbm>> -> memref<640x64xf32, #tpu.memory_space<hbm>>
      %dma_start3A_23 = arith.constant 0 : i32
      %dma_start3A_24 = tpu.memref_slice %arg13[%mul3A_10, %dma_start3A_23] : memref<10240x64xf32, #tpu.memory_space<vmem_shared>> -> memref<640x64xf32, #tpu.memory_space<vmem_shared>>
      tpu.enqueue_dma source(%dma_start3A_24 : memref<640x64xf32, #tpu.memory_space<vmem_shared>>) target(%dma_start3A_22 : memref<640x64xf32, #tpu.memory_space<hbm>>) target_semaphore(%run_scoped3A : memref<!tpu.dma_semaphore, #tpu.memory_space<semaphore_mem>>)
      %dma_wait3A = arith.constant 0 : i32
      %dma_wait3A_25 = tpu.memref_slice %arg6[%arg0, %mul3A_10, %dma_wait3A] : memref<2x10240x64xf32, #tpu.memory_space<hbm>> -> memref<1x640x64xf32, #tpu.memory_space<hbm>>
      %dma_wait3A_26 = tpu.memref_squeeze %dma_wait3A_25 : memref<1x640x64xf32, #tpu.memory_space<hbm>> -> memref<640x64xf32, #tpu.memory_space<hbm>>
      %dma_wait3A_27 = arith.constant 0 : i32
      %dma_wait3A_28 = tpu.memref_slice %arg13[%mul3A_10, %dma_wait3A_27] : memref<10240x64xf32, #tpu.memory_space<vmem_shared>> -> memref<640x64xf32, #tpu.memory_space<vmem_shared>>
      tpu.wait_dma2 semaphore(%run_scoped3A : memref<!tpu.dma_semaphore, #tpu.memory_space<semaphore_mem>>) src(%dma_wait3A_28 : memref<640x64xf32, #tpu.memory_space<vmem_shared>>) dst(%dma_wait3A_26 : memref<640x64xf32, #tpu.memory_space<hbm>>)
      tpu.yield
    }) : () -> ()
    return
  }
}

module attributes {stable_mosaic.version = 14 : i64} {
  func.func @body(%arg0: i32, %arg1: memref<1024x128xf32, #tpu.memory_space<vmem>>, %arg2: memref<128x128xf32, #tpu.memory_space<vmem>>, %arg3: memref<1024x128xf32, #tpu.memory_space<vmem>>) attributes {dimension_semantics = [#tpu.dimension_semantics<arbitrary>], iteration_bounds = array<i64: 10>, scalar_prefetch = 0 : i64, scratch_operands = 0 : i64, tpu.core_type = #tpu.core_type<tc>, window_params = [{transform_indices = @transform_0, window_bounds = array<i64: 1024, 128>}, {pipeline_mode = #tpu.pipeline_mode<synchronous>, transform_indices = @transform_1, window_bounds = array<i64: 128, 128>}, {transform_indices = @transform_2, window_bounds = array<i64: 1024, 128>}]} {
    %get3A = arith.constant 0 : index
    %get3A_0 = arith.constant 0 : index
    %get3A_1 = vector.load %arg1[%get3A, %get3A_0] : memref<1024x128xf32, #tpu.memory_space<vmem>>, vector<1024x128xf32>
    %get3A_2 = arith.constant 0 : index
    %get3A_3 = arith.constant 0 : index
    %get3A_4 = vector.load %arg2[%get3A_2, %get3A_3] : memref<128x128xf32, #tpu.memory_space<vmem>>, vector<128x128xf32>
    %dot_general3A = arith.constant dense<0.000000e+00> : vector<1024x128xf32>
    %dot_general3A_5 = tpu.matmul %get3A_1, %get3A_4, %dot_general3A {dimension_numbers = #tpu.dot_dimension_numbers<[1], [0], [0], [1], [0, 0, 1, 1], [], []>, transpose_lhs_hint = false} : vector<1024x128xf32>, vector<128x128xf32>, vector<1024x128xf32> -> vector<1024x128xf32>
    %swap3A = arith.constant 0 : index
    %swap3A_6 = arith.constant 0 : index
    %swap3A_7 = vector.load %arg3[%swap3A, %swap3A_6] : memref<1024x128xf32, #tpu.memory_space<vmem>>, vector<1024x128xf32>
    tpu.vector_store %arg3[%swap3A, %swap3A_6], %dot_general3A_5 {strides = array<i32>} : memref<1024x128xf32, #tpu.memory_space<vmem>>, vector<1024x128xf32>,
    return
  }
  func.func @transform_0(%arg0: i32) -> (i32, i32) {
    %c0_i32 = arith.constant 0 : i32
    %c0_i32_0 = arith.constant 0 : i32
    return %arg0, %c0_i32 : i32, i32
  }
  func.func @transform_1(%arg0: i32) -> (i32, i32) {
    %c0_i32 = arith.constant 0 : i32
    %c0_i32_0 = arith.constant 0 : i32
    %c0_i32_1 = arith.constant 0 : i32
    return %c0_i32, %c0_i32_0 : i32, i32
  }
  func.func @transform_2(%arg0: i32) -> (i32, i32) {
    %c0_i32 = arith.constant 0 : i32
    %c0_i32_0 = arith.constant 0 : i32
    return %arg0, %c0_i32 : i32, i32
  }
}

module attributes {stable_mosaic.version = 14 : i64} {
  func.func @body(%arg0: i32, %arg1: memref<1024x128xf32, #tpu.memory_space<vmem>>, %arg2: memref<2x1024x16xf32, #tpu.memory_space<vmem>>, %arg3: memref<1024x64xf32, #tpu.memory_space<vmem>>, %arg4: memref<1024x64xf32, #tpu.memory_space<vmem>>) attributes {dimension_semantics = [#tpu.dimension_semantics<arbitrary>], iteration_bounds = array<i64: 10>, scalar_prefetch = 0 : i64, scratch_operands = 0 : i64, tpu.core_type = #tpu.core_type<tc>, window_params = [{transform_indices = @transform_0, window_bounds = array<i64: 1024, 128>}, {transform_indices = @transform_1, window_bounds = array<i64: 2, 1024, 16>}, {transform_indices = @transform_2, window_bounds = array<i64: 1024, 64>}, {transform_indices = @transform_3, window_bounds = array<i64: 1024, 64>}]} {
    %get3A = arith.constant 0 : index
    %get3A_0 = arith.constant 0 : index
    %get3A_1 = arith.constant 0 : index
    %get3A_2 = vector.load %arg2[%get3A, %get3A_0, %get3A_1] : memref<2x1024x16xf32, #tpu.memory_space<vmem>>, vector<2x1024x16xf32>
    %slice3A = vector.extract_strided_slice %get3A_2 {offsets = [0, 0, 0], sizes = [1, 1024, 1], strides = [1, 1, 1]} : vector<2x1024x16xf32> to vector<1x1024x1xf32>
    %squeeze3A = vector.shape_cast %slice3A : vector<1x1024x1xf32> to vector<1024x1xf32>
    %slice3A_3 = vector.extract_strided_slice %get3A_2 {offsets = [1, 0, 0], sizes = [1, 1024, 1], strides = [1, 1, 1]} : vector<2x1024x16xf32> to vector<1x1024x1xf32>
    %squeeze3A_4 = vector.shape_cast %slice3A_3 : vector<1x1024x1xf32> to vector<1024x1xf32>
    %add3A = arith.addf %squeeze3A, %squeeze3A_4 : vector<1024x1xf32>
    %add3A_5 = arith.constant 1.000000e+00 : f32
    %add3A_6 = vector.broadcast %add3A_5 : f32 to vector<1024x1xf32>
    %add3A_7 = arith.addf %add3A, %add3A_6 : vector<1024x1xf32>
    %rsqrt3A = math.rsqrt %add3A_7 : vector<1024x1xf32>
    %get3A_8 = arith.constant 0 : index
    %get3A_9 = arith.constant 0 : index
    %get3A_10 = vector.load %arg1[%get3A_8, %get3A_9] : memref<1024x128xf32, #tpu.memory_space<vmem>>, vector<1024x128xf32>
    %mul3A = vector.broadcast %rsqrt3A : vector<1024x1xf32> to vector<1024x128xf32>
    %mul3A_11 = arith.mulf %get3A_10, %mul3A : vector<1024x128xf32>
    %slice3A_12 = vector.extract_strided_slice %mul3A_11 {offsets = [0, 0], sizes = [1024, 64], strides = [1, 1]} : vector<1024x128xf32> to vector<1024x64xf32>
    %swap3A = arith.constant 0 : index
    %swap3A_13 = arith.constant 0 : index
    %swap3A_14 = vector.load %arg3[%swap3A, %swap3A_13] : memref<1024x64xf32, #tpu.memory_space<vmem>>, vector<1024x64xf32>
    tpu.vector_store %arg3[%swap3A, %swap3A_13], %slice3A_12 {strides = array<i32>} : memref<1024x64xf32, #tpu.memory_space<vmem>>, vector<1024x64xf32>,
    %slice3A_15 = vector.extract_strided_slice %mul3A_11 {offsets = [0, 64], sizes = [1024, 64], strides = [1, 1]} : vector<1024x128xf32> to vector<1024x64xf32>
    %swap3A_16 = arith.constant 0 : index
    %swap3A_17 = arith.constant 0 : index
    %swap3A_18 = vector.load %arg4[%swap3A_16, %swap3A_17] : memref<1024x64xf32, #tpu.memory_space<vmem>>, vector<1024x64xf32>
    tpu.vector_store %arg4[%swap3A_16, %swap3A_17], %slice3A_15 {strides = array<i32>} : memref<1024x64xf32, #tpu.memory_space<vmem>>, vector<1024x64xf32>,
    return
  }
  func.func @transform_0(%arg0: i32) -> (i32, i32) {
    %c0_i32 = arith.constant 0 : i32
    %c0_i32_0 = arith.constant 0 : i32
    return %arg0, %c0_i32 : i32, i32
  }
  func.func @transform_1(%arg0: i32) -> (i32, i32, i32) {
    %c0_i32 = arith.constant 0 : i32
    %c0_i32_0 = arith.constant 0 : i32
    %c0_i32_1 = arith.constant 0 : i32
    return %c0_i32, %arg0, %c0_i32_0 : i32, i32, i32
  }
  func.func @transform_2(%arg0: i32) -> (i32, i32) {
    %c0_i32 = arith.constant 0 : i32
    %c0_i32_0 = arith.constant 0 : i32
    return %arg0, %c0_i32 : i32, i32
  }
  func.func @transform_3(%arg0: i32) -> (i32, i32) {
    %c0_i32 = arith.constant 0 : i32
    %c0_i32_0 = arith.constant 0 : i32
    return %arg0, %c0_i32 : i32, i32
  }
}

module attributes {stable_mosaic.version = 14 : i64} {
  func.func @body(%arg0: i32, %arg1: memref<2x1024x64xf32, #tpu.memory_space<vmem>>, %arg2: memref<1024x64xf32, #tpu.memory_space<vmem>>, %arg3: memref<1024x64xf32, #tpu.memory_space<vmem>>, %arg4: memref<2x1024x16xf32, #tpu.memory_space<vmem>>, %arg5: memref<1x128xf32, #tpu.memory_space<vmem>>, %arg6: memref<128x64xf32, #tpu.memory_space<vmem>>, %arg7: memref<1024x64xf32, #tpu.memory_space<vmem>>) attributes {dimension_semantics = [#tpu.dimension_semantics<arbitrary>], iteration_bounds = array<i64: 10>, scalar_prefetch = 0 : i64, scratch_operands = 0 : i64, tpu.core_type = #tpu.core_type<tc>, window_params = [{transform_indices = @transform_0, window_bounds = array<i64: 2, 1024, 64>}, {transform_indices = @transform_1, window_bounds = array<i64: 1024, 64>}, {transform_indices = @transform_2, window_bounds = array<i64: 1024, 64>}, {transform_indices = @transform_3, window_bounds = array<i64: 2, 1024, 16>}, {pipeline_mode = #tpu.pipeline_mode<synchronous>, transform_indices = @transform_4, window_bounds = array<i64: 1, 128>}, {pipeline_mode = #tpu.pipeline_mode<synchronous>, transform_indices = @transform_5, window_bounds = array<i64: 128, 64>}, {transform_indices = @transform_6, window_bounds = array<i64: 1024, 64>}]} {
    %get3A = arith.constant 0 : index
    %get3A_0 = arith.constant 0 : index
    %get3A_1 = arith.constant 0 : index
    %get3A_2 = vector.load %arg4[%get3A, %get3A_0, %get3A_1] : memref<2x1024x16xf32, #tpu.memory_space<vmem>>, vector<2x1024x16xf32>
    %slice3A = vector.extract_strided_slice %get3A_2 {offsets = [0, 0, 0], sizes = [1, 1024, 1], strides = [1, 1, 1]} : vector<2x1024x16xf32> to vector<1x1024x1xf32>
    %squeeze3A = vector.shape_cast %slice3A : vector<1x1024x1xf32> to vector<1024x1xf32>
    %slice3A_3 = vector.extract_strided_slice %get3A_2 {offsets = [1, 0, 0], sizes = [1, 1024, 1], strides = [1, 1, 1]} : vector<2x1024x16xf32> to vector<1x1024x1xf32>
    %squeeze3A_4 = vector.shape_cast %slice3A_3 : vector<1x1024x1xf32> to vector<1024x1xf32>
    %add3A = arith.addf %squeeze3A, %squeeze3A_4 : vector<1024x1xf32>
    %add3A_5 = arith.constant 1.000000e+00 : f32
    %add3A_6 = vector.broadcast %add3A_5 : f32 to vector<1024x1xf32>
    %add3A_7 = arith.addf %add3A, %add3A_6 : vector<1024x1xf32>
    %rsqrt3A = math.rsqrt %add3A_7 : vector<1024x1xf32>
    %get3A_8 = arith.constant 0 : index
    %get3A_9 = arith.constant 0 : index
    %get3A_10 = arith.constant 0 : index
    %get3A_11 = vector.load %arg1[%get3A_8, %get3A_9, %get3A_10] : memref<2x1024x64xf32, #tpu.memory_space<vmem>>, vector<1x1024x64xf32>
    %get3A_12 = vector.shape_cast %get3A_11 : vector<1x1024x64xf32> to vector<1024x64xf32>
    %get3A_13 = arith.constant 0 : index
    %get3A_14 = arith.constant 0 : index
    %get3A_15 = vector.load %arg2[%get3A_13, %get3A_14] : memref<1024x64xf32, #tpu.memory_space<vmem>>, vector<1024x64xf32>
    %add3A_16 = arith.addf %get3A_12, %get3A_15 : vector<1024x64xf32>
    %mul3A = vector.broadcast %rsqrt3A : vector<1024x1xf32> to vector<1024x64xf32>
    %mul3A_17 = arith.mulf %mul3A, %add3A_16 : vector<1024x64xf32>
    %get3A_18 = arith.constant 1 : index
    %get3A_19 = arith.constant 0 : index
    %get3A_20 = arith.constant 0 : index
    %get3A_21 = vector.load %arg1[%get3A_18, %get3A_19, %get3A_20] : memref<2x1024x64xf32, #tpu.memory_space<vmem>>, vector<1x1024x64xf32>
    %get3A_22 = vector.shape_cast %get3A_21 : vector<1x1024x64xf32> to vector<1024x64xf32>
    %get3A_23 = arith.constant 0 : index
    %get3A_24 = arith.constant 0 : index
    %get3A_25 = vector.load %arg3[%get3A_23, %get3A_24] : memref<1024x64xf32, #tpu.memory_space<vmem>>, vector<1024x64xf32>
    %add3A_26 = arith.addf %get3A_22, %get3A_25 : vector<1024x64xf32>
    %mul3A_27 = vector.broadcast %rsqrt3A : vector<1024x1xf32> to vector<1024x64xf32>
    %mul3A_28 = arith.mulf %mul3A_27, %add3A_26 : vector<1024x64xf32>
    %concatenate3A = tpu.concatenate %mul3A_17, %mul3A_28 in 1 : vector<1024x64xf32>, vector<1024x64xf32> -> vector<1024x128xf32>
    %get3A_29 = arith.constant 0 : index
    %get3A_30 = arith.constant 0 : index
    %get3A_31 = vector.load %arg5[%get3A_29, %get3A_30] : memref<1x128xf32, #tpu.memory_space<vmem>>, vector<1x128xf32>
    %add3A_32 = vector.broadcast %get3A_31 : vector<1x128xf32> to vector<1024x128xf32>
    %add3A_33 = arith.addf %concatenate3A, %add3A_32 : vector<1024x128xf32>
    %max3A = arith.constant 0.000000e+00 : f32
    %max3A_34 = vector.broadcast %max3A : f32 to vector<1024x128xf32>
    %max3A_35 = arith.maximumf %add3A_33, %max3A_34 : vector<1024x128xf32>
    %get3A_36 = arith.constant 0 : index
    %get3A_37 = arith.constant 0 : index
    %get3A_38 = vector.load %arg6[%get3A_36, %get3A_37] : memref<128x64xf32, #tpu.memory_space<vmem>>, vector<128x64xf32>
    %dot_general3A = arith.constant dense<0.000000e+00> : vector<1024x64xf32>
    %dot_general3A_39 = tpu.matmul %max3A_35, %get3A_38, %dot_general3A {dimension_numbers = #tpu.dot_dimension_numbers<[1], [0], [0], [1], [0, 0, 1, 1], [], []>, transpose_lhs_hint = false} : vector<1024x128xf32>, vector<128x64xf32>, vector<1024x64xf32> -> vector<1024x64xf32>
    %mul3A_40 = vector.broadcast %rsqrt3A : vector<1024x1xf32> to vector<1024x64xf32>
    %mul3A_41 = arith.mulf %mul3A_40, %dot_general3A_39 : vector<1024x64xf32>
    %swap3A = arith.constant 0 : index
    %swap3A_42 = arith.constant 0 : index
    %swap3A_43 = vector.load %arg7[%swap3A, %swap3A_42] : memref<1024x64xf32, #tpu.memory_space<vmem>>, vector<1024x64xf32>
    tpu.vector_store %arg7[%swap3A, %swap3A_42], %mul3A_41 {strides = array<i32>} : memref<1024x64xf32, #tpu.memory_space<vmem>>, vector<1024x64xf32>,
    return
  }
  func.func @transform_0(%arg0: i32) -> (i32, i32, i32) {
    %c0_i32 = arith.constant 0 : i32
    %c0_i32_0 = arith.constant 0 : i32
    %c0_i32_1 = arith.constant 0 : i32
    return %c0_i32, %arg0, %c0_i32_0 : i32, i32, i32
  }
  func.func @transform_1(%arg0: i32) -> (i32, i32) {
    %c0_i32 = arith.constant 0 : i32
    %c0_i32_0 = arith.constant 0 : i32
    return %arg0, %c0_i32 : i32, i32
  }
  func.func @transform_2(%arg0: i32) -> (i32, i32) {
    %c0_i32 = arith.constant 0 : i32
    %c0_i32_0 = arith.constant 0 : i32
    return %arg0, %c0_i32 : i32, i32
  }
  func.func @transform_3(%arg0: i32) -> (i32, i32, i32) {
    %c0_i32 = arith.constant 0 : i32
    %c0_i32_0 = arith.constant 0 : i32
    %c0_i32_1 = arith.constant 0 : i32
    return %c0_i32, %arg0, %c0_i32_0 : i32, i32, i32
  }
  func.func @transform_4(%arg0: i32) -> (i32, i32) {
    %c0_i32 = arith.constant 0 : i32
    %c0_i32_0 = arith.constant 0 : i32
    %c0_i32_1 = arith.constant 0 : i32
    return %c0_i32, %c0_i32_0 : i32, i32
  }
  func.func @transform_5(%arg0: i32) -> (i32, i32) {
    %c0_i32 = arith.constant 0 : i32
    %c0_i32_0 = arith.constant 0 : i32
    %c0_i32_1 = arith.constant 0 : i32
    return %c0_i32, %c0_i32_0 : i32, i32
  }
  func.func @transform_6(%arg0: i32) -> (i32, i32) {
    %c0_i32 = arith.constant 0 : i32
    %c0_i32_0 = arith.constant 0 : i32
    return %arg0, %c0_i32 : i32, i32
  }
}

module attributes {stable_mosaic.version = 14 : i64} {
  func.func @body(%arg0: i32, %arg1: memref<2x1000x64xf32, #tpu.memory_space<vmem>>, %arg2: memref<1000x64xf32, #tpu.memory_space<vmem>>, %arg3: memref<2x1000x16xf32, #tpu.memory_space<vmem>>, %arg4: memref<1x64xf32, #tpu.memory_space<vmem>>, %arg5: memref<1000x64xf32, #tpu.memory_space<vmem>>) attributes {dimension_semantics = [#tpu.dimension_semantics<arbitrary>], iteration_bounds = array<i64: 10>, scalar_prefetch = 0 : i64, scratch_operands = 0 : i64, tpu.core_type = #tpu.core_type<tc>, window_params = [{transform_indices = @transform_0, window_bounds = array<i64: 2, 1000, 64>}, {transform_indices = @transform_1, window_bounds = array<i64: 1000, 64>}, {transform_indices = @transform_2, window_bounds = array<i64: 2, 1000, 16>}, {pipeline_mode = #tpu.pipeline_mode<synchronous>, transform_indices = @transform_3, window_bounds = array<i64: 1, 64>}, {transform_indices = @transform_4, window_bounds = array<i64: 1000, 64>}]} {
    %get3A = arith.constant 0 : index
    %get3A_0 = arith.constant 0 : index
    %get3A_1 = arith.constant 0 : index
    %get3A_2 = vector.load %arg3[%get3A, %get3A_0, %get3A_1] : memref<2x1000x16xf32, #tpu.memory_space<vmem>>, vector<2x1000x16xf32>
    %slice3A = vector.extract_strided_slice %get3A_2 {offsets = [0, 0, 0], sizes = [1, 1000, 1], strides = [1, 1, 1]} : vector<2x1000x16xf32> to vector<1x1000x1xf32>
    %squeeze3A = vector.shape_cast %slice3A : vector<1x1000x1xf32> to vector<1000x1xf32>
    %slice3A_3 = vector.extract_strided_slice %get3A_2 {offsets = [1, 0, 0], sizes = [1, 1000, 1], strides = [1, 1, 1]} : vector<2x1000x16xf32> to vector<1x1000x1xf32>
    %squeeze3A_4 = vector.shape_cast %slice3A_3 : vector<1x1000x1xf32> to vector<1000x1xf32>
    %add3A = arith.addf %squeeze3A, %squeeze3A_4 : vector<1000x1xf32>
    %add3A_5 = arith.constant 1.000000e+00 : f32
    %add3A_6 = vector.broadcast %add3A_5 : f32 to vector<1000x1xf32>
    %add3A_7 = arith.addf %add3A, %add3A_6 : vector<1000x1xf32>
    %rsqrt3A = math.rsqrt %add3A_7 : vector<1000x1xf32>
    %get3A_8 = arith.constant 0 : index
    %get3A_9 = arith.constant 0 : index
    %get3A_10 = arith.constant 0 : index
    %get3A_11 = vector.load %arg1[%get3A_8, %get3A_9, %get3A_10] : memref<2x1000x64xf32, #tpu.memory_space<vmem>>, vector<1x1000x64xf32>
    %get3A_12 = vector.shape_cast %get3A_11 : vector<1x1000x64xf32> to vector<1000x64xf32>
    %get3A_13 = arith.constant 1 : index
    %get3A_14 = arith.constant 0 : index
    %get3A_15 = arith.constant 0 : index
    %get3A_16 = vector.load %arg1[%get3A_13, %get3A_14, %get3A_15] : memref<2x1000x64xf32, #tpu.memory_space<vmem>>, vector<1x1000x64xf32>
    %get3A_17 = vector.shape_cast %get3A_16 : vector<1x1000x64xf32> to vector<1000x64xf32>
    %add3A_18 = arith.addf %get3A_12, %get3A_17 : vector<1000x64xf32>
    %get3A_19 = arith.constant 0 : index
    %get3A_20 = arith.constant 0 : index
    %get3A_21 = vector.load %arg2[%get3A_19, %get3A_20] : memref<1000x64xf32, #tpu.memory_space<vmem>>, vector<1000x64xf32>
    %add3A_22 = arith.addf %add3A_18, %get3A_21 : vector<1000x64xf32>
    %mul3A = vector.broadcast %rsqrt3A : vector<1000x1xf32> to vector<1000x64xf32>
    %mul3A_23 = arith.mulf %mul3A, %add3A_22 : vector<1000x64xf32>
    %get3A_24 = arith.constant 0 : index
    %get3A_25 = arith.constant 0 : index
    %get3A_26 = vector.load %arg4[%get3A_24, %get3A_25] : memref<1x64xf32, #tpu.memory_space<vmem>>, vector<1x64xf32>
    %add3A_27 = vector.broadcast %get3A_26 : vector<1x64xf32> to vector<1000x64xf32>
    %add3A_28 = arith.addf %mul3A_23, %add3A_27 : vector<1000x64xf32>
    %swap3A = arith.constant 0 : index
    %swap3A_29 = arith.constant 0 : index
    %swap3A_30 = vector.load %arg5[%swap3A, %swap3A_29] : memref<1000x64xf32, #tpu.memory_space<vmem>>, vector<1000x64xf32>
    tpu.vector_store %arg5[%swap3A, %swap3A_29], %add3A_28 {strides = array<i32>} : memref<1000x64xf32, #tpu.memory_space<vmem>>, vector<1000x64xf32>,
    return
  }
  func.func @transform_0(%arg0: i32) -> (i32, i32, i32) {
    %c0_i32 = arith.constant 0 : i32
    %c0_i32_0 = arith.constant 0 : i32
    %c0_i32_1 = arith.constant 0 : i32
    return %c0_i32, %arg0, %c0_i32_0 : i32, i32, i32
  }
  func.func @transform_1(%arg0: i32) -> (i32, i32) {
    %c0_i32 = arith.constant 0 : i32
    %c0_i32_0 = arith.constant 0 : i32
    return %arg0, %c0_i32 : i32, i32
  }
  func.func @transform_2(%arg0: i32) -> (i32, i32, i32) {
    %c0_i32 = arith.constant 0 : i32
    %c0_i32_0 = arith.constant 0 : i32
    %c0_i32_1 = arith.constant 0 : i32
    return %c0_i32, %arg0, %c0_i32_0 : i32, i32, i32
  }
  func.func @transform_3(%arg0: i32) -> (i32, i32) {
    %c0_i32 = arith.constant 0 : i32
    %c0_i32_0 = arith.constant 0 : i32
    %c0_i32_1 = arith.constant 0 : i32
    return %c0_i32, %c0_i32_0 : i32, i32
  }
  func.func @transform_4(%arg0: i32) -> (i32, i32) {
    %c0_i32 = arith.constant 0 : i32
    %c0_i32_0 = arith.constant 0 : i32
    return %arg0, %c0_i32 : i32, i32
  }
}

</mosaic_0001>

<sc_bundles>
// kernel: kernel.12.cloned.1.call-start
scs
__scs_entry_jumppad:
0x0: {  	(pc) =	sbr.rel $0x88, $3  }
0x1: {  	(tag) =	ssettag $0x0;
	lr =	simm.s32 $0x1  }
0x2: {  	[smem:$0x3F9B] =	sst lr;
	_ =	strace $0xD0000000  }
0x3: {  	_ = 	snop  }
0x4: {  	_ = 	snop  }
0x5: {  	_ = 	snop  }
0x6: {  	_ = 	snop  }
0x7: {  	_ = 	snop  }
__scs_overlays_trampoline_lowered:
0x8: {  	[smem:$0x3FAA] =	sst s0  }
0x9: {  	[smem:$0x3FAB] =	sst s1  }
0xa: {  	[smem:$0x3FAC] =	sst s2  }
0xb: {  	[smem:$0x3FAD] =	sst s3  }
0xc: {  	[smem:$0x3FAE] =	sst s4  }
0xd: {  	[smem:$0x3FAF] =	sst s5  }
0xe: {  	[smem:$0x3FB0] =	sst s6  }
0xf: {  	[smem:$0x3FB1] =	sst s7  }
0x10: {  	[smem:$0x3FB2] =	sst s8  }
0x11: {  	[smem:$0x3FB3] =	sst s9;
	s0 =	simm.s32 @!p0 $0x0  }
0x12: {  	s1 =	sld [smem:$0x3F99];
	s0 =	simm.s32 @p0 $0x1  }
0x13: {  	[smem:$0x3FB4] =	sst s0;
	s0 =	simm.s32 @!p1 $0x0  }
0x14: {  	s2 =	sld [smem:$0x3F98];
	s0 =	simm.s32 @p1 $0x1  }
0x15: {  	[smem:$0x3FB5] =	sst s0;
	s0 =	simm.s32 @!p2 $0x0  }
0x16: {  	s3 =	sld [smem:$0x3FDB];
	s0 =	simm.s32 @p2 $0x1  }
0x17: {  	s4 =	simm.s32 $0x1BF5;
	[smem:$0x3FB7] =	sst s0  }
0x18: {  	s0 =	sld [smem:$0x3F9A];
	_ =	swait.ge [sflag:s4], $0x0  }
0x19: {  	s7 =	sld [smem:$0x3F9B]  }
0x1a: {  	s8 =	sadd.s32 $0xFFFFE003, lr  }
0x1b: {  	s9 =	sadd.s32 $0xFFFFFEF7, lr;
	s5 =	simm.s32 $0xFFFFFFFF;
	p2 =	slt.u32 s8, $0xFFFFF086  }
0x1c: {  	p1 =	slt.u32 s9, $0xF7A;
	s5 =	simm.s32 @!p2 $0x0  }
0x1d: {  	s5 =	simm.s32 @p1 $0x1;
	p0 =	seq.s32 s7, s2  }
0x1e: {  	s7 =	smul.u32 @!p0 $0xF7A, s2;
	p2 =	seq.s32 @!p0 s5, $0x0  }
0x1f: {  	s9 =	smul.u32 $0xF7A, s1;
	s8 =	simm.s32 @!p0 $0x1BF5;
	p2 =	por !p2, p0  }
0x20: {  	[sflag:s8] =	ssyncset.s32 @!p0 $0xFFFFF086;
	s6 =	sadd.s32 @!p0 s3, s7;
	s7 =	simm.s32 @!p0 $0x108  }
0x21: {  	s3 =	sadd.s32 s3, s9;
	s6 =	sadd.s32 @!p0 $0x88, s6;
	s7 =	simm.s32 @p2 $0x1082  }
0x22: {  	[simem:s7], [sflag:s8] =	dma.local @!p0 [hbm:s6], $0xF7A  }
0x23: {  	s9 =	sor.u32 $0xD0000000, s2;
	s6 =	simm.s32 $0x108;
	_ =	swait.ge @!p0 [sflag:s8], $0x0  }
0x24: {  	s3 =	sadd.s32 $0x88, s3;
	s6 =	simm.s32 @!p1 $0x1082;
	[sflag:s4] =	ssyncset.s32 $0xFFFFF086  }
0x25: {  	[simem:s6], [sflag:s4] =	dma.local [hbm:s3], $0xF7A  }
0x26: {  	[smem:$0x3F9B] =	sst s1;
	(tag) =	ssettag s2;
	_ =	strace s9  }
0x27: {  	s1 =	sld [smem:$0x3FAB]  }
0x28: {  	s2 =	sld [smem:$0x3FAC]  }
0x29: {  	s4 =	sld [smem:$0x3FAE]  }
0x2a: {  	p0 =	seq.s32 s5, $0x0;
	s5 =	sld [smem:$0x3FAF]  }
0x2b: {  	s6 =	sld [smem:$0x3FB0]  }
0x2c: {  	s7 =	sld [smem:$0x3FB1]  }
0x2d: {  	s3 =	simm.s32 $0x108;
	s8 =	sld [smem:$0x3FB2]  }
0x2e: {  	s3 =	simm.s32 @!p0 $0x1082;
	s9 =	sld [smem:$0x3FB3]  }
0x2f: {  	lr =	sadd.s32 s0, s3;
	s0 =	sld [smem:$0x3FAA]  }
0x30: {  	s3 =	sld [smem:$0x3FAD]  }
0x31: {  	[smem:$0x3FB6] =	sst s10  }
0x32: {  	s10 =	sld [smem:$0x3FB4];
	_ =	sdelay $0x3  }
0x33: {  	p0 =	seq.s32 s10, $0x1;
	s10 =	sld [smem:$0x3FB6];
	_ =	sdelay $0x3  }
0x34: {  	[smem:$0x3FB6] =	sst s10  }
0x35: {  	s10 =	sld [smem:$0x3FB5];
	_ =	sdelay $0x3  }
0x36: {  	p1 =	seq.s32 s10, $0x1;
	s10 =	sld [smem:$0x3FB6];
	_ =	sdelay $0x3  }
0x37: {  	[smem:$0x3FB6] =	sst s10  }
0x38: {  	s10 =	sld [smem:$0x3FB7]  }
0x39: {  	_ = 	snop;
	(pc) =	sbr.ind lr, $3  }
0x3a: {  	_ = 	snop  }
0x3b: {  	_ = 	snop  }
0x3c: {  	p2 =	seq.s32 s10, $0x1;
	s10 =	sld [smem:$0x3FB6]  }
0x3d: {  	_ =	shalt  }
0x3e: {  	_ =	shalt  }
0x3f: {  	_ =	shalt  }
0x40: {  	_ =	shalt  }
0x41: {  	_ =	shalt  }
0x42: {  	_ =	shalt  }
0x43: {  	_ =	shalt  }
0x44: {  	_ =	shalt  }
0x45: {  	_ =	shalt  }
0x46: {  	_ =	shalt  }
0x47: {  	_ =	shalt  }
0x48: {  	_ =	shalt  }
0x49: {  	_ =	shalt  }
0x4a: {  	_ =	shalt  }
0x4b: {  	_ =	shalt  }
0x4c: {  	_ =	shalt  }
0x4d: {  	_ =	shalt  }
0x4e: {  	_ =	shalt  }
0x4f: {  	_ =	shalt  }
0x50: {  	_ =	shalt  }
0x51: {  	_ =	shalt  }
0x52: {  	_ =	shalt  }
0x53: {  	_ =	shalt  }
0x54: {  	_ =	shalt  }
0x55: {  	_ =	shalt  }
0x56: {  	_ =	shalt  }
0x57: {  	_ =	shalt  }
0x58: {  	_ =	shalt  }
0x59: {  	_ =	shalt  }
0x5a: {  	_ =	shalt  }
0x5b: {  	_ =	shalt  }
0x5c: {  	_ =	shalt  }
0x5d: {  	_ =	shalt  }
0x5e: {  	_ =	shalt  }
0x5f: {  	_ =	shalt  }
0x60: {  	_ =	shalt  }
0x61: {  	_ =	shalt  }
0x62: {  	_ =	shalt  }
0x63: {  	_ =	shalt  }
0x64: {  	_ =	shalt  }
0x65: {  	_ =	shalt  }
0x66: {  	_ =	shalt  }
0x67: {  	_ =	shalt  }
0x68: {  	_ =	shalt  }
0x69: {  	_ =	shalt  }
0x6a: {  	_ =	shalt  }
0x6b: {  	_ =	shalt  }
0x6c: {  	_ =	shalt  }
0x6d: {  	_ =	shalt  }
0x6e: {  	_ =	shalt  }
0x6f: {  	_ =	shalt  }
0x70: {  	_ =	shalt  }
0x71: {  	_ =	shalt  }
0x72: {  	_ =	shalt  }
0x73: {  	_ =	shalt  }
0x74: {  	_ =	shalt  }
0x75: {  	_ =	shalt  }
0x76: {  	_ =	shalt  }
0x77: {  	_ =	shalt  }
0x78: {  	_ =	shalt  }
0x79: {  	_ =	shalt  }
0x7a: {  	_ =	shalt  }
0x7b: {  	_ =	shalt  }
0x7c: {  	_ =	shalt  }
0x7d: {  	_ =	shalt  }
0x7e: {  	_ =	shalt  }
0x7f: {  	_ =	shalt  }
0x80: {  	_ =	shalt  }
0x81: {  	_ =	shalt  }
0x82: {  	_ =	shalt  }
0x83: {  	_ =	shalt  }
0x84: {  	_ =	shalt  }
0x85: {  	_ =	shalt  }
0x86: {  	_ =	shalt  }
0x87: {  	_ =	shalt  }
.Lfunc_end0:
.L_simem_size_0:
called_computation.1_lowered:
.L_overlay_start_0:
0x88: {  	s2 =	sld [smem:$0x3FD9]  }
0x89: {  	s3 =	sld [smem:$0x3FFE];
	_ =	sdelay $0x1  }
0x8a: {  	s1 =	srdreg.scid  }
0x8b: {  	s0 =	sand.u32 $0x1, s1  }
0x8c: {  	s17 =	sshll.u32 s0, $0xA;
	s2 =	sadd.s32 s3, s2  }
0x8d: {  	s2 =	sadd.s32 s2, s17  }
0x8e: {  	[smem:$0x3FC2] =	sst s2  }
0x8f: {  	_ = 	snop  }
0x90: {  	s2 =	sld [smem:$0x3FD0];
	(tm) =	ssettm $0x1  }
0x91: {  	s18 =	sld [smem:$0x3FFB];
	_ =	sdelay $0x3  }
0x92: {  	_ =	strace s18  }
0x93: {  	s3 =	sld [smem:$0x3FFC];
	_ =	sdelay $0x3  }
0x94: {  	_ =	strace s3  }
0x95: {  	s3 =	sld [smem:$0x3FFD];
	_ =	sdelay $0x3  }
0x96: {  	_ =	strace s3  }
0x97: {  	_ =	strace $0x8FFFFFFF  }
0x98: {  	s19 =	sld [smem:$0x3FDB];
	_ =	sdelay $0x1  }
0x99: {  	s4 =	simm.s32 $_scs_section_size  }
0x9a: {  	s5 =	simm.s32 $_size__tile_overlayer_lowered;
	s6 =	simm.s32 $_tile_overlayer_lowered  }
0x9b: {  	s22 =	simm.s32 $0x1BFF;
	s21 =	sshll.u32 s6, $0x1;
	s3 =	sadd.s32 s4, s19  }
0x9c: {  	s7 =	simm.s32 $0x0;
	s20 =	sshll.u32 s5, $0x1;
	s5 =	sadd.s32 s21, s3  }
0x9d: {  	[timem:s7], [sflag:s22] =	dma.local [hbm:s5], s20  }
0x9e: {  	_ =	swait.ge [sflag:s22], s20  }
0x9f: {  	s4 =	ssub.s32 $0x0, s20;
	[sflag:s22] =	ssyncset.done $0x0  }
0xa0: {  	[sflag:s22] =	ssyncadd.s32 s4;
	_ =	sdelay $0x1  }
0xa1: {  	s23 =	simm.s32 $0x1B8B  }
0xa2: {  	_ =	swait.ge [sflag:s23], $0x1  }
0xa3: {  	[sflag:s23] =	ssyncset.done $0x0  }
0xa4: {  	s25 =	simm.s32 $0x1B8E;
	s24 =	sld [smem:$0x3FFE];
	[sflag:s23] =	ssyncadd.s32 $0xFFFFFFFF  }
0xa5: {  	s26 =	simm.s32 $execute0_lowered;
	[smem:$0x3FD2] =	sst s25  }
0xa6: {  	s5 =	sshll.u32 s26, $0x1;
	_ =	strace $0x80000049;
	[dreg:$0x1] =	wrdreg $0xFFFFFFFF  }
0xa7: {  	s28 =	simm.s32 $_size_execute0_lowered;
	s3 =	sadd.s32 s3, s5;
	[dreg:$0x0] =	wrdreg $0x0  }
0xa8: {  	s5 =	sshll.u32 s28, $0x1;
	[dreg:$0x2] =	wrdreg s3  }
0xa9: {  	[dreg:$0x3] =	wrdreg s5  }
0xaa: {  	[dreg:$0x4] =	wrdreg $0xC0  }
0xab: {  	_ =	task [dreg:s7], $0x5FFFF  }
0xac: {  	[dreg:$0x1] =	wrdreg $0xFFFFFFFF  }
0xad: {  	[dreg:$0x0] =	wrdreg $0x60  }
0xae: {  	[dreg:$0x2] =	wrdreg s24  }
0xaf: {  	[dreg:$0x3] =	wrdreg s2  }
0xb0: {  	[dreg:$0x4] =	wrdreg $0x84000  }
0xb1: {  	[dreg:$0x5] =	wrdreg $0x124000  }
0xb2: {  	[dreg:$0x6] =	wrdreg $0x9  }
0xb3: {  	_ =	task.clear_ibuf [dreg:s7], $0x7FFFF;
	_ =	strace $0x90000049  }
0xb4: {  	s29 =	simm.s32 $0x9;
	_ =	strace $0x8000004B  }
0xb5: {  	_ =	swait.ge [sflag:s29], $0x1  }
0xb6: {  	[sflag:s29] =	ssyncadd.s32 $0xFFFFFFFF  }
0xb7: {  	_ =	strace $0x9000004B  }
0xb8: {  	_ =	sfence  }
0xb9: {  	s30 =	sld [smem:$0x0];
	_ =	sdelay $0x2  }
0xba: {  	s31 =	sshll.u32 s1, $0xD;
	s1 =	sshrl.u32 s1, $0x2  }
0xbb: {  	s3 =	sand.u32 $0x4000, s31;
	s1 =	sadd.s32 s1, s30  }
0xbc: {  	s0 =	sor.u32 s3, s0;
	s1 =	sshll.u32 s1, $0x11  }
0xbd: {  	s0 =	sor.u32 s1, s0  }
0xbe: {  	s0 =	sadd.s32 $0x8F2B, s0  }
0xbf: {  	[sflag:s0] =	ssyncadd.remote.s32 $0x1  }
0xc0: {  	_ =	sfence.sel $0xFFFF  }
0xc1: {  	[dreg:$0x0] =	wrdreg $0xFFFFFFFF;
	(pc) =	sbr.abs _section_cstart, $3  }
0xc2: {  	[dreg:$0x1] =	wrdreg $0xFFFFFFFF  }
0xc3: {  	_ =	task.clear_ibuf [dreg:s7], $0x2FFFF;
	_ =	strace $0x9FFFFFFF  }
0xc4: {  	(tm) =	ssettm $0x7FFFFFFF  }
0xc5: {  	_ =	shalt  }
tec
execute0_lowered:
.L_overlay_start_1:
0x0: {  	(tag) =	ssettag $0x1  }
0x1: {  	s0 =	rddreg [dreg:$0x0]  }
0x2: {  	s1 =	rddreg [dreg:$0x1]  }
0x3: {  	s2 =	rddreg [dreg:$0x2]  }
0x4: {  	s3 =	rddreg [dreg:$0x3];
	s13 =	stileid.u32  }
0x5: {  	s6 =	srdreg.scid;
	s4 =	simm.s32 $0x0;
	s15 =	simm.s32 $0x200  }
0x6: {  	s16 =	simm.s32 $0x80;
	s17 =	simm.s32 $0x400;
	s18 =	simm.s32 $0x2400  }
0x7: {  	s19 =	simm.s32 $0x100;
	s20 =	simm.s32 $0x4400;
	s28 =	simm.s32 $0x300  }
0x8: {  	s29 =	simm.s32 $0x4;
	s30 =	simm.s32 $0x380;
	s5 =	smul.u32 $0xA00, s13  }
0x9: {  	s31 =	simm.s32 $0x5;
	s7 =	smul.u32 $0xA000, s13;
	s8 =	sand.u32 $0x1, s6  }
0xa: {  	[smem:$0x7FF] =	sst s4;
	s23 =	sshll.u32 s13, $0x6;
	s13 =	simm.s32 $0x9  }
0xb: {  	s6 =	smul.u32 $0xA0000, s8;
	_ =	strace $0x8000004A;
	s10 =	ssub.s32 $0x2, s8  }
0xc: {  	s14 =	sor.u32 $0x1C09, s23;
	p0 =	seq.s32 s8, $0x1;
	s8 =	simm.s32 $0x7E600  }
0xd: {  	s23 =	simm.s32 $0x1;
	s9 =	sadd.s32 s5, s0;
	s11 =	sshrl.u32 s7, $0x3  }
0xe: {  	s12 =	sshrl.u32 s10, $0x1;
	s21 =	sadd.s32 s7, s2;
	s8 =	simm.s32 @!p0 $0x6A600  }
0xf: {  	[dreg:$0x6] =	wrdreg s14;
	s6 =	sadd.s32 s7, s6;
	s11 =	sadd.s32 s11, s0  }
0x10: {  	s10 =	ssub.s32 s10, s12;
	s7 =	sadd.s32 s7, s3;
	s6 =	sshrl.u32 s6, $0x3  }
0x11: {  	s22 =	sadd.s32 $0x92600, s11;
	s24 =	smax.u32 s10, $0x1;
	s25 =	sadd.s32 s8, s11  }
0x12: {  	s10 =	sadd.s32 s5, s1;
	s11 =	sadd.s32 $0x10600, s9;
	s8 =	sshrl.u32 s21, $0x3  }
0x13: {  	s26 =	sshrl.u32 s7, $0x3;
	s21 =	simm.s32 $0x180;
	[dreg:$0x5] =	wrdreg s22  }
0x14: {  	s1 =	simm.s32 $0x7;
	s5 =	simm.s32 $0x8;
	[dreg:$0x8] =	wrdreg s24  }
0x15: {  	s7 =	simm.s32 $0x0;
	s0 =	sadd.s32 s6, s0;
	[dreg:$0x9] =	wrdreg s25  }
0x16: {  	[dreg:$0xb] =	wrdreg s26;
	s22 =	simm.s32 $0x6400;
	s24 =	simm.s32 $0x2  }
0x17: {  	s25 =	simm.s32 $0x280;
	[dreg:$0xa] =	wrdreg s8;
	s0 =	sadd.s32 $0xA6600, s0  }
0x18: {  	s26 =	simm.s32 $0x3;
	[dreg:$0x7] =	wrdreg s0;
	s0 =	simm.s32 $0x6  }
.LBB2_1:
0x19: {  	s6 =	rddreg [dreg:$0x5]  }
0x1a: {  	[spmem:s8], [sflag:s14] =	dma.local [hbm:s6], $0x1400  }
0x1b: {  	_ =	swait.ge [sflag:s13], $0x1400  }
0x1c: {  	[sflag:s13] =	ssyncset.done $0x0;
	s8 =	rddreg [dreg:$0x9]  }
0x1d: {  	s9 =	rddreg [dreg:$0xb];
	[sflag:s13] =	ssyncadd.s32 $0xFFFFEC00  }
0x1e: {  	[spmem:s9], [sflag:s14] =	dma.local [hbm:s8], $0x1400  }
0x1f: {  	_ =	swait.ge [sflag:s13], $0x1400  }
0x20: {  	[sflag:s13] =	ssyncset.done $0x0  }
0x21: {  	[sflag:s13] =	ssyncadd.s32 $0xFFFFEC00  }
0x22: {  	s12 =	sadd.s32 $0x0, s11;
	[bflag:$0x0] =	sbarrier.arrive $0xFFFF  }
0x23: {  	[tilespmem:s4], [sflag:$0x9] =	stream.linear.gather [hbm4b:s12+s4], $0x200, $0x38;
	[tilespmem:$0x1C400] =	vst v63  }
0x24: {  	_ =	swait.ge [sflag:s13], $0x200  }
0x25: {  	[sflag:s13] =	ssyncset.done $0x0  }
0x26: {  	s14 =	sadd.s32 $0x0, s10;
	[sflag:s13] =	ssyncadd.s32 $0xFFFFFE00  }
0x27: {  	[tilespmem:s15], [sflag:$0x9] =	stream.linear.gather [hbm4b:s14+s4], $0x200, $0x38;
	[tilespmem:$0x1C400] =	vst v63  }
0x28: {  	_ =	swait.ge [sflag:s13], $0x200  }
0x29: {  	[sflag:s13] =	ssyncset.done $0x0  }
0x2a: {  	[sflag:s13] =	ssyncadd.s32 $0xFFFFFE00  }
0x2b: {  	[tilespmem:s17], [sflag:$0x1] =	stream.indirect.gather [spmem:s3], $0x40, s4, s16, $0xb8;
	[tilespmem:$0x1C400] =	vst v63  }
0x2c: {  	_ = 	snop  }
0x2d: {  	[tilespmem:s18], [sflag:$0x2] =	stream.indirect.gather [spmem:s3], $0x40, s16, s16, $0xb8;
	[tilespmem:$0x1C400] =	vst v63  }
0x2e: {  	_ = 	snop  }
0x2f: {  	[tilespmem:s20], [sflag:$0x3] =	stream.indirect.gather [spmem:s3], $0x40, s19, s16, $0xb8;
	[tilespmem:$0x1C400] =	vst v63  }
0x30: {  	_ = 	snop  }
0x31: {  	[tilespmem:s22], [sflag:$0x4] =	stream.indirect.gather [spmem:s3], $0x40, s21, s16, $0xb8;
	[tilespmem:$0x1C400] =	vst v63  }
0x32: {  	_ =	swait.ge [sflag:s23], $0x2000  }
0x33: {  	[sflag:s23] =	ssyncset.done $0x0  }
0x34: {  	[sflag:s23] =	ssyncadd.s32 $0xFFFFE000  }
0x35: {  	[spmem:s2] =	stream.indirect.scatter.add.f32 [tilespmem:s17], [sflag:$0x5], $0x40, s15, s16, $0xb8;
	[tilespmem:$0x1C400] =	vst v63  }
0x36: {  	_ =	swait.ge [sflag:s24], $0x2000  }
0x37: {  	[sflag:s24] =	ssyncset.done $0x0  }
0x38: {  	[sflag:s24] =	ssyncadd.s32 $0xFFFFE000  }
0x39: {  	[spmem:s2] =	stream.indirect.scatter.add.f32 [tilespmem:s18], [sflag:$0x6], $0x40, s25, s16, $0xb8;
	[tilespmem:$0x1C400] =	vst v63  }
0x3a: {  	_ =	swait.ge [sflag:s26], $0x2000  }
0x3b: {  	[sflag:s26] =	ssyncset.done $0x0  }
0x3c: {  	[sflag:s26] =	ssyncadd.s32 $0xFFFFE000  }
0x3d: {  	[spmem:s2] =	stream.indirect.scatter.add.f32 [tilespmem:s20], [sflag:$0x7], $0x40, s28, s16, $0xb8;
	[tilespmem:$0x1C400] =	vst v63  }
0x3e: {  	_ =	swait.ge [sflag:s29], $0x2000  }
0x3f: {  	[sflag:s29] =	ssyncset.done $0x0  }
0x40: {  	[sflag:s29] =	ssyncadd.s32 $0xFFFFE000  }
0x41: {  	[spmem:s2] =	stream.indirect.scatter.add.f32 [tilespmem:s22], [sflag:$0x8], $0x40, s30, s16, $0xb8;
	[tilespmem:$0x1C400] =	vst v63  }
0x42: {  	_ =	swait.ge [sflag:s31], $0x2000  }
0x43: {  	[sflag:s31] =	ssyncset.done $0x0  }
0x44: {  	[sflag:s31] =	ssyncadd.s32 $0xFFFFE000  }
0x45: {  	_ =	swait.ge [sflag:s0], $0x2000  }
0x46: {  	[sflag:s0] =	ssyncset.done $0x0  }
0x47: {  	[sflag:s0] =	ssyncadd.s32 $0xFFFFE000  }
0x48: {  	_ =	swait.ge [sflag:s1], $0x2000  }
0x49: {  	[sflag:s1] =	ssyncset.done $0x0  }
0x4a: {  	[sflag:s1] =	ssyncadd.s32 $0xFFFFE000  }
0x4b: {  	_ =	swait.ge [sflag:s5], $0x2000  }
0x4c: {  	s8 =	simm.s32 $0x40;
	s9 =	simm.s32 $0x80;
	[sflag:s5] =	ssyncset.done $0x0  }
.LBB2_2:
0x4d: {  	s12 =	sadd.s32 s8, s11  }
0x4e: {  	[sflag:s5] =	ssyncadd.s32 $0xFFFFE000;
	s6 =	smov.u32 s9;
	s14 =	sadd.s32 $0x40, s9  }
0x4f: {  	[tilespmem:s4], [sflag:$0x9] =	stream.linear.gather [hbm4b:s12+s4], $0x200, $0x38;
	[tilespmem:$0x1C400] =	vst v63  }
0x50: {  	p0 =	sne.s32 s9, $0x9C0;
	_ =	swait.ge [sflag:s13], $0x200  }
0x51: {  	[sflag:s13] =	ssyncset.done $0x0  }
0x52: {  	s9 =	sadd.s32 s8, s10;
	s8 =	smov.u32 s6;
	[sflag:s13] =	ssyncadd.s32 $0xFFFFFE00  }
0x53: {  	[tilespmem:s15], [sflag:$0x9] =	stream.linear.gather [hbm4b:s9+s4], $0x200, $0x38;
	[tilespmem:$0x1C400] =	vst v63  }
0x54: {  	_ =	swait.ge [sflag:s13], $0x200  }
0x55: {  	[sflag:s13] =	ssyncset.done $0x0  }
0x56: {  	[sflag:s13] =	ssyncadd.s32 $0xFFFFFE00  }
0x57: {  	[tilespmem:s17], [sflag:$0x1] =	stream.indirect.gather [spmem:s3], $0x40, s4, s16, $0xb8;
	[tilespmem:$0x1C400] =	vst v63  }
0x58: {  	_ = 	snop  }
0x59: {  	[tilespmem:s18], [sflag:$0x2] =	stream.indirect.gather [spmem:s3], $0x40, s16, s16, $0xb8;
	[tilespmem:$0x1C400] =	vst v63  }
0x5a: {  	_ = 	snop  }
0x5b: {  	[tilespmem:s20], [sflag:$0x3] =	stream.indirect.gather [spmem:s3], $0x40, s19, s16, $0xb8;
	[tilespmem:$0x1C400] =	vst v63  }
0x5c: {  	_ = 	snop  }
0x5d: {  	[tilespmem:s22], [sflag:$0x4] =	stream.indirect.gather [spmem:s3], $0x40, s21, s16, $0xb8;
	[tilespmem:$0x1C400] =	vst v63  }
0x5e: {  	_ =	swait.ge [sflag:s23], $0x2000  }
0x5f: {  	[sflag:s23] =	ssyncset.done $0x0  }
0x60: {  	[sflag:s23] =	ssyncadd.s32 $0xFFFFE000  }
0x61: {  	[spmem:s2] =	stream.indirect.scatter.add.f32 [tilespmem:s17], [sflag:$0x5], $0x40, s15, s16, $0xb8;
	[tilespmem:$0x1C400] =	vst v63  }
0x62: {  	_ =	swait.ge [sflag:s24], $0x2000  }
0x63: {  	[sflag:s24] =	ssyncset.done $0x0  }
0x64: {  	[sflag:s24] =	ssyncadd.s32 $0xFFFFE000  }
0x65: {  	[spmem:s2] =	stream.indirect.scatter.add.f32 [tilespmem:s18], [sflag:$0x6], $0x40, s25, s16, $0xb8;
	[tilespmem:$0x1C400] =	vst v63  }
0x66: {  	_ =	swait.ge [sflag:s26], $0x2000  }
0x67: {  	[sflag:s26] =	ssyncset.done $0x0  }
0x68: {  	[sflag:s26] =	ssyncadd.s32 $0xFFFFE000  }
0x69: {  	[spmem:s2] =	stream.indirect.scatter.add.f32 [tilespmem:s20], [sflag:$0x7], $0x40, s28, s16, $0xb8;
	[tilespmem:$0x1C400] =	vst v63  }
0x6a: {  	_ =	swait.ge [sflag:s29], $0x2000  }
0x6b: {  	[sflag:s29] =	ssyncset.done $0x0  }
0x6c: {  	[sflag:s29] =	ssyncadd.s32 $0xFFFFE000  }
0x6d: {  	[spmem:s2] =	stream.indirect.scatter.add.f32 [tilespmem:s22], [sflag:$0x8], $0x40, s30, s16, $0xb8;
	[tilespmem:$0x1C400] =	vst v63  }
0x6e: {  	_ =	swait.ge [sflag:s31], $0x2000  }
0x6f: {  	[sflag:s31] =	ssyncset.done $0x0  }
0x70: {  	[sflag:s31] =	ssyncadd.s32 $0xFFFFE000  }
0x71: {  	_ =	swait.ge [sflag:s0], $0x2000  }
0x72: {  	[sflag:s0] =	ssyncset.done $0x0  }
0x73: {  	[sflag:s0] =	ssyncadd.s32 $0xFFFFE000  }
.Ltmp0:
0x74: {  	_ =	swait.ge [sflag:s1], $0x2000;
	(pc) =	sbr.rel @p0 .LBB2_2-.Ltmp0, $4  }
0x75: {  	[sflag:s1] =	ssyncset.done $0x0  }
0x76: {  	[sflag:s1] =	ssyncadd.s32 $0xFFFFE000  }
0x77: {  	_ =	swait.ge [sflag:s5], $0x2000  }
0x78: {  	s9 =	smov.u32 s14;
	[sflag:s5] =	ssyncset.done $0x0  }
0x79: {  	s6 =	sadd.s32 s8, s11;
	[sflag:s5] =	ssyncadd.s32 $0xFFFFE000  }
0x7a: {  	[tilespmem:s4], [sflag:$0x9] =	stream.linear.gather [hbm4b:s6+s4], $0x200, $0x38;
	[tilespmem:$0x1C400] =	vst v63  }
0x7b: {  	_ =	swait.ge [sflag:s13], $0x200  }
0x7c: {  	[sflag:s13] =	ssyncset.done $0x0  }
0x7d: {  	s8 =	sadd.s32 s8, s10;
	[sflag:s13] =	ssyncadd.s32 $0xFFFFFE00  }
0x7e: {  	[tilespmem:s15], [sflag:$0x9] =	stream.linear.gather [hbm4b:s8+s4], $0x200, $0x38;
	[tilespmem:$0x1C400] =	vst v63  }
0x7f: {  	_ =	swait.ge [sflag:s13], $0x200  }
0x80: {  	[sflag:s13] =	ssyncset.done $0x0  }
0x81: {  	[sflag:s13] =	ssyncadd.s32 $0xFFFFFE00  }
0x82: {  	[tilespmem:s17], [sflag:$0x1] =	stream.indirect.gather [spmem:s3], $0x40, s4, s16, $0xb8;
	[tilespmem:$0x1C400] =	vst v63  }
0x83: {  	_ = 	snop  }
0x84: {  	[tilespmem:s18], [sflag:$0x2] =	stream.indirect.gather [spmem:s3], $0x40, s16, s16, $0xb8;
	[tilespmem:$0x1C400] =	vst v63  }
0x85: {  	_ = 	snop  }
0x86: {  	[tilespmem:s20], [sflag:$0x3] =	stream.indirect.gather [spmem:s3], $0x40, s19, s16, $0xb8;
	[tilespmem:$0x1C400] =	vst v63  }
0x87: {  	_ = 	snop  }
0x88: {  	[tilespmem:s22], [sflag:$0x4] =	stream.indirect.gather [spmem:s3], $0x40, s21, s16, $0xb8;
	[tilespmem:$0x1C400] =	vst v63  }
0x89: {  	_ =	swait.ge [sflag:s23], $0x2000  }
0x8a: {  	[sflag:s23] =	ssyncset.done $0x0  }
0x8b: {  	[sflag:s23] =	ssyncadd.s32 $0xFFFFE000  }
0x8c: {  	[spmem:s2] =	stream.indirect.scatter.add.f32 [tilespmem:s17], [sflag:$0x5], $0x40, s15, s16, $0xb8;
	[tilespmem:$0x1C400] =	vst v63  }
0x8d: {  	_ =	swait.ge [sflag:s24], $0x2000  }
0x8e: {  	[sflag:s24] =	ssyncset.done $0x0  }
0x8f: {  	[sflag:s24] =	ssyncadd.s32 $0xFFFFE000  }
0x90: {  	[spmem:s2] =	stream.indirect.scatter.add.f32 [tilespmem:s18], [sflag:$0x6], $0x40, s25, s16, $0xb8;
	[tilespmem:$0x1C400] =	vst v63  }
0x91: {  	_ =	swait.ge [sflag:s26], $0x2000  }
0x92: {  	[sflag:s26] =	ssyncset.done $0x0  }
0x93: {  	[sflag:s26] =	ssyncadd.s32 $0xFFFFE000  }
0x94: {  	[spmem:s2] =	stream.indirect.scatter.add.f32 [tilespmem:s20], [sflag:$0x7], $0x40, s28, s16, $0xb8;
	[tilespmem:$0x1C400] =	vst v63  }
0x95: {  	_ =	swait.ge [sflag:s29], $0x2000  }
0x96: {  	[sflag:s29] =	ssyncset.done $0x0  }
0x97: {  	[sflag:s29] =	ssyncadd.s32 $0xFFFFE000  }
0x98: {  	[spmem:s2] =	stream.indirect.scatter.add.f32 [tilespmem:s22], [sflag:$0x8], $0x40, s30, s16, $0xb8;
	[tilespmem:$0x1C400] =	vst v63  }
0x99: {  	_ =	swait.ge [sflag:s31], $0x2000  }
0x9a: {  	[sflag:s31] =	ssyncset.done $0x0  }
0x9b: {  	[sflag:s31] =	ssyncadd.s32 $0xFFFFE000  }
0x9c: {  	_ =	swait.ge [sflag:s0], $0x2000  }
0x9d: {  	[sflag:s0] =	ssyncset.done $0x0  }
0x9e: {  	[sflag:s0] =	ssyncadd.s32 $0xFFFFE000  }
0x9f: {  	_ =	swait.ge [sflag:s1], $0x2000  }
0xa0: {  	[sflag:s1] =	ssyncset.done $0x0  }
0xa1: {  	[sflag:s1] =	ssyncadd.s32 $0xFFFFE000  }
0xa2: {  	_ =	swait.ge [sflag:s5], $0x2000  }
0xa3: {  	[sflag:s5] =	ssyncset.done $0x0  }
0xa4: {  	[sflag:s5] =	ssyncadd.s32 $0xFFFFE000  }
0xa5: {  	[bflag:$0x0] =	sbarrier.arrive $0xFFFF  }
0xa6: {  	s14 =	rddreg [dreg:$0x6]  }
0xa7: {  	s9 =	rddreg [dreg:$0x7]  }
0xa8: {  	s8 =	rddreg [dreg:$0xa]  }
0xa9: {  	[hbm:s9], [sflag:s14] =	dma.local [spmem:s8], $0x1400  }
0xaa: {  	_ =	swait.ge [sflag:s13], $0x1400  }
0xab: {  	s7 =	sadd.s32 $0x1, s7;
	s12 =	rddreg [dreg:$0x8]  }
0xac: {  	p0 =	sne.s32 s7, s12  }
.Ltmp1:
0xad: {  	_ = 	snop;
	(pc) =	sbr.rel @p0 .LBB2_1-.Ltmp1, $3  }
0xae: {  	_ =	sdelay $0x1  }
0xaf: {  	[sflag:s13] =	ssyncset.done $0x0  }
0xb0: {  	[sflag:s13] =	ssyncadd.s32 $0xFFFFEC00  }
0xb1: {  	_ =	sfence.sel $0x180000  }
0xb2: {  	[bflag:$0x0] =	sbarrier.arrive $0xFFFF  }
0xb3: {  	_ =	strace $0x9000004A  }
0xb4: {  	s0 =	stileid.u32;
	[bflag:$0x2] =	sbarrier.arrive $0xFFFF  }
0xb5: {  	p0 =	sne.s32 s0, $0x0;
	s0 =	rddreg [dreg:$0x4]  }
0xb6: {  	s0 =	sadd.s32 @!p0 $0x100000, s0  }
0xb7: {  	[sflag:s0] =	ssyncadd.tile.s32 @!p0 $0x1;
	_ =	shalt  }
.Lfunc_end2:
_tile_overlayer_lowered:
.L_overlay_start_2:
0xb8: {  	(tag) =	ssettag $0x2  }
0xb9: {  	s0 =	rddreg [dreg:$0x0];
	s2 =	stileid.u32  }
0xba: {  	s1 =	rddreg [dreg:$0x1];
	p0 =	sne.s32 s2, $0x0  }
0xbb: {  	s3 =	rddreg [dreg:$0x2];
	[bflag:$0x3] =	sbarrier.arrive $0xFFFF;
	s2 =	simm.s32 @!p0 $0x1C09  }
0xbc: {  	[timem:s3], [sflag:s2] =	dma.local @!p0 [hbm:s0], s1  }
0xbd: {  	s0 =	simm.s32 @!p0 $0x9  }
0xbe: {  	_ =	swait.ge @!p0 [sflag:s0], s1  }
0xbf: {  	s1 =	ssub.s32 @!p0 $0x0, s1;
	[sflag:s0] =	ssyncset.done @!p0 $0x0  }
0xc0: {  	[sflag:s0] =	ssyncadd.s32 @!p0 s1  }
0xc1: {  	[bflag:$0x3] =	sbarrier.arrive $0xFFFF  }
0xc2: {  	_ =	shalt  }

// kernel: kernel.15.cloned.1.call-start
scs
__scs_entry_jumppad:
0x0: {  	(pc) =	sbr.rel $0x88, $3  }
0x1: {  	(tag) =	ssettag $0x0;
	lr =	simm.s32 $0x1  }
0x2: {  	[smem:$0x3F9B] =	sst lr;
	_ =	strace $0xD0000000  }
0x3: {  	_ = 	snop  }
0x4: {  	_ = 	snop  }
0x5: {  	_ = 	snop  }
0x6: {  	_ = 	snop  }
0x7: {  	_ = 	snop  }
__scs_overlays_trampoline_lowered:
0x8: {  	[smem:$0x3FAA] =	sst s0  }
0x9: {  	[smem:$0x3FAB] =	sst s1  }
0xa: {  	[smem:$0x3FAC] =	sst s2  }
0xb: {  	[smem:$0x3FAD] =	sst s3  }
0xc: {  	[smem:$0x3FAE] =	sst s4  }
0xd: {  	[smem:$0x3FAF] =	sst s5  }
0xe: {  	[smem:$0x3FB0] =	sst s6  }
0xf: {  	[smem:$0x3FB1] =	sst s7  }
0x10: {  	[smem:$0x3FB2] =	sst s8  }
0x11: {  	[smem:$0x3FB3] =	sst s9;
	s0 =	simm.s32 @!p0 $0x0  }
0x12: {  	s1 =	sld [smem:$0x3F99];
	s0 =	simm.s32 @p0 $0x1  }
0x13: {  	[smem:$0x3FB4] =	sst s0;
	s0 =	simm.s32 @!p1 $0x0  }
0x14: {  	s2 =	sld [smem:$0x3F98];
	s0 =	simm.s32 @p1 $0x1  }
0x15: {  	[smem:$0x3FB5] =	sst s0;
	s0 =	simm.s32 @!p2 $0x0  }
0x16: {  	s3 =	sld [smem:$0x3FDB];
	s0 =	simm.s32 @p2 $0x1  }
0x17: {  	s4 =	simm.s32 $0x1BF5;
	[smem:$0x3FB7] =	sst s0  }
0x18: {  	s0 =	sld [smem:$0x3F9A];
	_ =	swait.ge [sflag:s4], $0x0  }
0x19: {  	s7 =	sld [smem:$0x3F9B]  }
0x1a: {  	s8 =	sadd.s32 $0xFFFFE003, lr  }
0x1b: {  	s9 =	sadd.s32 $0xFFFFFEF7, lr;
	s5 =	simm.s32 $0xFFFFFFFF;
	p2 =	slt.u32 s8, $0xFFFFF086  }
0x1c: {  	p1 =	slt.u32 s9, $0xF7A;
	s5 =	simm.s32 @!p2 $0x0  }
0x1d: {  	s5 =	simm.s32 @p1 $0x1;
	p0 =	seq.s32 s7, s2  }
0x1e: {  	s7 =	smul.u32 @!p0 $0xF7A, s2;
	p2 =	seq.s32 @!p0 s5, $0x0  }
0x1f: {  	s9 =	smul.u32 $0xF7A, s1;
	s8 =	simm.s32 @!p0 $0x1BF5;
	p2 =	por !p2, p0  }
0x20: {  	[sflag:s8] =	ssyncset.s32 @!p0 $0xFFFFF086;
	s6 =	sadd.s32 @!p0 s3, s7;
	s7 =	simm.s32 @!p0 $0x108  }
0x21: {  	s3 =	sadd.s32 s3, s9;
	s6 =	sadd.s32 @!p0 $0x88, s6;
	s7 =	simm.s32 @p2 $0x1082  }
0x22: {  	[simem:s7], [sflag:s8] =	dma.local @!p0 [hbm:s6], $0xF7A  }
0x23: {  	s9 =	sor.u32 $0xD0000000, s2;
	s6 =	simm.s32 $0x108;
	_ =	swait.ge @!p0 [sflag:s8], $0x0  }
0x24: {  	s3 =	sadd.s32 $0x88, s3;
	s6 =	simm.s32 @!p1 $0x1082;
	[sflag:s4] =	ssyncset.s32 $0xFFFFF086  }
0x25: {  	[simem:s6], [sflag:s4] =	dma.local [hbm:s3], $0xF7A  }
0x26: {  	[smem:$0x3F9B] =	sst s1;
	(tag) =	ssettag s2;
	_ =	strace s9  }
0x27: {  	s1 =	sld [smem:$0x3FAB]  }
0x28: {  	s2 =	sld [smem:$0x3FAC]  }
0x29: {  	s4 =	sld [smem:$0x3FAE]  }
0x2a: {  	p0 =	seq.s32 s5, $0x0;
	s5 =	sld [smem:$0x3FAF]  }
0x2b: {  	s6 =	sld [smem:$0x3FB0]  }
0x2c: {  	s7 =	sld [smem:$0x3FB1]  }
0x2d: {  	s3 =	simm.s32 $0x108;
	s8 =	sld [smem:$0x3FB2]  }
0x2e: {  	s3 =	simm.s32 @!p0 $0x1082;
	s9 =	sld [smem:$0x3FB3]  }
0x2f: {  	lr =	sadd.s32 s0, s3;
	s0 =	sld [smem:$0x3FAA]  }
0x30: {  	s3 =	sld [smem:$0x3FAD]  }
0x31: {  	[smem:$0x3FB6] =	sst s10  }
0x32: {  	s10 =	sld [smem:$0x3FB4];
	_ =	sdelay $0x3  }
0x33: {  	p0 =	seq.s32 s10, $0x1;
	s10 =	sld [smem:$0x3FB6];
	_ =	sdelay $0x3  }
0x34: {  	[smem:$0x3FB6] =	sst s10  }
0x35: {  	s10 =	sld [smem:$0x3FB5];
	_ =	sdelay $0x3  }
0x36: {  	p1 =	seq.s32 s10, $0x1;
	s10 =	sld [smem:$0x3FB6];
	_ =	sdelay $0x3  }
0x37: {  	[smem:$0x3FB6] =	sst s10  }
0x38: {  	s10 =	sld [smem:$0x3FB7]  }
0x39: {  	_ = 	snop;
	(pc) =	sbr.ind lr, $3  }
0x3a: {  	_ = 	snop  }
0x3b: {  	_ = 	snop  }
0x3c: {  	p2 =	seq.s32 s10, $0x1;
	s10 =	sld [smem:$0x3FB6]  }
0x3d: {  	_ =	shalt  }
0x3e: {  	_ =	shalt  }
0x3f: {  	_ =	shalt  }
0x40: {  	_ =	shalt  }
0x41: {  	_ =	shalt  }
0x42: {  	_ =	shalt  }
0x43: {  	_ =	shalt  }
0x44: {  	_ =	shalt  }
0x45: {  	_ =	shalt  }
0x46: {  	_ =	shalt  }
0x47: {  	_ =	shalt  }
0x48: {  	_ =	shalt  }
0x49: {  	_ =	shalt  }
0x4a: {  	_ =	shalt  }
0x4b: {  	_ =	shalt  }
0x4c: {  	_ =	shalt  }
0x4d: {  	_ =	shalt  }
0x4e: {  	_ =	shalt  }
0x4f: {  	_ =	shalt  }
0x50: {  	_ =	shalt  }
0x51: {  	_ =	shalt  }
0x52: {  	_ =	shalt  }
0x53: {  	_ =	shalt  }
0x54: {  	_ =	shalt  }
0x55: {  	_ =	shalt  }
0x56: {  	_ =	shalt  }
0x57: {  	_ =	shalt  }
0x58: {  	_ =	shalt  }
0x59: {  	_ =	shalt  }
0x5a: {  	_ =	shalt  }
0x5b: {  	_ =	shalt  }
0x5c: {  	_ =	shalt  }
0x5d: {  	_ =	shalt  }
0x5e: {  	_ =	shalt  }
0x5f: {  	_ =	shalt  }
0x60: {  	_ =	shalt  }
0x61: {  	_ =	shalt  }
0x62: {  	_ =	shalt  }
0x63: {  	_ =	shalt  }
0x64: {  	_ =	shalt  }
0x65: {  	_ =	shalt  }
0x66: {  	_ =	shalt  }
0x67: {  	_ =	shalt  }
0x68: {  	_ =	shalt  }
0x69: {  	_ =	shalt  }
0x6a: {  	_ =	shalt  }
0x6b: {  	_ =	shalt  }
0x6c: {  	_ =	shalt  }
0x6d: {  	_ =	shalt  }
0x6e: {  	_ =	shalt  }
0x6f: {  	_ =	shalt  }
0x70: {  	_ =	shalt  }
0x71: {  	_ =	shalt  }
0x72: {  	_ =	shalt  }
0x73: {  	_ =	shalt  }
0x74: {  	_ =	shalt  }
0x75: {  	_ =	shalt  }
0x76: {  	_ =	shalt  }
0x77: {  	_ =	shalt  }
0x78: {  	_ =	shalt  }
0x79: {  	_ =	shalt  }
0x7a: {  	_ =	shalt  }
0x7b: {  	_ =	shalt  }
0x7c: {  	_ =	shalt  }
0x7d: {  	_ =	shalt  }
0x7e: {  	_ =	shalt  }
0x7f: {  	_ =	shalt  }
0x80: {  	_ =	shalt  }
0x81: {  	_ =	shalt  }
0x82: {  	_ =	shalt  }
0x83: {  	_ =	shalt  }
0x84: {  	_ =	shalt  }
0x85: {  	_ =	shalt  }
0x86: {  	_ =	shalt  }
0x87: {  	_ =	shalt  }
.Lfunc_end0:
.L_simem_size_0:
called_computation.2_lowered:
.L_overlay_start_0:
0x88: {  	s2 =	sld [smem:$0x3FD9]  }
0x89: {  	s3 =	sld [smem:$0x3FFE];
	_ =	sdelay $0x1  }
0x8a: {  	s1 =	srdreg.scid  }
0x8b: {  	s0 =	sand.u32 $0x1, s1  }
0x8c: {  	s17 =	sshll.u32 s0, $0xA;
	s2 =	sadd.s32 s3, s2  }
0x8d: {  	s2 =	sadd.s32 s2, s17  }
0x8e: {  	[smem:$0x3FC2] =	sst s2  }
0x8f: {  	_ = 	snop  }
0x90: {  	s2 =	sld [smem:$0x3FD0];
	(tm) =	ssettm $0x1  }
0x91: {  	s18 =	sld [smem:$0x3FFB];
	_ =	sdelay $0x3  }
0x92: {  	_ =	strace s18  }
0x93: {  	s3 =	sld [smem:$0x3FFC];
	_ =	sdelay $0x3  }
0x94: {  	_ =	strace s3  }
0x95: {  	s3 =	sld [smem:$0x3FFD];
	_ =	sdelay $0x3  }
0x96: {  	_ =	strace s3  }
0x97: {  	_ =	strace $0x8FFFFFFF  }
0x98: {  	s19 =	sld [smem:$0x3FDB];
	_ =	sdelay $0x1  }
0x99: {  	s4 =	simm.s32 $_scs_section_size  }
0x9a: {  	s5 =	simm.s32 $_size__tile_overlayer_lowered;
	s6 =	simm.s32 $_tile_overlayer_lowered  }
0x9b: {  	s22 =	simm.s32 $0x1BFF;
	s21 =	sshll.u32 s6, $0x1;
	s3 =	sadd.s32 s4, s19  }
0x9c: {  	s7 =	simm.s32 $0x0;
	s20 =	sshll.u32 s5, $0x1;
	s5 =	sadd.s32 s21, s3  }
0x9d: {  	[timem:s7], [sflag:s22] =	dma.local [hbm:s5], s20  }
0x9e: {  	_ =	swait.ge [sflag:s22], s20  }
0x9f: {  	s4 =	ssub.s32 $0x0, s20;
	[sflag:s22] =	ssyncset.done $0x0  }
0xa0: {  	[sflag:s22] =	ssyncadd.s32 s4;
	_ =	sdelay $0x1  }
0xa1: {  	s23 =	simm.s32 $0x1B8B  }
0xa2: {  	_ =	swait.ge [sflag:s23], $0x1  }
0xa3: {  	[sflag:s23] =	ssyncset.done $0x0  }
0xa4: {  	s25 =	simm.s32 $0x1B8E;
	s24 =	sld [smem:$0x3FFE];
	[sflag:s23] =	ssyncadd.s32 $0xFFFFFFFF  }
0xa5: {  	s26 =	simm.s32 $execute0_lowered;
	[smem:$0x3FD2] =	sst s25  }
0xa6: {  	s5 =	sshll.u32 s26, $0x1;
	_ =	strace $0x8000004C;
	[dreg:$0x1] =	wrdreg $0xFFFFFFFF  }
0xa7: {  	s28 =	simm.s32 $_size_execute0_lowered;
	s3 =	sadd.s32 s3, s5;
	[dreg:$0x0] =	wrdreg $0x0  }
0xa8: {  	s5 =	sshll.u32 s28, $0x1;
	[dreg:$0x2] =	wrdreg s3  }
0xa9: {  	[dreg:$0x3] =	wrdreg s5  }
0xaa: {  	[dreg:$0x4] =	wrdreg $0xC0  }
0xab: {  	_ =	task [dreg:s7], $0x5FFFF  }
0xac: {  	[dreg:$0x1] =	wrdreg $0xFFFFFFFF  }
0xad: {  	[dreg:$0x0] =	wrdreg $0x60  }
0xae: {  	[dreg:$0x2] =	wrdreg s24  }
0xaf: {  	[dreg:$0x3] =	wrdreg s2  }
0xb0: {  	[dreg:$0x4] =	wrdreg $0x84000  }
0xb1: {  	[dreg:$0x5] =	wrdreg $0x124000  }
0xb2: {  	[dreg:$0x6] =	wrdreg $0x9  }
0xb3: {  	_ =	task.clear_ibuf [dreg:s7], $0x7FFFF;
	_ =	strace $0x9000004C  }
0xb4: {  	s29 =	simm.s32 $0x9;
	_ =	strace $0x8000004E  }
0xb5: {  	_ =	swait.ge [sflag:s29], $0x1  }
0xb6: {  	[sflag:s29] =	ssyncadd.s32 $0xFFFFFFFF  }
0xb7: {  	_ =	strace $0x9000004E  }
0xb8: {  	_ =	sfence  }
0xb9: {  	s30 =	sld [smem:$0x0];
	_ =	sdelay $0x2  }
0xba: {  	s31 =	sshll.u32 s1, $0xD;
	s1 =	sshrl.u32 s1, $0x2  }
0xbb: {  	s3 =	sand.u32 $0x4000, s31;
	s1 =	sadd.s32 s1, s30  }
0xbc: {  	s0 =	sor.u32 s3, s0;
	s1 =	sshll.u32 s1, $0x11  }
0xbd: {  	s0 =	sor.u32 s1, s0  }
0xbe: {  	s0 =	sadd.s32 $0x8F2B, s0  }
0xbf: {  	[sflag:s0] =	ssyncadd.remote.s32 $0x1  }
0xc0: {  	_ =	sfence.sel $0xFFFF  }
0xc1: {  	[dreg:$0x0] =	wrdreg $0xFFFFFFFF;
	(pc) =	sbr.abs _section_cstart, $3  }
0xc2: {  	[dreg:$0x1] =	wrdreg $0xFFFFFFFF  }
0xc3: {  	_ =	task.clear_ibuf [dreg:s7], $0x2FFFF;
	_ =	strace $0x9FFFFFFF  }
0xc4: {  	(tm) =	ssettm $0x7FFFFFFF  }
0xc5: {  	_ =	shalt  }
tec
execute0_lowered:
.L_overlay_start_1:
0x0: {  	(tag) =	ssettag $0x1  }
0x1: {  	s0 =	rddreg [dreg:$0x0]  }
0x2: {  	s1 =	rddreg [dreg:$0x1]  }
0x3: {  	s2 =	rddreg [dreg:$0x2]  }
0x4: {  	s3 =	rddreg [dreg:$0x3];
	s13 =	stileid.u32;
	s4 =	simm.s32 $0x0  }
0x5: {  	s6 =	srdreg.scid;
	s15 =	simm.s32 $0x200;
	s16 =	simm.s32 $0x80  }
0x6: {  	s17 =	simm.s32 $0x400;
	s28 =	simm.s32 $0x300;
	s29 =	simm.s32 $0x4  }
0x7: {  	s30 =	simm.s32 $0x380;
	s31 =	simm.s32 $0x5;
	s5 =	smul.u32 $0xA000, s13  }
0x8: {  	[smem:$0x7FF] =	sst s4;
	s6 =	sand.u32 $0x1, s6;
	s7 =	smul.u32 $0x2800, s13  }
0x9: {  	s23 =	sshll.u32 s13, $0x6;
	s13 =	simm.s32 $0x9;
	_ =	strace $0x8000004D  }
0xa: {  	s9 =	smul.u32 $0xA0000, s6;
	p0 =	seq.s32 s6, $0x0;
	s6 =	ssub.s32 $0x2, s6  }
0xb: {  	s14 =	sor.u32 $0x1C09, s23;
	s23 =	simm.s32 $0x1;
	s8 =	sshrl.u32 s5, $0x3  }
0xc: {  	s10 =	sadd.s32 $0x28000, s7;
	s20 =	sshrl.u32 s6, $0x1;
	s12 =	sadd.s32 s5, s2  }
0xd: {  	[dreg:$0x6] =	wrdreg s14;
	s8 =	sadd.s32 s8, s0;
	s10 =	smov.u32 @p0 s7  }
0xe: {  	s18 =	sadd.s32 s5, s9;
	s21 =	ssub.s32 s6, s20;
	s5 =	sadd.s32 s5, s3  }
0xf: {  	s20 =	simm.s32 $0x4400;
	s19 =	sshrl.u32 s10, $0x3;
	s7 =	sshrl.u32 s18, $0x3  }
0x10: {  	s22 =	sadd.s32 $0x92600, s8;
	s24 =	sadd.s32 $0x6A600, s8;
	s25 =	smax.u32 s21, $0x1  }
0x11: {  	s8 =	sshrl.u32 s12, $0x3;
	s26 =	sshrl.u32 s5, $0x3;
	[dreg:$0x5] =	wrdreg s22  }
0x12: {  	s18 =	simm.s32 $0x2400;
	s21 =	simm.s32 $0x180;
	[dreg:$0x7] =	wrdreg s24  }
0x13: {  	s5 =	simm.s32 $0x8;
	s11 =	sadd.s32 s19, s0;
	[dreg:$0x9] =	wrdreg s25  }
0x14: {  	s0 =	sadd.s32 s7, s0;
	s10 =	sadd.s32 s19, s1;
	[dreg:$0xb] =	wrdreg s26  }
0x15: {  	s19 =	simm.s32 $0x100;
	s22 =	simm.s32 $0x6400;
	s24 =	simm.s32 $0x2  }
0x16: {  	s25 =	simm.s32 $0x280;
	s26 =	simm.s32 $0x3;
	s1 =	simm.s32 $0x7  }
0x17: {  	s7 =	simm.s32 $0x0;
	[dreg:$0xa] =	wrdreg s8;
	s0 =	sadd.s32 $0xA6600, s0  }
0x18: {  	s11 =	sadd.s32 $0x10600, s11;
	[dreg:$0x8] =	wrdreg s0;
	s0 =	simm.s32 $0x6  }
.LBB2_1:
0x19: {  	s6 =	rddreg [dreg:$0x5]  }
0x1a: {  	[spmem:s8], [sflag:s14] =	dma.local [hbm:s6], $0x1400  }
0x1b: {  	_ =	swait.ge [sflag:s13], $0x1400  }
0x1c: {  	[sflag:s13] =	ssyncset.done $0x0;
	s8 =	rddreg [dreg:$0x7]  }
0x1d: {  	s9 =	rddreg [dreg:$0xb];
	[sflag:s13] =	ssyncadd.s32 $0xFFFFEC00  }
0x1e: {  	[spmem:s9], [sflag:s14] =	dma.local [hbm:s8], $0x1400  }
0x1f: {  	_ =	swait.ge [sflag:s13], $0x1400  }
0x20: {  	[sflag:s13] =	ssyncset.done $0x0  }
0x21: {  	[sflag:s13] =	ssyncadd.s32 $0xFFFFEC00  }
0x22: {  	s12 =	sadd.s32 $0x0, s11;
	[bflag:$0x0] =	sbarrier.arrive $0xFFFF  }
0x23: {  	[tilespmem:s4], [sflag:$0x9] =	stream.linear.gather [hbm4b:s12+s4], $0x200, $0x38;
	[tilespmem:$0x1C400] =	vst v63  }
0x24: {  	_ =	swait.ge [sflag:s13], $0x200  }
0x25: {  	[sflag:s13] =	ssyncset.done $0x0  }
0x26: {  	s14 =	sadd.s32 $0x0, s10;
	[sflag:s13] =	ssyncadd.s32 $0xFFFFFE00  }
0x27: {  	[tilespmem:s15], [sflag:$0x9] =	stream.linear.gather [hbm4b:s14+s4], $0x200, $0x38;
	[tilespmem:$0x1C400] =	vst v63  }
0x28: {  	_ =	swait.ge [sflag:s13], $0x200  }
0x29: {  	[sflag:s13] =	ssyncset.done $0x0  }
0x2a: {  	[sflag:s13] =	ssyncadd.s32 $0xFFFFFE00  }
0x2b: {  	[tilespmem:s17], [sflag:$0x1] =	stream.indirect.gather [spmem:s3], $0x40, s4, s16, $0xb8;
	[tilespmem:$0x1C400] =	vst v63  }
0x2c: {  	_ = 	snop  }
0x2d: {  	[tilespmem:s18], [sflag:$0x2] =	stream.indirect.gather [spmem:s3], $0x40, s16, s16, $0xb8;
	[tilespmem:$0x1C400] =	vst v63  }
0x2e: {  	_ = 	snop  }
0x2f: {  	[tilespmem:s20], [sflag:$0x3] =	stream.indirect.gather [spmem:s3], $0x40, s19, s16, $0xb8;
	[tilespmem:$0x1C400] =	vst v63  }
0x30: {  	_ = 	snop  }
0x31: {  	[tilespmem:s22], [sflag:$0x4] =	stream.indirect.gather [spmem:s3], $0x40, s21, s16, $0xb8;
	[tilespmem:$0x1C400] =	vst v63  }
0x32: {  	_ =	swait.ge [sflag:s23], $0x2000  }
0x33: {  	[sflag:s23] =	ssyncset.done $0x0  }
0x34: {  	[sflag:s23] =	ssyncadd.s32 $0xFFFFE000  }
0x35: {  	[spmem:s2] =	stream.indirect.scatter.add.f32 [tilespmem:s17], [sflag:$0x5], $0x40, s15, s16, $0xb8;
	[tilespmem:$0x1C400] =	vst v63  }
0x36: {  	_ =	swait.ge [sflag:s24], $0x2000  }
0x37: {  	[sflag:s24] =	ssyncset.done $0x0  }
0x38: {  	[sflag:s24] =	ssyncadd.s32 $0xFFFFE000  }
0x39: {  	[spmem:s2] =	stream.indirect.scatter.add.f32 [tilespmem:s18], [sflag:$0x6], $0x40, s25, s16, $0xb8;
	[tilespmem:$0x1C400] =	vst v63  }
0x3a: {  	_ =	swait.ge [sflag:s26], $0x2000  }
0x3b: {  	[sflag:s26] =	ssyncset.done $0x0  }
0x3c: {  	[sflag:s26] =	ssyncadd.s32 $0xFFFFE000  }
0x3d: {  	[spmem:s2] =	stream.indirect.scatter.add.f32 [tilespmem:s20], [sflag:$0x7], $0x40, s28, s16, $0xb8;
	[tilespmem:$0x1C400] =	vst v63  }
0x3e: {  	_ =	swait.ge [sflag:s29], $0x2000  }
0x3f: {  	[sflag:s29] =	ssyncset.done $0x0  }
0x40: {  	[sflag:s29] =	ssyncadd.s32 $0xFFFFE000  }
0x41: {  	[spmem:s2] =	stream.indirect.scatter.add.f32 [tilespmem:s22], [sflag:$0x8], $0x40, s30, s16, $0xb8;
	[tilespmem:$0x1C400] =	vst v63  }
0x42: {  	_ =	swait.ge [sflag:s31], $0x2000  }
0x43: {  	[sflag:s31] =	ssyncset.done $0x0  }
0x44: {  	[sflag:s31] =	ssyncadd.s32 $0xFFFFE000  }
0x45: {  	_ =	swait.ge [sflag:s0], $0x2000  }
0x46: {  	[sflag:s0] =	ssyncset.done $0x0  }
0x47: {  	[sflag:s0] =	ssyncadd.s32 $0xFFFFE000  }
0x48: {  	_ =	swait.ge [sflag:s1], $0x2000  }
0x49: {  	[sflag:s1] =	ssyncset.done $0x0  }
0x4a: {  	[sflag:s1] =	ssyncadd.s32 $0xFFFFE000  }
0x4b: {  	_ =	swait.ge [sflag:s5], $0x2000  }
0x4c: {  	s8 =	simm.s32 $0x40;
	s9 =	simm.s32 $0x80;
	[sflag:s5] =	ssyncset.done $0x0  }
.LBB2_2:
0x4d: {  	s12 =	sadd.s32 s8, s11  }
0x4e: {  	[sflag:s5] =	ssyncadd.s32 $0xFFFFE000;
	s6 =	smov.u32 s9;
	s14 =	sadd.s32 $0x40, s9  }
0x4f: {  	[tilespmem:s4], [sflag:$0x9] =	stream.linear.gather [hbm4b:s12+s4], $0x200, $0x38;
	[tilespmem:$0x1C400] =	vst v63  }
0x50: {  	p0 =	sne.s32 s9, $0x4C0;
	_ =	swait.ge [sflag:s13], $0x200  }
0x51: {  	[sflag:s13] =	ssyncset.done $0x0  }
0x52: {  	s9 =	sadd.s32 s8, s10;
	s8 =	smov.u32 s6;
	[sflag:s13] =	ssyncadd.s32 $0xFFFFFE00  }
0x53: {  	[tilespmem:s15], [sflag:$0x9] =	stream.linear.gather [hbm4b:s9+s4], $0x200, $0x38;
	[tilespmem:$0x1C400] =	vst v63  }
0x54: {  	_ =	swait.ge [sflag:s13], $0x200  }
0x55: {  	[sflag:s13] =	ssyncset.done $0x0  }
0x56: {  	[sflag:s13] =	ssyncadd.s32 $0xFFFFFE00  }
0x57: {  	[tilespmem:s17], [sflag:$0x1] =	stream.indirect.gather [spmem:s3], $0x40, s4, s16, $0xb8;
	[tilespmem:$0x1C400] =	vst v63  }
0x58: {  	_ = 	snop  }
0x59: {  	[tilespmem:s18], [sflag:$0x2] =	stream.indirect.gather [spmem:s3], $0x40, s16, s16, $0xb8;
	[tilespmem:$0x1C400] =	vst v63  }
0x5a: {  	_ = 	snop  }
0x5b: {  	[tilespmem:s20], [sflag:$0x3] =	stream.indirect.gather [spmem:s3], $0x40, s19, s16, $0xb8;
	[tilespmem:$0x1C400] =	vst v63  }
0x5c: {  	_ = 	snop  }
0x5d: {  	[tilespmem:s22], [sflag:$0x4] =	stream.indirect.gather [spmem:s3], $0x40, s21, s16, $0xb8;
	[tilespmem:$0x1C400] =	vst v63  }
0x5e: {  	_ =	swait.ge [sflag:s23], $0x2000  }
0x5f: {  	[sflag:s23] =	ssyncset.done $0x0  }
0x60: {  	[sflag:s23] =	ssyncadd.s32 $0xFFFFE000  }
0x61: {  	[spmem:s2] =	stream.indirect.scatter.add.f32 [tilespmem:s17], [sflag:$0x5], $0x40, s15, s16, $0xb8;
	[tilespmem:$0x1C400] =	vst v63  }
0x62: {  	_ =	swait.ge [sflag:s24], $0x2000  }
0x63: {  	[sflag:s24] =	ssyncset.done $0x0  }
0x64: {  	[sflag:s24] =	ssyncadd.s32 $0xFFFFE000  }
0x65: {  	[spmem:s2] =	stream.indirect.scatter.add.f32 [tilespmem:s18], [sflag:$0x6], $0x40, s25, s16, $0xb8;
	[tilespmem:$0x1C400] =	vst v63  }
0x66: {  	_ =	swait.ge [sflag:s26], $0x2000  }
0x67: {  	[sflag:s26] =	ssyncset.done $0x0  }
0x68: {  	[sflag:s26] =	ssyncadd.s32 $0xFFFFE000  }
0x69: {  	[spmem:s2] =	stream.indirect.scatter.add.f32 [tilespmem:s20], [sflag:$0x7], $0x40, s28, s16, $0xb8;
	[tilespmem:$0x1C400] =	vst v63  }
0x6a: {  	_ =	swait.ge [sflag:s29], $0x2000  }
0x6b: {  	[sflag:s29] =	ssyncset.done $0x0  }
0x6c: {  	[sflag:s29] =	ssyncadd.s32 $0xFFFFE000  }
0x6d: {  	[spmem:s2] =	stream.indirect.scatter.add.f32 [tilespmem:s22], [sflag:$0x8], $0x40, s30, s16, $0xb8;
	[tilespmem:$0x1C400] =	vst v63  }
0x6e: {  	_ =	swait.ge [sflag:s31], $0x2000  }
0x6f: {  	[sflag:s31] =	ssyncset.done $0x0  }
0x70: {  	[sflag:s31] =	ssyncadd.s32 $0xFFFFE000  }
0x71: {  	_ =	swait.ge [sflag:s0], $0x2000  }
0x72: {  	[sflag:s0] =	ssyncset.done $0x0  }
0x73: {  	[sflag:s0] =	ssyncadd.s32 $0xFFFFE000  }
.Ltmp0:
0x74: {  	_ =	swait.ge [sflag:s1], $0x2000;
	(pc) =	sbr.rel @p0 .LBB2_2-.Ltmp0, $4  }
0x75: {  	[sflag:s1] =	ssyncset.done $0x0  }
0x76: {  	[sflag:s1] =	ssyncadd.s32 $0xFFFFE000  }
0x77: {  	_ =	swait.ge [sflag:s5], $0x2000  }
0x78: {  	s9 =	smov.u32 s14;
	[sflag:s5] =	ssyncset.done $0x0  }
0x79: {  	s6 =	sadd.s32 s8, s11;
	[sflag:s5] =	ssyncadd.s32 $0xFFFFE000  }
0x7a: {  	[tilespmem:s4], [sflag:$0x9] =	stream.linear.gather [hbm4b:s6+s4], $0x200, $0x38;
	[tilespmem:$0x1C400] =	vst v63  }
0x7b: {  	_ =	swait.ge [sflag:s13], $0x200  }
0x7c: {  	[sflag:s13] =	ssyncset.done $0x0  }
0x7d: {  	s8 =	sadd.s32 s8, s10;
	[sflag:s13] =	ssyncadd.s32 $0xFFFFFE00  }
0x7e: {  	[tilespmem:s15], [sflag:$0x9] =	stream.linear.gather [hbm4b:s8+s4], $0x200, $0x38;
	[tilespmem:$0x1C400] =	vst v63  }
0x7f: {  	_ =	swait.ge [sflag:s13], $0x200  }
0x80: {  	[sflag:s13] =	ssyncset.done $0x0  }
0x81: {  	[sflag:s13] =	ssyncadd.s32 $0xFFFFFE00  }
0x82: {  	[tilespmem:s17], [sflag:$0x1] =	stream.indirect.gather [spmem:s3], $0x40, s4, s16, $0xb8;
	[tilespmem:$0x1C400] =	vst v63  }
0x83: {  	_ = 	snop  }
0x84: {  	[tilespmem:s18], [sflag:$0x2] =	stream.indirect.gather [spmem:s3], $0x40, s16, s16, $0xb8;
	[tilespmem:$0x1C400] =	vst v63  }
0x85: {  	_ = 	snop  }
0x86: {  	[tilespmem:s20], [sflag:$0x3] =	stream.indirect.gather [spmem:s3], $0x40, s19, s16, $0xb8;
	[tilespmem:$0x1C400] =	vst v63  }
0x87: {  	_ = 	snop  }
0x88: {  	[tilespmem:s22], [sflag:$0x4] =	stream.indirect.gather [spmem:s3], $0x40, s21, s16, $0xb8;
	[tilespmem:$0x1C400] =	vst v63  }
0x89: {  	_ =	swait.ge [sflag:s23], $0x2000  }
0x8a: {  	[sflag:s23] =	ssyncset.done $0x0  }
0x8b: {  	[sflag:s23] =	ssyncadd.s32 $0xFFFFE000  }
0x8c: {  	[spmem:s2] =	stream.indirect.scatter.add.f32 [tilespmem:s17], [sflag:$0x5], $0x40, s15, s16, $0xb8;
	[tilespmem:$0x1C400] =	vst v63  }
0x8d: {  	_ =	swait.ge [sflag:s24], $0x2000  }
0x8e: {  	[sflag:s24] =	ssyncset.done $0x0  }
0x8f: {  	[sflag:s24] =	ssyncadd.s32 $0xFFFFE000  }
0x90: {  	[spmem:s2] =	stream.indirect.scatter.add.f32 [tilespmem:s18], [sflag:$0x6], $0x40, s25, s16, $0xb8;
	[tilespmem:$0x1C400] =	vst v63  }
0x91: {  	_ =	swait.ge [sflag:s26], $0x2000  }
0x92: {  	[sflag:s26] =	ssyncset.done $0x0  }
0x93: {  	[sflag:s26] =	ssyncadd.s32 $0xFFFFE000  }
0x94: {  	[spmem:s2] =	stream.indirect.scatter.add.f32 [tilespmem:s20], [sflag:$0x7], $0x40, s28, s16, $0xb8;
	[tilespmem:$0x1C400] =	vst v63  }
0x95: {  	_ =	swait.ge [sflag:s29], $0x2000  }
0x96: {  	[sflag:s29] =	ssyncset.done $0x0  }
0x97: {  	[sflag:s29] =	ssyncadd.s32 $0xFFFFE000  }
0x98: {  	[spmem:s2] =	stream.indirect.scatter.add.f32 [tilespmem:s22], [sflag:$0x8], $0x40, s30, s16, $0xb8;
	[tilespmem:$0x1C400] =	vst v63  }
0x99: {  	_ =	swait.ge [sflag:s31], $0x2000  }
0x9a: {  	[sflag:s31] =	ssyncset.done $0x0  }
0x9b: {  	[sflag:s31] =	ssyncadd.s32 $0xFFFFE000  }
0x9c: {  	_ =	swait.ge [sflag:s0], $0x2000  }
0x9d: {  	[sflag:s0] =	ssyncset.done $0x0  }
0x9e: {  	[sflag:s0] =	ssyncadd.s32 $0xFFFFE000  }
0x9f: {  	_ =	swait.ge [sflag:s1], $0x2000  }
0xa0: {  	[sflag:s1] =	ssyncset.done $0x0  }
0xa1: {  	[sflag:s1] =	ssyncadd.s32 $0xFFFFE000  }
0xa2: {  	_ =	swait.ge [sflag:s5], $0x2000  }
0xa3: {  	[sflag:s5] =	ssyncset.done $0x0  }
0xa4: {  	[sflag:s5] =	ssyncadd.s32 $0xFFFFE000  }
0xa5: {  	[bflag:$0x0] =	sbarrier.arrive $0xFFFF  }
0xa6: {  	s14 =	rddreg [dreg:$0x6]  }
0xa7: {  	s9 =	rddreg [dreg:$0x8]  }
0xa8: {  	s8 =	rddreg [dreg:$0xa]  }
0xa9: {  	[hbm:s9], [sflag:s14] =	dma.local [spmem:s8], $0x1400  }
0xaa: {  	_ =	swait.ge [sflag:s13], $0x1400  }
0xab: {  	s7 =	sadd.s32 $0x1, s7;
	s12 =	rddreg [dreg:$0x9]  }
0xac: {  	p0 =	sne.s32 s7, s12  }
.Ltmp1:
0xad: {  	_ = 	snop;
	(pc) =	sbr.rel @p0 .LBB2_1-.Ltmp1, $3  }
0xae: {  	_ =	sdelay $0x1  }
0xaf: {  	[sflag:s13] =	ssyncset.done $0x0  }
0xb0: {  	[sflag:s13] =	ssyncadd.s32 $0xFFFFEC00  }
0xb1: {  	_ =	sfence.sel $0x180000  }
0xb2: {  	[bflag:$0x0] =	sbarrier.arrive $0xFFFF  }
0xb3: {  	_ =	strace $0x9000004D  }
0xb4: {  	s0 =	stileid.u32;
	[bflag:$0x2] =	sbarrier.arrive $0xFFFF  }
0xb5: {  	p0 =	sne.s32 s0, $0x0;
	s0 =	rddreg [dreg:$0x4]  }
0xb6: {  	s0 =	sadd.s32 @!p0 $0x100000, s0  }
0xb7: {  	[sflag:s0] =	ssyncadd.tile.s32 @!p0 $0x1;
	_ =	shalt  }
.Lfunc_end2:
_tile_overlayer_lowered:
.L_overlay_start_2:
0xb8: {  	(tag) =	ssettag $0x2  }
0xb9: {  	s0 =	rddreg [dreg:$0x0];
	s2 =	stileid.u32  }
0xba: {  	s1 =	rddreg [dreg:$0x1];
	p0 =	sne.s32 s2, $0x0  }
0xbb: {  	s3 =	rddreg [dreg:$0x2];
	[bflag:$0x3] =	sbarrier.arrive $0xFFFF;
	s2 =	simm.s32 @!p0 $0x1C09  }
0xbc: {  	[timem:s3], [sflag:s2] =	dma.local @!p0 [hbm:s0], s1  }
0xbd: {  	s0 =	simm.s32 @!p0 $0x9  }
0xbe: {  	_ =	swait.ge @!p0 [sflag:s0], s1  }
0xbf: {  	s1 =	ssub.s32 @!p0 $0x0, s1;
	[sflag:s0] =	ssyncset.done @!p0 $0x0  }
0xc0: {  	[sflag:s0] =	ssyncadd.s32 @!p0 s1  }
0xc1: {  	[bflag:$0x3] =	sbarrier.arrive $0xFFFF  }
0xc2: {  	_ =	shalt  }

// kernel: kernel.9.cloned.1.call-start
scs
__scs_entry_jumppad:
0x0: {  	(pc) =	sbr.rel $0x88, $3  }
0x1: {  	(tag) =	ssettag $0x0;
	lr =	simm.s32 $0x1  }
0x2: {  	[smem:$0x3F9B] =	sst lr;
	_ =	strace $0xD0000000  }
0x3: {  	_ = 	snop  }
0x4: {  	_ = 	snop  }
0x5: {  	_ = 	snop  }
0x6: {  	_ = 	snop  }
0x7: {  	_ = 	snop  }
__scs_overlays_trampoline_lowered:
0x8: {  	[smem:$0x3FAA] =	sst s0  }
0x9: {  	[smem:$0x3FAB] =	sst s1  }
0xa: {  	[smem:$0x3FAC] =	sst s2  }
0xb: {  	[smem:$0x3FAD] =	sst s3  }
0xc: {  	[smem:$0x3FAE] =	sst s4  }
0xd: {  	[smem:$0x3FAF] =	sst s5  }
0xe: {  	[smem:$0x3FB0] =	sst s6  }
0xf: {  	[smem:$0x3FB1] =	sst s7  }
0x10: {  	[smem:$0x3FB2] =	sst s8  }
0x11: {  	[smem:$0x3FB3] =	sst s9;
	s0 =	simm.s32 @!p0 $0x0  }
0x12: {  	s1 =	sld [smem:$0x3F99];
	s0 =	simm.s32 @p0 $0x1  }
0x13: {  	[smem:$0x3FB4] =	sst s0;
	s0 =	simm.s32 @!p1 $0x0  }
0x14: {  	s2 =	sld [smem:$0x3F98];
	s0 =	simm.s32 @p1 $0x1  }
0x15: {  	[smem:$0x3FB5] =	sst s0;
	s0 =	simm.s32 @!p2 $0x0  }
0x16: {  	s3 =	sld [smem:$0x3FDB];
	s0 =	simm.s32 @p2 $0x1  }
0x17: {  	s4 =	simm.s32 $0x1BF5;
	[smem:$0x3FB7] =	sst s0  }
0x18: {  	s0 =	sld [smem:$0x3F9A];
	_ =	swait.ge [sflag:s4], $0x0  }
0x19: {  	s7 =	sld [smem:$0x3F9B]  }
0x1a: {  	s8 =	sadd.s32 $0xFFFFE003, lr  }
0x1b: {  	s9 =	sadd.s32 $0xFFFFFEF7, lr;
	s5 =	simm.s32 $0xFFFFFFFF;
	p2 =	slt.u32 s8, $0xFFFFF086  }
0x1c: {  	p1 =	slt.u32 s9, $0xF7A;
	s5 =	simm.s32 @!p2 $0x0  }
0x1d: {  	s5 =	simm.s32 @p1 $0x1;
	p0 =	seq.s32 s7, s2  }
0x1e: {  	s7 =	smul.u32 @!p0 $0xF7A, s2;
	p2 =	seq.s32 @!p0 s5, $0x0  }
0x1f: {  	s9 =	smul.u32 $0xF7A, s1;
	s8 =	simm.s32 @!p0 $0x1BF5;
	p2 =	por !p2, p0  }
0x20: {  	[sflag:s8] =	ssyncset.s32 @!p0 $0xFFFFF086;
	s6 =	sadd.s32 @!p0 s3, s7;
	s7 =	simm.s32 @!p0 $0x108  }
0x21: {  	s3 =	sadd.s32 s3, s9;
	s6 =	sadd.s32 @!p0 $0x88, s6;
	s7 =	simm.s32 @p2 $0x1082  }
0x22: {  	[simem:s7], [sflag:s8] =	dma.local @!p0 [hbm:s6], $0xF7A  }
0x23: {  	s9 =	sor.u32 $0xD0000000, s2;
	s6 =	simm.s32 $0x108;
	_ =	swait.ge @!p0 [sflag:s8], $0x0  }
0x24: {  	s3 =	sadd.s32 $0x88, s3;
	s6 =	simm.s32 @!p1 $0x1082;
	[sflag:s4] =	ssyncset.s32 $0xFFFFF086  }
0x25: {  	[simem:s6], [sflag:s4] =	dma.local [hbm:s3], $0xF7A  }
0x26: {  	[smem:$0x3F9B] =	sst s1;
	(tag) =	ssettag s2;
	_ =	strace s9  }
0x27: {  	s1 =	sld [smem:$0x3FAB]  }
0x28: {  	s2 =	sld [smem:$0x3FAC]  }
0x29: {  	s4 =	sld [smem:$0x3FAE]  }
0x2a: {  	p0 =	seq.s32 s5, $0x0;
	s5 =	sld [smem:$0x3FAF]  }
0x2b: {  	s6 =	sld [smem:$0x3FB0]  }
0x2c: {  	s7 =	sld [smem:$0x3FB1]  }
0x2d: {  	s3 =	simm.s32 $0x108;
	s8 =	sld [smem:$0x3FB2]  }
0x2e: {  	s3 =	simm.s32 @!p0 $0x1082;
	s9 =	sld [smem:$0x3FB3]  }
0x2f: {  	lr =	sadd.s32 s0, s3;
	s0 =	sld [smem:$0x3FAA]  }
0x30: {  	s3 =	sld [smem:$0x3FAD]  }
0x31: {  	[smem:$0x3FB6] =	sst s10  }
0x32: {  	s10 =	sld [smem:$0x3FB4];
	_ =	sdelay $0x3  }
0x33: {  	p0 =	seq.s32 s10, $0x1;
	s10 =	sld [smem:$0x3FB6];
	_ =	sdelay $0x3  }
0x34: {  	[smem:$0x3FB6] =	sst s10  }
0x35: {  	s10 =	sld [smem:$0x3FB5];
	_ =	sdelay $0x3  }
0x36: {  	p1 =	seq.s32 s10, $0x1;
	s10 =	sld [smem:$0x3FB6];
	_ =	sdelay $0x3  }
0x37: {  	[smem:$0x3FB6] =	sst s10  }
0x38: {  	s10 =	sld [smem:$0x3FB7]  }
0x39: {  	_ = 	snop;
	(pc) =	sbr.ind lr, $3  }
0x3a: {  	_ = 	snop  }
0x3b: {  	_ = 	snop  }
0x3c: {  	p2 =	seq.s32 s10, $0x1;
	s10 =	sld [smem:$0x3FB6]  }
0x3d: {  	_ =	shalt  }
0x3e: {  	_ =	shalt  }
0x3f: {  	_ =	shalt  }
0x40: {  	_ =	shalt  }
0x41: {  	_ =	shalt  }
0x42: {  	_ =	shalt  }
0x43: {  	_ =	shalt  }
0x44: {  	_ =	shalt  }
0x45: {  	_ =	shalt  }
0x46: {  	_ =	shalt  }
0x47: {  	_ =	shalt  }
0x48: {  	_ =	shalt  }
0x49: {  	_ =	shalt  }
0x4a: {  	_ =	shalt  }
0x4b: {  	_ =	shalt  }
0x4c: {  	_ =	shalt  }
0x4d: {  	_ =	shalt  }
0x4e: {  	_ =	shalt  }
0x4f: {  	_ =	shalt  }
0x50: {  	_ =	shalt  }
0x51: {  	_ =	shalt  }
0x52: {  	_ =	shalt  }
0x53: {  	_ =	shalt  }
0x54: {  	_ =	shalt  }
0x55: {  	_ =	shalt  }
0x56: {  	_ =	shalt  }
0x57: {  	_ =	shalt  }
0x58: {  	_ =	shalt  }
0x59: {  	_ =	shalt  }
0x5a: {  	_ =	shalt  }
0x5b: {  	_ =	shalt  }
0x5c: {  	_ =	shalt  }
0x5d: {  	_ =	shalt  }
0x5e: {  	_ =	shalt  }
0x5f: {  	_ =	shalt  }
0x60: {  	_ =	shalt  }
0x61: {  	_ =	shalt  }
0x62: {  	_ =	shalt  }
0x63: {  	_ =	shalt  }
0x64: {  	_ =	shalt  }
0x65: {  	_ =	shalt  }
0x66: {  	_ =	shalt  }
0x67: {  	_ =	shalt  }
0x68: {  	_ =	shalt  }
0x69: {  	_ =	shalt  }
0x6a: {  	_ =	shalt  }
0x6b: {  	_ =	shalt  }
0x6c: {  	_ =	shalt  }
0x6d: {  	_ =	shalt  }
0x6e: {  	_ =	shalt  }
0x6f: {  	_ =	shalt  }
0x70: {  	_ =	shalt  }
0x71: {  	_ =	shalt  }
0x72: {  	_ =	shalt  }
0x73: {  	_ =	shalt  }
0x74: {  	_ =	shalt  }
0x75: {  	_ =	shalt  }
0x76: {  	_ =	shalt  }
0x77: {  	_ =	shalt  }
0x78: {  	_ =	shalt  }
0x79: {  	_ =	shalt  }
0x7a: {  	_ =	shalt  }
0x7b: {  	_ =	shalt  }
0x7c: {  	_ =	shalt  }
0x7d: {  	_ =	shalt  }
0x7e: {  	_ =	shalt  }
0x7f: {  	_ =	shalt  }
0x80: {  	_ =	shalt  }
0x81: {  	_ =	shalt  }
0x82: {  	_ =	shalt  }
0x83: {  	_ =	shalt  }
0x84: {  	_ =	shalt  }
0x85: {  	_ =	shalt  }
0x86: {  	_ =	shalt  }
0x87: {  	_ =	shalt  }
.Lfunc_end0:
.L_simem_size_0:
called_computation_lowered:
.L_overlay_start_0:
0x88: {  	s2 =	sld [smem:$0x3FD9]  }
0x89: {  	s3 =	sld [smem:$0x3FFE];
	_ =	sdelay $0x1  }
0x8a: {  	s1 =	srdreg.scid  }
0x8b: {  	s0 =	sand.u32 $0x1, s1  }
0x8c: {  	s17 =	sshll.u32 s0, $0xA;
	s2 =	sadd.s32 s3, s2  }
0x8d: {  	s2 =	sadd.s32 s2, s17  }
0x8e: {  	[smem:$0x3FC2] =	sst s2  }
0x8f: {  	_ = 	snop  }
0x90: {  	s2 =	sld [smem:$0x3FD0];
	(tm) =	ssettm $0x1  }
0x91: {  	s18 =	sld [smem:$0x3FFB];
	_ =	sdelay $0x3  }
0x92: {  	_ =	strace s18  }
0x93: {  	s3 =	sld [smem:$0x3FFC];
	_ =	sdelay $0x3  }
0x94: {  	_ =	strace s3  }
0x95: {  	s3 =	sld [smem:$0x3FFD];
	_ =	sdelay $0x3  }
0x96: {  	_ =	strace s3  }
0x97: {  	_ =	strace $0x8FFFFFFF  }
0x98: {  	s19 =	sld [smem:$0x3FDB];
	_ =	sdelay $0x1  }
0x99: {  	s4 =	simm.s32 $_scs_section_size  }
0x9a: {  	s5 =	simm.s32 $_size__tile_overlayer_lowered;
	s6 =	simm.s32 $_tile_overlayer_lowered  }
0x9b: {  	s22 =	simm.s32 $0x1BFF;
	s21 =	sshll.u32 s6, $0x1;
	s3 =	sadd.s32 s4, s19  }
0x9c: {  	s7 =	simm.s32 $0x0;
	s20 =	sshll.u32 s5, $0x1;
	s5 =	sadd.s32 s21, s3  }
0x9d: {  	[timem:s7], [sflag:s22] =	dma.local [hbm:s5], s20  }
0x9e: {  	_ =	swait.ge [sflag:s22], s20  }
0x9f: {  	s4 =	ssub.s32 $0x0, s20;
	[sflag:s22] =	ssyncset.done $0x0  }
0xa0: {  	[sflag:s22] =	ssyncadd.s32 s4;
	_ =	sdelay $0x1  }
0xa1: {  	s23 =	simm.s32 $0x1B8B  }
0xa2: {  	_ =	swait.ge [sflag:s23], $0x1  }
0xa3: {  	[sflag:s23] =	ssyncset.done $0x0  }
0xa4: {  	s25 =	simm.s32 $0x1B8E;
	s24 =	sld [smem:$0x3FFE];
	[sflag:s23] =	ssyncadd.s32 $0xFFFFFFFF  }
0xa5: {  	s26 =	simm.s32 $execute0_lowered;
	[smem:$0x3FD2] =	sst s25  }
0xa6: {  	s5 =	sshll.u32 s26, $0x1;
	_ =	strace $0x80000046;
	[dreg:$0x1] =	wrdreg $0xFFFFFFFF  }
0xa7: {  	s28 =	simm.s32 $_size_execute0_lowered;
	s3 =	sadd.s32 s3, s5;
	[dreg:$0x0] =	wrdreg $0x0  }
0xa8: {  	s5 =	sshll.u32 s28, $0x1;
	[dreg:$0x2] =	wrdreg s3  }
0xa9: {  	[dreg:$0x3] =	wrdreg s5  }
0xaa: {  	[dreg:$0x4] =	wrdreg $0xC0  }
0xab: {  	_ =	task [dreg:s7], $0x5FFFF  }
0xac: {  	[dreg:$0x1] =	wrdreg $0xFFFFFFFF  }
0xad: {  	[dreg:$0x0] =	wrdreg $0x60  }
0xae: {  	[dreg:$0x2] =	wrdreg s2  }
0xaf: {  	[dreg:$0x3] =	wrdreg s24  }
0xb0: {  	[dreg:$0x4] =	wrdreg $0x30000  }
0xb1: {  	[dreg:$0x5] =	wrdreg $0x9  }
0xb2: {  	_ =	task.clear_ibuf [dreg:s7], $0x6FFFF;
	_ =	strace $0x90000046  }
0xb3: {  	s29 =	simm.s32 $0x9;
	_ =	strace $0x80000048  }
0xb4: {  	_ =	swait.ge [sflag:s29], $0x1  }
0xb5: {  	[sflag:s29] =	ssyncadd.s32 $0xFFFFFFFF  }
0xb6: {  	_ =	strace $0x90000048  }
0xb7: {  	_ =	sfence  }
0xb8: {  	s30 =	sld [smem:$0x0];
	_ =	sdelay $0x2  }
0xb9: {  	s31 =	sshll.u32 s1, $0xD;
	s1 =	sshrl.u32 s1, $0x2  }
0xba: {  	s3 =	sand.u32 $0x4000, s31;
	s1 =	sadd.s32 s1, s30  }
0xbb: {  	s0 =	sor.u32 s3, s0;
	s1 =	sshll.u32 s1, $0x11  }
0xbc: {  	s0 =	sor.u32 s1, s0  }
0xbd: {  	s0 =	sadd.s32 $0x8F2B, s0  }
0xbe: {  	[sflag:s0] =	ssyncadd.remote.s32 $0x1  }
0xbf: {  	_ =	sfence.sel $0xFFFF  }
0xc0: {  	[dreg:$0x0] =	wrdreg $0xFFFFFFFF;
	(pc) =	sbr.abs _section_cstart, $3  }
0xc1: {  	[dreg:$0x1] =	wrdreg $0xFFFFFFFF  }
0xc2: {  	_ =	task.clear_ibuf [dreg:s7], $0x2FFFF;
	_ =	strace $0x9FFFFFFF  }
0xc3: {  	(tm) =	ssettm $0x7FFFFFFF  }
tec
execute0_lowered:
.L_overlay_start_1:
0x0: {  	(tag) =	ssettag $0x1  }
0x1: {  	s6 =	rddreg [dreg:$0x0]  }
0x2: {  	s4 =	rddreg [dreg:$0x1]  }
0x3: {  	s0 =	stileid.u32;
	s1 =	srdreg.scid  }
0x4: {  	s2 =	rddreg [dreg:$0x2];
	s3 =	simm.s32 $0x0;
	s13 =	simm.s32 $0x1  }
0x5: {  	s14 =	simm.s32 $0x0;
	s7 =	sand.u32 $0x1, s1;
	s1 =	rddreg [dreg:$0x3]  }
0x6: {  	s5 =	smul.u32 $0x2800, s0;
	[smem:$0x7FF] =	sst s3;
	s12 =	sshll.u32 s0, $0x6  }
0x7: {  	s8 =	smul.u32 $0x28000, s7;
	_ =	strace $0x80000047;
	s10 =	ssub.s32 $0x2, s7  }
0x8: {  	p0 =	seq.s32 s7, $0x0;
	s9 =	sshrl.u32 s5, $0x3;
	s31 =	sshrl.u32 s10, $0x1  }
0x9: {  	s7 =	sadd.s32 $0x28000, s5;
	s11 =	sadd.s32 s5, s2;
	s8 =	sadd.s32 s5, s8  }
0xa: {  	s9 =	sadd.s32 s9, s4;
	s10 =	ssub.s32 s10, s31;
	s7 =	smov.u32 @p0 s5  }
0xb: {  	s5 =	sor.u32 $0x1C02, s12;
	s12 =	simm.s32 $0x2800;
	s8 =	sshrl.u32 s8, $0x3  }
0xc: {  	s7 =	sshrl.u32 s7, $0x3;
	s8 =	sadd.s32 s8, s4;
	s4 =	sadd.s32 $0x1600, s9  }
0xd: {  	s6 =	sadd.s32 s6, s7;
	s9 =	sshrl.u32 s11, $0x3;
	s11 =	simm.s32 $0x80  }
0xe: {  	v0 =	vimm.f32 $1.000000000e+00;
	s7 =	sadd.s32 $0x6600, s8;
	s8 =	smax.u32 s10, $0x1;
	s10 =	simm.s32 $0x2  }
.LBB2_1:
0xf: {  	[spmem:s9], [sflag:s5] =	dma.local [hbm:s4], $0x500  }
0x10: {  	_ =	swait.ge [sflag:s10], $0x500  }
0x11: {  	[sflag:s10] =	ssyncset.done $0x0  }
0x12: {  	[sflag:s10] =	ssyncadd.s32 $0xFFFFFB00  }
0x13: {  	[tilespmem:s3], [sflag:$0x2] =	stream.linear.gather [hbm4b:s6+s3], $0x2800, $0x38;
	[tilespmem:$0x5800] =	vst v63  }
0x14: {  	_ =	swait.ge [sflag:s10], $0x2800  }
0x15: {  	[sflag:s10] =	ssyncset.done $0x0  }
0x16: {  	[sflag:s10] =	ssyncadd.s32 $0xFFFFD800  }
0x17: {  	[tilespmem:$0x2800] =	vst v0  }
0x18: {  	[tilespmem:$0x2810] =	vst v0  }
0x19: {  	[tilespmem:$0x2820] =	vst v0  }
0x1a: {  	[tilespmem:$0x2830] =	vst v0  }
0x1b: {  	[tilespmem:$0x2840] =	vst v0  }
0x1c: {  	[tilespmem:$0x2850] =	vst v0  }
0x1d: {  	[tilespmem:$0x2860] =	vst v0  }
0x1e: {  	[tilespmem:$0x2870] =	vst v0  }
0x1f: {  	[tilespmem:$0x2880] =	vst v0  }
0x20: {  	[tilespmem:$0x2890] =	vst v0  }
0x21: {  	[tilespmem:$0x28A0] =	vst v0  }
0x22: {  	[tilespmem:$0x28B0] =	vst v0  }
0x23: {  	[tilespmem:$0x28C0] =	vst v0  }
0x24: {  	[tilespmem:$0x28D0] =	vst v0  }
0x25: {  	[tilespmem:$0x28E0] =	vst v0  }
0x26: {  	[tilespmem:$0x28F0] =	vst v0  }
0x27: {  	[tilespmem:$0x2900] =	vst v0  }
0x28: {  	[tilespmem:$0x2910] =	vst v0  }
0x29: {  	[tilespmem:$0x2920] =	vst v0  }
0x2a: {  	[tilespmem:$0x2930] =	vst v0  }
0x2b: {  	[tilespmem:$0x2940] =	vst v0  }
0x2c: {  	[tilespmem:$0x2950] =	vst v0  }
0x2d: {  	[tilespmem:$0x2960] =	vst v0  }
0x2e: {  	[tilespmem:$0x2970] =	vst v0  }
0x2f: {  	[tilespmem:$0x2980] =	vst v0  }
0x30: {  	[tilespmem:$0x2990] =	vst v0  }
0x31: {  	[tilespmem:$0x29A0] =	vst v0  }
0x32: {  	[tilespmem:$0x29B0] =	vst v0  }
0x33: {  	[tilespmem:$0x29C0] =	vst v0  }
0x34: {  	[tilespmem:$0x29D0] =	vst v0  }
0x35: {  	[tilespmem:$0x29E0] =	vst v0  }
0x36: {  	[tilespmem:$0x29F0] =	vst v0  }
0x37: {  	[tilespmem:$0x2A00] =	vst v0  }
0x38: {  	[tilespmem:$0x2A10] =	vst v0  }
0x39: {  	[tilespmem:$0x2A20] =	vst v0  }
0x3a: {  	[tilespmem:$0x2A30] =	vst v0  }
0x3b: {  	[tilespmem:$0x2A40] =	vst v0  }
0x3c: {  	[tilespmem:$0x2A50] =	vst v0  }
0x3d: {  	[tilespmem:$0x2A60] =	vst v0  }
0x3e: {  	[tilespmem:$0x2A70] =	vst v0  }
0x3f: {  	[tilespmem:$0x2A80] =	vst v0  }
0x40: {  	[tilespmem:$0x2A90] =	vst v0  }
0x41: {  	[tilespmem:$0x2AA0] =	vst v0  }
0x42: {  	[tilespmem:$0x2AB0] =	vst v0  }
0x43: {  	[tilespmem:$0x2AC0] =	vst v0  }
0x44: {  	[tilespmem:$0x2AD0] =	vst v0  }
0x45: {  	[tilespmem:$0x2AE0] =	vst v0  }
0x46: {  	[tilespmem:$0x2AF0] =	vst v0  }
0x47: {  	[tilespmem:$0x2B00] =	vst v0  }
0x48: {  	[tilespmem:$0x2B10] =	vst v0  }
0x49: {  	[tilespmem:$0x2B20] =	vst v0  }
0x4a: {  	[tilespmem:$0x2B30] =	vst v0  }
0x4b: {  	[tilespmem:$0x2B40] =	vst v0  }
0x4c: {  	[tilespmem:$0x2B50] =	vst v0  }
0x4d: {  	[tilespmem:$0x2B60] =	vst v0  }
0x4e: {  	[tilespmem:$0x2B70] =	vst v0  }
0x4f: {  	[tilespmem:$0x2B80] =	vst v0  }
0x50: {  	[tilespmem:$0x2B90] =	vst v0  }
0x51: {  	[tilespmem:$0x2BA0] =	vst v0  }
0x52: {  	[tilespmem:$0x2BB0] =	vst v0  }
0x53: {  	[tilespmem:$0x2BC0] =	vst v0  }
0x54: {  	[tilespmem:$0x2BD0] =	vst v0  }
0x55: {  	[tilespmem:$0x2BE0] =	vst v0  }
0x56: {  	[tilespmem:$0x2BF0] =	vst v0  }
0x57: {  	[tilespmem:$0x2C00] =	vst v0  }
0x58: {  	[tilespmem:$0x2C10] =	vst v0  }
0x59: {  	[tilespmem:$0x2C20] =	vst v0  }
0x5a: {  	[tilespmem:$0x2C30] =	vst v0  }
0x5b: {  	[tilespmem:$0x2C40] =	vst v0  }
0x5c: {  	[tilespmem:$0x2C50] =	vst v0  }
0x5d: {  	[tilespmem:$0x2C60] =	vst v0  }
0x5e: {  	[tilespmem:$0x2C70] =	vst v0  }
0x5f: {  	[tilespmem:$0x2C80] =	vst v0  }
0x60: {  	[tilespmem:$0x2C90] =	vst v0  }
0x61: {  	[tilespmem:$0x2CA0] =	vst v0  }
0x62: {  	[tilespmem:$0x2CB0] =	vst v0  }
0x63: {  	[tilespmem:$0x2CC0] =	vst v0  }
0x64: {  	[tilespmem:$0x2CD0] =	vst v0  }
0x65: {  	[tilespmem:$0x2CE0] =	vst v0  }
0x66: {  	[tilespmem:$0x2CF0] =	vst v0  }
0x67: {  	[tilespmem:$0x2D00] =	vst v0  }
0x68: {  	[tilespmem:$0x2D10] =	vst v0  }
0x69: {  	[tilespmem:$0x2D20] =	vst v0  }
0x6a: {  	[tilespmem:$0x2D30] =	vst v0  }
0x6b: {  	[tilespmem:$0x2D40] =	vst v0  }
0x6c: {  	[tilespmem:$0x2D50] =	vst v0  }
0x6d: {  	[tilespmem:$0x2D60] =	vst v0  }
0x6e: {  	[tilespmem:$0x2D70] =	vst v0  }
0x6f: {  	[tilespmem:$0x2D80] =	vst v0  }
0x70: {  	[tilespmem:$0x2D90] =	vst v0  }
0x71: {  	[tilespmem:$0x2DA0] =	vst v0  }
0x72: {  	[tilespmem:$0x2DB0] =	vst v0  }
0x73: {  	[tilespmem:$0x2DC0] =	vst v0  }
0x74: {  	[tilespmem:$0x2DD0] =	vst v0  }
0x75: {  	[tilespmem:$0x2DE0] =	vst v0  }
0x76: {  	[tilespmem:$0x2DF0] =	vst v0  }
0x77: {  	[tilespmem:$0x2E00] =	vst v0  }
0x78: {  	[tilespmem:$0x2E10] =	vst v0  }
0x79: {  	[tilespmem:$0x2E20] =	vst v0  }
0x7a: {  	[tilespmem:$0x2E30] =	vst v0  }
0x7b: {  	[tilespmem:$0x2E40] =	vst v0  }
0x7c: {  	[tilespmem:$0x2E50] =	vst v0  }
0x7d: {  	[tilespmem:$0x2E60] =	vst v0  }
0x7e: {  	[tilespmem:$0x2E70] =	vst v0  }
0x7f: {  	[tilespmem:$0x2E80] =	vst v0  }
0x80: {  	[tilespmem:$0x2E90] =	vst v0  }
0x81: {  	[tilespmem:$0x2EA0] =	vst v0  }
0x82: {  	[tilespmem:$0x2EB0] =	vst v0  }
0x83: {  	[tilespmem:$0x2EC0] =	vst v0  }
0x84: {  	[tilespmem:$0x2ED0] =	vst v0  }
0x85: {  	[tilespmem:$0x2EE0] =	vst v0  }
0x86: {  	[tilespmem:$0x2EF0] =	vst v0  }
0x87: {  	[tilespmem:$0x2F00] =	vst v0  }
0x88: {  	[tilespmem:$0x2F10] =	vst v0  }
0x89: {  	[tilespmem:$0x2F20] =	vst v0  }
0x8a: {  	[tilespmem:$0x2F30] =	vst v0  }
0x8b: {  	[tilespmem:$0x2F40] =	vst v0  }
0x8c: {  	[tilespmem:$0x2F50] =	vst v0  }
0x8d: {  	[tilespmem:$0x2F60] =	vst v0  }
0x8e: {  	[tilespmem:$0x2F70] =	vst v0  }
0x8f: {  	[tilespmem:$0x2F80] =	vst v0  }
0x90: {  	[tilespmem:$0x2F90] =	vst v0  }
0x91: {  	[tilespmem:$0x2FA0] =	vst v0  }
0x92: {  	[tilespmem:$0x2FB0] =	vst v0  }
0x93: {  	[tilespmem:$0x2FC0] =	vst v0  }
0x94: {  	[tilespmem:$0x2FD0] =	vst v0  }
0x95: {  	[tilespmem:$0x2FE0] =	vst v0  }
0x96: {  	[tilespmem:$0x2FF0] =	vst v0  }
0x97: {  	s15 =	simm.s32 $0x0;
	[bflag:$0x0] =	sbarrier.arrive $0xFFFF  }
.LBB2_2:
0x98: {  	p0 =	sne.s32 s15, $0x9E00  }
.Ltmp0:
0x99: {  	_ = 	snop;
	(pc) =	sbr.rel @p0 .LBB2_2-.Ltmp0, $3  }
0x9a: {  	_ =	sdelay $0x1  }
0x9b: {  	s16 =	sshra.s32 s15, $0x2;
	s15 =	sadd.s32 $0x200, s15  }
0x9c: {  	[spmem:s2] =	stream.indirect.scatter.add.f32 [tilespmem:s12], [sflag:$0x1], $0x10, s16, s11, $0xb8;
	[tilespmem:$0x5800] =	vst v63  }
0x9d: {  	_ =	swait.ge [sflag:s13], $0x800  }
0x9e: {  	s15 =	simm.s32 $0x4F;
	[sflag:s13] =	ssyncset.done $0x0  }
.LBB2_4:
0x9f: {  	p0 =	sne.s32 s15, $0x1;
	s15 =	sadd.s32 $0xFFFFFFFF, s15;
	[sflag:s13] =	ssyncadd.s32 $0xFFFFF800  }
.Ltmp1:
0xa0: {  	(pc) =	sbr.rel @p0 .LBB2_4-.Ltmp1, $3  }
0xa1: {  	_ =	sdelay $0x1  }
0xa2: {  	_ =	swait.ge [sflag:s13], $0x800  }
0xa3: {  	[sflag:s13] =	ssyncset.done $0x0  }
0xa4: {  	s14 =	sadd.s32 $0x1, s14  }
0xa5: {  	[sflag:s13] =	ssyncadd.s32 $0xFFFFF800;
	p0 =	sne.s32 s14, s8  }
.Ltmp2:
0xa6: {  	[bflag:$0x0] =	sbarrier.arrive $0xFFFF;
	(pc) =	sbr.rel @p0 .LBB2_1-.Ltmp2, $4  }
0xa7: {  	[hbm:s7], [sflag:s5] =	dma.local [spmem:s9], $0x500  }
0xa8: {  	_ =	swait.ge [sflag:s10], $0x500  }
0xa9: {  	[sflag:s10] =	ssyncset.done $0x0  }
0xaa: {  	[sflag:s10] =	ssyncadd.s32 $0xFFFFFB00  }
0xab: {  	_ =	sfence.sel $0x180000  }
0xac: {  	[bflag:$0x0] =	sbarrier.arrive $0xFFFF  }
0xad: {  	p0 =	sne.s32 s0, $0x0;
	_ =	strace $0x90000047  }
0xae: {  	s0 =	sadd.s32 @!p0 $0x100000, s1;
	[bflag:$0x2] =	sbarrier.arrive $0xFFFF  }
0xaf: {  	[sflag:s0] =	ssyncadd.tile.s32 @!p0 $0x1;
	_ =	shalt  }
.Lfunc_end2:
_tile_overlayer_lowered:
.L_overlay_start_2:
0xb0: {  	(tag) =	ssettag $0x2  }
0xb1: {  	s0 =	rddreg [dreg:$0x0];
	s2 =	stileid.u32  }
0xb2: {  	s1 =	rddreg [dreg:$0x1];
	p0 =	sne.s32 s2, $0x0  }
0xb3: {  	s3 =	rddreg [dreg:$0x2];
	[bflag:$0x3] =	sbarrier.arrive $0xFFFF;
	s2 =	simm.s32 @!p0 $0x1C02  }
0xb4: {  	[timem:s3], [sflag:s2] =	dma.local @!p0 [hbm:s0], s1  }
0xb5: {  	s0 =	simm.s32 @!p0 $0x2  }
0xb6: {  	_ =	swait.ge @!p0 [sflag:s0], s1  }
0xb7: {  	s1 =	ssub.s32 @!p0 $0x0, s1;
	[sflag:s0] =	ssyncset.done @!p0 $0x0  }
0xb8: {  	[sflag:s0] =	ssyncadd.s32 @!p0 s1  }
0xb9: {  	[bflag:$0x3] =	sbarrier.arrive $0xFFFF  }
0xba: {  	_ =	shalt  }

</sc_bundles>
